<compile_context>
chip_gen: v7x
topology: tpu7x:2x2x1
jax: 0.10.2.dev20260603
libtpu: 0.0.44.dev20260713+nightly
codegen_flags: <defaults>
</compile_context>

<pallas_src>
import functools

import jax
import jax.numpy as jnp
from jax import lax
from jax.experimental import pallas as pl
from jax.experimental.pallas import tpu as pltpu
from jax.experimental.pallas import tpu_sc as plsc

N = 10000
E = 320000
NC, NS = 2, 16
NW = NC * NS
EW = E // NW
B = 100
NB = EW // B
RPS = N // NS
BN = 1000

_MESH = plsc.VectorSubcoreMesh(core_axis_name="c", subcore_axis_name="s")



@functools.partial(
    pl.kernel,
    out_type=jax.ShapeDtypeStruct((NW, N), jnp.float32),
    mesh=_MESH,
    scratch_types=[pltpu.VMEM((EW,), jnp.int32), pltpu.VMEM((N,), jnp.float32)],
    compiler_params=pltpu.CompilerParams(needs_layout_passes=False),
)
def _deg_hist(dst_hbm, hist_hbm, idx_v, hist_v):
    w = lax.axis_index("s") * NC + lax.axis_index("c")
    pltpu.sync_copy(dst_hbm.at[w], idx_v)
    zeros = jnp.zeros((16,), jnp.float32)
    ones = jnp.ones((16,), jnp.float32)

    def zero_body(i, carry):
        hist_v[pl.ds(i * 16, 16)] = zeros
        return carry

    lax.fori_loop(0, N // 16, zero_body, 0)

    def acc_body(i, carry):
        d = idx_v[pl.ds(i * 16, 16)]
        plsc.addupdate_scatter(hist_v, [d], ones)
        return carry

    lax.fori_loop(0, EW // 16, acc_body, 0)
    pltpu.sync_copy(hist_v, hist_hbm.at[w])


def _make_agg(C, Fc):

    def body(*refs):
        ztabs = refs[:C]
        src3, dst3, zrow = refs[C:C + 3]
        p_out = refs[C + 3]
        ivs, ivd, rows0, rows1, sem0, sem1, acc = refs[C + 4:]
        rows = (rows0, rows1)
        sems = (sem0, sem1)
        cc = lax.axis_index("c")
        ss = lax.axis_index("s")
        w = ss * NC + cc
        pltpu.sync_copy(src3.at[w], ivs)
        pltpu.sync_copy(dst3.at[w], ivd)
        for c in range(C):
            zt = ztabs[c]
            pltpu.sync_copy(zrow, acc.at[pl.ds(ss * RPS, RPS)])
            plsc.subcore_barrier()

            pltpu.async_copy(zt.at[ivs.at[0]], rows0, sem0)

            def outer(g, carry):
                for b in range(2):
                    jj = g * 2 + b

                    @pl.when(jj + 1 < NB)
                    def _prefetch():
                        pltpu.async_copy(zt.at[ivs.at[jj + 1]],
                                         rows[1 - b], sems[1 - b])

                    pltpu.make_async_copy(zt.at[ivs.at[jj]],
                                          rows[b], sems[b]).wait()
                    pltpu.sync_copy(rows[b], acc.at[ivd.at[jj]], add=True)
                return carry

            lax.fori_loop(0, NB // 2, outer, 0)
            plsc.subcore_barrier()
            pltpu.sync_copy(acc.at[pl.ds(ss * RPS, RPS)],
                            p_out.at[cc, c, pl.ds(ss * RPS, RPS)])

    return pl.kernel(
        body,
        out_type=jax.ShapeDtypeStruct((NC, C, N, Fc), jnp.float32),
        mesh=_MESH,
        compiler_params=pltpu.CompilerParams(use_tc_tiling_on_sc=False),
        scratch_types=[
            pltpu.VMEM((NB, B), jnp.int32),
            pltpu.VMEM((NB, B), jnp.int32),
            pltpu.VMEM((B, Fc), jnp.float32),
            pltpu.VMEM((B, Fc), jnp.float32),
            pltpu.SemaphoreType.DMA,
            pltpu.SemaphoreType.DMA,
            pltpu.VMEM_SHARED((N, Fc), jnp.float32),
        ],
    )


_agg_l1 = _make_agg(1, 128)
_agg_l2 = _make_agg(4, 128)
_agg_l3 = _make_agg(2, 128)
_agg_l4 = _make_agg(1, 64)



def _tc_prep(hist_t, x):
    def body(h_ref, x_ref, dinv_ref, z_ref):
        deg = jnp.sum(h_ref[...], axis=1, keepdims=True) + 1.0
        dv = lax.rsqrt(deg)
        dinv_ref[...] = dv
        z_ref[...] = x_ref[...] * dv

    return pl.pallas_call(
        body,
        grid=(N // BN,),
        in_specs=[pl.BlockSpec((BN, NW), lambda i: (i, 0)),
                  pl.BlockSpec((BN, 128), lambda i: (i, 0))],
        out_specs=[pl.BlockSpec((BN, 1), lambda i: (i, 0)),
                   pl.BlockSpec((BN, 128), lambda i: (i, 0))],
        out_shape=[jax.ShapeDtypeStruct((N, 1), jnp.float32),
                   jax.ShapeDtypeStruct((N, 128), jnp.float32)],
    )(hist_t, x)


def _tc_l1(p1, z1, dinv, w1, b1):
    def body(p_ref, z_ref, d_ref, w_ref, b_ref, o_ref):
        s = p_ref[0, 0] + p_ref[1, 0] + z_ref[...]
        y = s * d_ref[...]
        h = jnp.dot(y, w_ref[...], preferred_element_type=jnp.float32)
        h = jnp.maximum(h + b_ref[...], 0.0)
        o_ref[0] = h * d_ref[...]

    return pl.pallas_call(
        body,
        grid=(N // BN, 4),
        in_specs=[pl.BlockSpec((2, 1, BN, 128), lambda i, j: (0, 0, i, 0)),
                  pl.BlockSpec((BN, 128), lambda i, j: (i, 0)),
                  pl.BlockSpec((BN, 1), lambda i, j: (i, 0)),
                  pl.BlockSpec((128, 128), lambda i, j: (0, j)),
                  pl.BlockSpec((128,), lambda i, j: (j,))],
        out_specs=pl.BlockSpec((1, BN, 128), lambda i, j: (j, i, 0)),
        out_shape=jax.ShapeDtypeStruct((4, N, 128), jnp.float32),
    )(p1, z1, dinv, w1, b1)


def _tc_l2(p2, z2tab, dinv, w2, b2, w3):
    def body(p_ref, z_ref, d_ref, w2_ref, b2_ref, w3_ref, o_ref):
        dv = d_ref[...]
        w2m = w2_ref[...]
        acc = jnp.zeros((BN, 512), jnp.float32)
        for c in range(4):
            s = p_ref[0, c] + p_ref[1, c] + z_ref[c]
            acc = acc + jnp.dot(s * dv, w2m[c * 128:(c + 1) * 128, :],
                                preferred_element_type=jnp.float32)
        h2 = jnp.maximum(acc + b2_ref[...], 0.0)
        g3 = jnp.dot(h2, w3_ref[...], preferred_element_type=jnp.float32)
        z3 = g3 * dv
        o_ref[0] = z3[:, :128]
        o_ref[1] = z3[:, 128:]

    return pl.pallas_call(
        body,
        grid=(N // BN,),
        in_specs=[pl.BlockSpec((2, 4, BN, 128), lambda i: (0, 0, i, 0)),
                  pl.BlockSpec((4, BN, 128), lambda i: (0, i, 0)),
                  pl.BlockSpec((BN, 1), lambda i: (i, 0)),
                  pl.BlockSpec((512, 512), lambda i: (0, 0)),
                  pl.BlockSpec((512,), lambda i: (0,)),
                  pl.BlockSpec((512, 256), lambda i: (0, 0))],
        out_specs=pl.BlockSpec((2, BN, 128), lambda i: (0, i, 0)),
        out_shape=jax.ShapeDtypeStruct((2, N, 128), jnp.float32),
    )(p2, z2tab, dinv, w2, b2, w3)


def _tc_l3(p3, z3tab, dinv, b3, w4):
    def body(p_ref, z_ref, d_ref, b3_ref, w4_ref, o_ref):
        dv = d_ref[...]
        b3v = b3_ref[...]
        w4m = w4_ref[...]
        g4 = jnp.zeros((BN, 64), jnp.float32)
        for c in range(2):
            s = p_ref[0, c] + p_ref[1, c] + z_ref[c]
            h3c = jnp.maximum(s * dv + b3v[c * 128:(c + 1) * 128], 0.0)
            g4 = g4 + jnp.dot(h3c, w4m[c * 128:(c + 1) * 128, :],
                              preferred_element_type=jnp.float32)
        o_ref[...] = g4 * dv

    return pl.pallas_call(
        body,
        grid=(N // BN,),
        in_specs=[pl.BlockSpec((2, 2, BN, 128), lambda i: (0, 0, i, 0)),
                  pl.BlockSpec((2, BN, 128), lambda i: (0, i, 0)),
                  pl.BlockSpec((BN, 1), lambda i: (i, 0)),
                  pl.BlockSpec((256,), lambda i: (0,)),
                  pl.BlockSpec((256, 64), lambda i: (0, 0))],
        out_specs=pl.BlockSpec((BN, 64), lambda i: (i, 0)),
        out_shape=jax.ShapeDtypeStruct((N, 64), jnp.float32),
    )(p3, z3tab, dinv, b3, w4)


def _tc_l4(p4, z4, dinv, b4):
    def body(p_ref, z_ref, d_ref, b4_ref, o_ref):
        s = p_ref[0, 0] + p_ref[1, 0] + z_ref[...]
        o_ref[...] = jnp.maximum(s * d_ref[...] + b4_ref[...], 0.0)

    return pl.pallas_call(
        body,
        grid=(N // BN,),
        in_specs=[pl.BlockSpec((2, 1, BN, 64), lambda i: (0, 0, i, 0)),
                  pl.BlockSpec((BN, 64), lambda i: (i, 0)),
                  pl.BlockSpec((BN, 1), lambda i: (i, 0)),
                  pl.BlockSpec((64,), lambda i: (0,))],
        out_specs=pl.BlockSpec((BN, 64), lambda i: (i, 0)),
        out_shape=jax.ShapeDtypeStruct((N, 64), jnp.float32),
    )(p4, z4, dinv, b4)



def kernel(x, edge_index, W1, b1, W2, b2, W3, b3, W4, b4):
    ei = edge_index.astype(jnp.int32)
    src3 = ei[0].reshape(NW, NB, B)
    dst3 = ei[1].reshape(NW, NB, B)
    dst2 = ei[1].reshape(NW, EW)
    zrow128 = jnp.zeros((RPS, 128), jnp.float32)
    zrow64 = jnp.zeros((RPS, 64), jnp.float32)

    hist = _deg_hist(dst2)
    dinv, z1 = _tc_prep(hist.T, x)

    p1 = _agg_l1(z1, src3, dst3, zrow128)
    z2tab = _tc_l1(p1, z1, dinv, W1, b1)

    p2 = _agg_l2(z2tab[0], z2tab[1], z2tab[2], z2tab[3], src3, dst3, zrow128)
    z3tab = _tc_l2(p2, z2tab, dinv, W2, b2, W3)

    p3 = _agg_l3(z3tab[0], z3tab[1], src3, dst3, zrow128)
    z4 = _tc_l3(p3, z3tab, dinv, b3, W4)

    p4 = _agg_l4(z4, src3, dst3, zrow64)
    return _tc_l4(p4, z4, dinv, b4)

# --- scband reference (transcript-rebuilt; emitter-appended) ---
"""Pipeline reference for scband-gcn-52733608460995 (READ-ONLY COPY).

The authoritative reference and input builder live on the scoring server;
editing this copy changes nothing except your own understanding.
"""

import jax, jax.numpy as jnp
import numpy as np

N_NODES = 10000


def gcn_conv(x, edge_index, W, b):
    n = x.shape[0]
    src = edge_index[0]
    dst = edge_index[1]
    loop = jnp.arange(n, dtype=edge_index.dtype)
    src = jnp.concatenate([src, loop])
    dst = jnp.concatenate([dst, loop])
    # symmetric normalization with unit edge weights (PyG default)
    deg = jnp.zeros((n,), dtype=x.dtype).at[dst].add(1.0)
    deg_inv_sqrt = jnp.where(deg > 0, 1.0 / jnp.sqrt(deg), 0.0)
    norm = deg_inv_sqrt[src] * deg_inv_sqrt[dst]
    h = x @ W
    msg = h[src] * norm[:, None]
    out = jnp.zeros((n, W.shape[1]), dtype=x.dtype).at[dst].add(msg)
    return out + b


def setup_inputs(seed: int = 0) -> dict:
    key = jax.random.key(seed)
    ks = jax.random.split(key, 10)
    m, m_y, hidden = 128, 64, 256
    x = jax.random.normal(ks[0], (N_NODES, m), dtype=jnp.float32)
    edge_index = jax.random.randint(ks[1], (2, 320000), 0, N_NODES, dtype=jnp.int64)
    def glorot(k, fan_in, fan_out):
        lim = float(np.sqrt(6.0 / (fan_in + fan_out)))
        return jax.random.uniform(k, (fan_in, fan_out), dtype=jnp.float32, minval=-lim, maxval=lim)
    W1 = glorot(ks[2], m, 2 * hidden)
    b1 = jnp.zeros((2 * hidden,), dtype=jnp.float32)
    W2 = glorot(ks[3], 2 * hidden, 2 * hidden)
    b2 = jnp.zeros((2 * hidden,), dtype=jnp.float32)
    W3 = glorot(ks[4], 2 * hidden, hidden)
    b3 = jnp.zeros((hidden,), dtype=jnp.float32)
    W4 = glorot(ks[5], hidden, m_y)
    b4 = jnp.zeros((m_y,), dtype=jnp.float32)
    return {"x": x, "edge_index": edge_index, "W1": W1, "b1": b1, "W2": W2, "b2": b2, "W3": W3, "b3": b3, "W4": W4, "b4": b4}


def reference(x, edge_index, W1, b1, W2, b2, W3, b3, W4, b4):
    # eval mode: dropout is identity
    out = gcn_conv(x, edge_index, W1, b1)
    out = jax.nn.relu(out)
    out = gcn_conv(out, edge_index, W2, b2)
    out = jax.nn.relu(out)
    out = gcn_conv(out, edge_index, W3, b3)
    out = jax.nn.relu(out)
    out = gcn_conv(out, edge_index, W4, b4)
    out = jax.nn.relu(out)
    return out

if __name__ == "__main__":
    import jax
    _d = setup_inputs()
    print(jax.jit(kernel)(*tuple(_d.values())))

</pallas_src>

<mosaic_0001>
#map = affine_map<(d0, d1) -> (0, 0)>
module attributes {stable_mosaic.version = 14 : i64} {
  func.func @_deg_hist(%arg0: i32, %arg1: i32, %arg2: memref<32x10000xi32, #tpu.memory_space<hbm>>, %arg3: memref<32x10000xf32, #tpu.memory_space<hbm>>, %arg4: memref<10000xi32, #tpu.memory_space<vmem>>, %arg5: memref<10000xf32, #tpu.memory_space<vmem>>) attributes {dimension_semantics = [#tpu.dimension_semantics<core_parallel>, #tpu.dimension_semantics<subcore_parallel>], iteration_bounds = array<i64: 2, 16>, scalar_prefetch = 0 : i64, scratch_operands = 2 : i64, tpu.core_type = #tpu.core_type<sc_vector_subcore>, window_params = [{transform_indices = #map}, {transform_indices = #map}]} {
    %mul3A = arith.constant 2 : i32
    %mul3A_0 = arith.muli %arg1, %mul3A : i32
    %add3A = arith.addi %mul3A_0, %arg0 : i32
    "tpu.region"() ({
      %run_scoped3A = tpu.sem_alloc : memref<!tpu.dma_semaphore, #tpu.memory_space<semaphore_mem>>
      %dma_start3A = arith.constant 0 : i32
      %dma_start3A_15 = tpu.memref_slice %arg2[%add3A, %dma_start3A] : memref<32x10000xi32, #tpu.memory_space<hbm>> -> memref<1x10000xi32, #tpu.memory_space<hbm>>
      %dma_start3A_16 = tpu.memref_squeeze %dma_start3A_15 : memref<1x10000xi32, #tpu.memory_space<hbm>> -> memref<10000xi32, #tpu.memory_space<hbm>>
      %dma_start3A_17 = arith.constant 0 : i32
      %dma_start3A_18 = tpu.memref_slice %arg2[%add3A, %dma_start3A_17] : memref<32x10000xi32, #tpu.memory_space<hbm>> -> memref<1x10000xi32, #tpu.memory_space<hbm>>
      %dma_start3A_19 = tpu.memref_squeeze %dma_start3A_18 : memref<1x10000xi32, #tpu.memory_space<hbm>> -> memref<10000xi32, #tpu.memory_space<hbm>>
      tpu.enqueue_dma source(%dma_start3A_19 : memref<10000xi32, #tpu.memory_space<hbm>>) target(%arg4 : memref<10000xi32, #tpu.memory_space<vmem>>) target_semaphore(%run_scoped3A : memref<!tpu.dma_semaphore, #tpu.memory_space<semaphore_mem>>)
      %dma_wait3A = arith.constant 0 : i32
      %dma_wait3A_20 = tpu.memref_slice %arg2[%add3A, %dma_wait3A] : memref<32x10000xi32, #tpu.memory_space<hbm>> -> memref<1x10000xi32, #tpu.memory_space<hbm>>
      %dma_wait3A_21 = tpu.memref_squeeze %dma_wait3A_20 : memref<1x10000xi32, #tpu.memory_space<hbm>> -> memref<10000xi32, #tpu.memory_space<hbm>>
      %dma_wait3A_22 = arith.constant 0 : i32
      %dma_wait3A_23 = tpu.memref_slice %arg2[%add3A, %dma_wait3A_22] : memref<32x10000xi32, #tpu.memory_space<hbm>> -> memref<1x10000xi32, #tpu.memory_space<hbm>>
      %dma_wait3A_24 = tpu.memref_squeeze %dma_wait3A_23 : memref<1x10000xi32, #tpu.memory_space<hbm>> -> memref<10000xi32, #tpu.memory_space<hbm>>
      tpu.wait_dma2 semaphore(%run_scoped3A : memref<!tpu.dma_semaphore, #tpu.memory_space<semaphore_mem>>) src(%dma_wait3A_24 : memref<10000xi32, #tpu.memory_space<hbm>>) dst(%arg4 : memref<10000xi32, #tpu.memory_space<vmem>>)
      tpu.yield
    }) : () -> ()
    %broadcast_in_dim3A = arith.constant 0.000000e+00 : f32
    %broadcast_in_dim3A_1 = vector.broadcast %broadcast_in_dim3A : f32 to vector<16xf32>
    %broadcast_in_dim3A_2 = arith.constant 1.000000e+00 : f32
    %broadcast_in_dim3A_3 = vector.broadcast %broadcast_in_dim3A_2 : f32 to vector<16xf32>
    %scan3A = arith.constant 0 : i32
    %scan3A_4 = arith.constant 0 : i32
    %scan3A_5 = arith.constant 625 : i32
    %scan3A_6 = arith.addi %scan3A_4, %scan3A_5 : i32
    %scan3A_7 = arith.constant 1 : i32
    scf.for %scan3A_15 = %scan3A_4 to %scan3A_6 step %scan3A_7  : i32 {
      %mul3A_16 = arith.constant 16 : i32
      %mul3A_17 = arith.muli %scan3A_15, %mul3A_16 : i32
      %swap3A = arith.index_cast %mul3A_17 : i32 to index
      %swap3A_18 = tpu.vector_load %arg5[%swap3A] {strides = array<i32>} : memref<10000xf32, #tpu.memory_space<vmem>>, vector<16xf32>,
      tpu.vector_store %arg5[%swap3A], %broadcast_in_dim3A_1 {strides = array<i32>} : memref<10000xf32, #tpu.memory_space<vmem>>, vector<16xf32>,
    }
    %scan3A_8 = arith.constant 625 : i32
    %scan3A_9 = arith.constant 0 : i32
    %scan3A_10 = arith.constant 0 : i32
    %scan3A_11 = arith.constant 625 : i32
    %scan3A_12 = arith.addi %scan3A_10, %scan3A_11 : i32
    %scan3A_13 = arith.constant 1 : i32
    scf.for %scan3A_15 = %scan3A_10 to %scan3A_12 step %scan3A_13  : i32 {
      %mul3A_16 = arith.constant 16 : i32
      %mul3A_17 = arith.muli %scan3A_15, %mul3A_16 : i32
      %get3A = arith.index_cast %mul3A_17 : i32 to index
      %get3A_18 = tpu.vector_load %arg4[%get3A] {strides = array<i32>} : memref<10000xi32, #tpu.memory_space<vmem>>, vector<16xi32>,
      tpu.vector_store_idx %arg5[%get3A_18], %broadcast_in_dim3A_3 {add = true} : memref<10000xf32, #tpu.memory_space<vmem>>[vector<16xi32>], vector<16xf32>,
    }
    %scan3A_14 = arith.constant 625 : i32
    "tpu.region"() ({
      %run_scoped3A = tpu.sem_alloc : memref<!tpu.dma_semaphore, #tpu.memory_space<semaphore_mem>>
      %dma_start3A = arith.constant 0 : i32
      %dma_start3A_15 = tpu.memref_slice %arg3[%add3A, %dma_start3A] : memref<32x10000xf32, #tpu.memory_space<hbm>> -> memref<1x10000xf32, #tpu.memory_space<hbm>>
      %dma_start3A_16 = tpu.memref_squeeze %dma_start3A_15 : memref<1x10000xf32, #tpu.memory_space<hbm>> -> memref<10000xf32, #tpu.memory_space<hbm>>
      %dma_start3A_17 = arith.constant 0 : i32
      %dma_start3A_18 = tpu.memref_slice %arg3[%add3A, %dma_start3A_17] : memref<32x10000xf32, #tpu.memory_space<hbm>> -> memref<1x10000xf32, #tpu.memory_space<hbm>>
      %dma_start3A_19 = tpu.memref_squeeze %dma_start3A_18 : memref<1x10000xf32, #tpu.memory_space<hbm>> -> memref<10000xf32, #tpu.memory_space<hbm>>
      tpu.enqueue_dma source(%arg5 : memref<10000xf32, #tpu.memory_space<vmem>>) target(%dma_start3A_19 : memref<10000xf32, #tpu.memory_space<hbm>>) target_semaphore(%run_scoped3A : memref<!tpu.dma_semaphore, #tpu.memory_space<semaphore_mem>>)
      %dma_wait3A = arith.constant 0 : i32
      %dma_wait3A_20 = tpu.memref_slice %arg3[%add3A, %dma_wait3A] : memref<32x10000xf32, #tpu.memory_space<hbm>> -> memref<1x10000xf32, #tpu.memory_space<hbm>>
      %dma_wait3A_21 = tpu.memref_squeeze %dma_wait3A_20 : memref<1x10000xf32, #tpu.memory_space<hbm>> -> memref<10000xf32, #tpu.memory_space<hbm>>
      %dma_wait3A_22 = arith.constant 0 : i32
      %dma_wait3A_23 = tpu.memref_slice %arg3[%add3A, %dma_wait3A_22] : memref<32x10000xf32, #tpu.memory_space<hbm>> -> memref<1x10000xf32, #tpu.memory_space<hbm>>
      %dma_wait3A_24 = tpu.memref_squeeze %dma_wait3A_23 : memref<1x10000xf32, #tpu.memory_space<hbm>> -> memref<10000xf32, #tpu.memory_space<hbm>>
      tpu.wait_dma2 semaphore(%run_scoped3A : memref<!tpu.dma_semaphore, #tpu.memory_space<semaphore_mem>>) src(%arg5 : memref<10000xf32, #tpu.memory_space<vmem>>) dst(%dma_wait3A_24 : memref<10000xf32, #tpu.memory_space<hbm>>)
      tpu.yield
    }) : () -> ()
    return
  }
}

#map = affine_map<(d0, d1) -> (0, 0)>
#map1 = affine_map<(d0, d1) -> (0, 0, 0)>
#map2 = affine_map<(d0, d1) -> (0, 0, 0, 0)>
module attributes {stable_mosaic.version = 14 : i64} {
  func.func @body(%arg0: i32, %arg1: i32, %arg2: memref<10000x128xf32, #tpu.memory_space<hbm>>, %arg3: memref<10000x128xf32, #tpu.memory_space<hbm>>, %arg4: memref<10000x128xf32, #tpu.memory_space<hbm>>, %arg5: memref<10000x128xf32, #tpu.memory_space<hbm>>, %arg6: memref<32x100x100xi32, #tpu.memory_space<hbm>>, %arg7: memref<32x100x100xi32, #tpu.memory_space<hbm>>, %arg8: memref<625x128xf32, #tpu.memory_space<hbm>>, %arg9: memref<2x4x10000x128xf32, #tpu.memory_space<hbm>>, %arg10: memref<100x100xi32, #tpu.memory_space<vmem>>, %arg11: memref<100x100xi32, #tpu.memory_space<vmem>>, %arg12: memref<100x128xf32, #tpu.memory_space<vmem>>, %arg13: memref<100x128xf32, #tpu.memory_space<vmem>>, %arg14: memref<!tpu.dma_semaphore, #tpu.memory_space<semaphore_mem>>, %arg15: memref<!tpu.dma_semaphore, #tpu.memory_space<semaphore_mem>>, %arg16: memref<10000x128xf32, #tpu.memory_space<vmem_shared>>) attributes {dimension_semantics = [#tpu.dimension_semantics<core_parallel>, #tpu.dimension_semantics<subcore_parallel>], iteration_bounds = array<i64: 2, 16>, scalar_prefetch = 0 : i64, scratch_operands = 7 : i64, tpu.core_type = #tpu.core_type<sc_vector_subcore>, window_params = [{transform_indices = #map}, {transform_indices = #map}, {transform_indices = #map}, {transform_indices = #map}, {transform_indices = #map1}, {transform_indices = #map1}, {transform_indices = #map}, {transform_indices = #map2}]} {
    %mul3A = arith.constant 2 : i32
    %mul3A_0 = arith.muli %arg1, %mul3A : i32
    %add3A = arith.addi %mul3A_0, %arg0 : i32
    "tpu.region"() ({
      %run_scoped3A_85 = tpu.sem_alloc : memref<!tpu.dma_semaphore, #tpu.memory_space<semaphore_mem>>
      %dma_start3A_86 = arith.constant 0 : i32
      %dma_start3A_87 = arith.constant 0 : i32
      %dma_start3A_88 = tpu.memref_slice %arg6[%add3A, %dma_start3A_86, %dma_start3A_87] : memref<32x100x100xi32, #tpu.memory_space<hbm>> -> memref<1x100x100xi32, #tpu.memory_space<hbm>>
      %dma_start3A_89 = tpu.memref_squeeze %dma_start3A_88 : memref<1x100x100xi32, #tpu.memory_space<hbm>> -> memref<100x100xi32, #tpu.memory_space<hbm>>
      %dma_start3A_90 = arith.constant 0 : i32
      %dma_start3A_91 = arith.constant 0 : i32
      %dma_start3A_92 = tpu.memref_slice %arg6[%add3A, %dma_start3A_90, %dma_start3A_91] : memref<32x100x100xi32, #tpu.memory_space<hbm>> -> memref<1x100x100xi32, #tpu.memory_space<hbm>>
      %dma_start3A_93 = tpu.memref_squeeze %dma_start3A_92 : memref<1x100x100xi32, #tpu.memory_space<hbm>> -> memref<100x100xi32, #tpu.memory_space<hbm>>
      tpu.enqueue_dma source(%dma_start3A_93 : memref<100x100xi32, #tpu.memory_space<hbm>>) target(%arg10 : memref<100x100xi32, #tpu.memory_space<vmem>>) target_semaphore(%run_scoped3A_85 : memref<!tpu.dma_semaphore, #tpu.memory_space<semaphore_mem>>)
      %dma_wait3A = arith.constant 0 : i32
      %dma_wait3A_94 = arith.constant 0 : i32
      %dma_wait3A_95 = tpu.memref_slice %arg6[%add3A, %dma_wait3A, %dma_wait3A_94] : memref<32x100x100xi32, #tpu.memory_space<hbm>> -> memref<1x100x100xi32, #tpu.memory_space<hbm>>
      %dma_wait3A_96 = tpu.memref_squeeze %dma_wait3A_95 : memref<1x100x100xi32, #tpu.memory_space<hbm>> -> memref<100x100xi32, #tpu.memory_space<hbm>>
      %dma_wait3A_97 = arith.constant 0 : i32
      %dma_wait3A_98 = arith.constant 0 : i32
      %dma_wait3A_99 = tpu.memref_slice %arg6[%add3A, %dma_wait3A_97, %dma_wait3A_98] : memref<32x100x100xi32, #tpu.memory_space<hbm>> -> memref<1x100x100xi32, #tpu.memory_space<hbm>>
      %dma_wait3A_100 = tpu.memref_squeeze %dma_wait3A_99 : memref<1x100x100xi32, #tpu.memory_space<hbm>> -> memref<100x100xi32, #tpu.memory_space<hbm>>
      tpu.wait_dma2 semaphore(%run_scoped3A_85 : memref<!tpu.dma_semaphore, #tpu.memory_space<semaphore_mem>>) src(%dma_wait3A_100 : memref<100x100xi32, #tpu.memory_space<hbm>>) dst(%arg10 : memref<100x100xi32, #tpu.memory_space<vmem>>)
      tpu.yield
    }) : () -> ()
    "tpu.region"() ({
      %run_scoped3A_85 = tpu.sem_alloc : memref<!tpu.dma_semaphore, #tpu.memory_space<semaphore_mem>>
      %dma_start3A_86 = arith.constant 0 : i32
      %dma_start3A_87 = arith.constant 0 : i32
      %dma_start3A_88 = tpu.memref_slice %arg7[%add3A, %dma_start3A_86, %dma_start3A_87] : memref<32x100x100xi32, #tpu.memory_space<hbm>> -> memref<1x100x100xi32, #tpu.memory_space<hbm>>
      %dma_start3A_89 = tpu.memref_squeeze %dma_start3A_88 : memref<1x100x100xi32, #tpu.memory_space<hbm>> -> memref<100x100xi32, #tpu.memory_space<hbm>>
      %dma_start3A_90 = arith.constant 0 : i32
      %dma_start3A_91 = arith.constant 0 : i32
      %dma_start3A_92 = tpu.memref_slice %arg7[%add3A, %dma_start3A_90, %dma_start3A_91] : memref<32x100x100xi32, #tpu.memory_space<hbm>> -> memref<1x100x100xi32, #tpu.memory_space<hbm>>
      %dma_start3A_93 = tpu.memref_squeeze %dma_start3A_92 : memref<1x100x100xi32, #tpu.memory_space<hbm>> -> memref<100x100xi32, #tpu.memory_space<hbm>>
      tpu.enqueue_dma source(%dma_start3A_93 : memref<100x100xi32, #tpu.memory_space<hbm>>) target(%arg11 : memref<100x100xi32, #tpu.memory_space<vmem>>) target_semaphore(%run_scoped3A_85 : memref<!tpu.dma_semaphore, #tpu.memory_space<semaphore_mem>>)
      %dma_wait3A = arith.constant 0 : i32
      %dma_wait3A_94 = arith.constant 0 : i32
      %dma_wait3A_95 = tpu.memref_slice %arg7[%add3A, %dma_wait3A, %dma_wait3A_94] : memref<32x100x100xi32, #tpu.memory_space<hbm>> -> memref<1x100x100xi32, #tpu.memory_space<hbm>>
      %dma_wait3A_96 = tpu.memref_squeeze %dma_wait3A_95 : memref<1x100x100xi32, #tpu.memory_space<hbm>> -> memref<100x100xi32, #tpu.memory_space<hbm>>
      %dma_wait3A_97 = arith.constant 0 : i32
      %dma_wait3A_98 = arith.constant 0 : i32
      %dma_wait3A_99 = tpu.memref_slice %arg7[%add3A, %dma_wait3A_97, %dma_wait3A_98] : memref<32x100x100xi32, #tpu.memory_space<hbm>> -> memref<1x100x100xi32, #tpu.memory_space<hbm>>
      %dma_wait3A_100 = tpu.memref_squeeze %dma_wait3A_99 : memref<1x100x100xi32, #tpu.memory_space<hbm>> -> memref<100x100xi32, #tpu.memory_space<hbm>>
      tpu.wait_dma2 semaphore(%run_scoped3A_85 : memref<!tpu.dma_semaphore, #tpu.memory_space<semaphore_mem>>) src(%dma_wait3A_100 : memref<100x100xi32, #tpu.memory_space<hbm>>) dst(%arg11 : memref<100x100xi32, #tpu.memory_space<vmem>>)
      tpu.yield
    }) : () -> ()
    %mul3A_1 = arith.constant 625 : i32
    %mul3A_2 = arith.muli %arg1, %mul3A_1 : i32
    "tpu.region"() ({
      %run_scoped3A_85 = tpu.sem_alloc : memref<!tpu.dma_semaphore, #tpu.memory_space<semaphore_mem>>
      %dma_start3A_86 = arith.constant 0 : i32
      %dma_start3A_87 = tpu.memref_slice %arg16[%mul3A_2, %dma_start3A_86] : memref<10000x128xf32, #tpu.memory_space<vmem_shared>> -> memref<625x128xf32, #tpu.memory_space<vmem_shared>>
      tpu.enqueue_dma source(%arg8 : memref<625x128xf32, #tpu.memory_space<hbm>>) target(%dma_start3A_87 : memref<625x128xf32, #tpu.memory_space<vmem_shared>>) target_semaphore(%run_scoped3A_85 : memref<!tpu.dma_semaphore, #tpu.memory_space<semaphore_mem>>)
      %dma_wait3A = arith.constant 0 : i32
      %dma_wait3A_88 = tpu.memref_slice %arg16[%mul3A_2, %dma_wait3A] : memref<10000x128xf32, #tpu.memory_space<vmem_shared>> -> memref<625x128xf32, #tpu.memory_space<vmem_shared>>
      tpu.wait_dma2 semaphore(%run_scoped3A_85 : memref<!tpu.dma_semaphore, #tpu.memory_space<semaphore_mem>>) src(%arg8 : memref<625x128xf32, #tpu.memory_space<hbm>>) dst(%dma_wait3A_88 : memref<625x128xf32, #tpu.memory_space<vmem_shared>>)
      tpu.yield
    }) : () -> ()
    %barrier3A = arith.constant 0 : index
    tpu.barrier barrier_id(%barrier3A)
    %dma_start3A = arith.constant 0 : i32
    %dma_start3A_3 = arith.constant 0 : i32
    %dma_start3A_4 = tpu.memref_slice %arg10[%dma_start3A, %dma_start3A_3] : memref<100x100xi32, #tpu.memory_space<vmem>> -> memref<1x100xi32, #tpu.memory_space<vmem>>
    %dma_start3A_5 = tpu.memref_squeeze %dma_start3A_4 : memref<1x100xi32, #tpu.memory_space<vmem>> -> memref<100xi32, #tpu.memory_space<vmem>>
    %dma_start3A_6 = arith.constant 0 : i32
    %dma_start3A_7 = arith.constant 0 : i32
    %dma_start3A_8 = tpu.memref_slice %arg2[%dma_start3A_6, %dma_start3A_7] : memref<10000x128xf32, #tpu.memory_space<hbm>> -> memref<10000x128xf32, #tpu.memory_space<hbm>>
    tpu.enqueue_indirect_dma source(%dma_start3A_8 : memref<10000x128xf32, #tpu.memory_space<hbm>>) target(%arg12 : memref<100x128xf32, #tpu.memory_space<vmem>>) offsets(%dma_start3A_5 : memref<100xi32, #tpu.memory_space<vmem>>) semaphore(%arg14 : memref<!tpu.dma_semaphore, #tpu.memory_space<semaphore_mem>>)
    %scan3A = arith.constant 0 : i32
    %scan3A_9 = arith.constant 0 : i32
    %scan3A_10 = arith.constant 50 : i32
    %scan3A_11 = arith.addi %scan3A_9, %scan3A_10 : i32
    %scan3A_12 = arith.constant 1 : i32
    scf.for %scan3A_85 = %scan3A_9 to %scan3A_11 step %scan3A_12  : i32 {
      %mul3A_86 = arith.constant 2 : i32
      %mul3A_87 = arith.muli %scan3A_85, %mul3A_86 : i32
      %add3A_88 = arith.constant 0 : i32
      %add3A_89 = arith.addi %mul3A_87, %add3A_88 : i32
      %add3A_90 = arith.constant 1 : i32
      %add3A_91 = arith.addi %add3A_89, %add3A_90 : i32
      %lt3A = arith.constant 100 : i32
      %lt3A_92 = arith.cmpi slt, %add3A_91, %lt3A : i32
      %convert_element_type3A = arith.extui %lt3A_92 : i1 to i32
      %cond3A = arith.constant 0 : i32
      %cond3A_93 = arith.cmpi ne, %convert_element_type3A, %cond3A : i32
      scf.if %cond3A_93 {
        %add3A_116 = arith.constant 1 : i32
        %add3A_117 = arith.addi %add3A_89, %add3A_116 : i32
        %dma_start3A_118 = arith.constant 0 : i32
        %dma_start3A_119 = tpu.memref_slice %arg10[%add3A_117, %dma_start3A_118] : memref<100x100xi32, #tpu.memory_space<vmem>> -> memref<1x100xi32, #tpu.memory_space<vmem>>
        %dma_start3A_120 = tpu.memref_squeeze %dma_start3A_119 : memref<1x100xi32, #tpu.memory_space<vmem>> -> memref<100xi32, #tpu.memory_space<vmem>>
        %dma_start3A_121 = arith.constant 0 : i32
        %dma_start3A_122 = arith.constant 0 : i32
        %dma_start3A_123 = tpu.memref_slice %arg2[%dma_start3A_121, %dma_start3A_122] : memref<10000x128xf32, #tpu.memory_space<hbm>> -> memref<10000x128xf32, #tpu.memory_space<hbm>>
        tpu.enqueue_indirect_dma source(%dma_start3A_123 : memref<10000x128xf32, #tpu.memory_space<hbm>>) target(%arg13 : memref<100x128xf32, #tpu.memory_space<vmem>>) offsets(%dma_start3A_120 : memref<100xi32, #tpu.memory_space<vmem>>) semaphore(%arg15 : memref<!tpu.dma_semaphore, #tpu.memory_space<semaphore_mem>>)
      } else {
      }
      %dma_wait3A = arith.constant 0 : i32
      %dma_wait3A_94 = tpu.memref_slice %arg10[%add3A_89, %dma_wait3A] : memref<100x100xi32, #tpu.memory_space<vmem>> -> memref<1x100xi32, #tpu.memory_space<vmem>>
      %dma_wait3A_95 = tpu.memref_squeeze %dma_wait3A_94 : memref<1x100xi32, #tpu.memory_space<vmem>> -> memref<100xi32, #tpu.memory_space<vmem>>
      %dma_wait3A_96 = arith.constant 0 : i32
      %dma_wait3A_97 = arith.constant 0 : i32
      %dma_wait3A_98 = tpu.memref_slice %arg2[%dma_wait3A_96, %dma_wait3A_97] : memref<10000x128xf32, #tpu.memory_space<hbm>> -> memref<10000x128xf32, #tpu.memory_space<hbm>>
      tpu.wait_indirect_dma semaphore(%arg14 : memref<!tpu.dma_semaphore, #tpu.memory_space<semaphore_mem>>) src(%dma_wait3A_98 : memref<10000x128xf32, #tpu.memory_space<hbm>>) dst(%arg12 : memref<100x128xf32, #tpu.memory_space<vmem>>)
      "tpu.region"() ({
        %run_scoped3A_116 = tpu.sem_alloc : memref<!tpu.dma_semaphore, #tpu.memory_space<semaphore_mem>>
        %dma_start3A_117 = arith.constant 0 : i32
        %dma_start3A_118 = tpu.memref_slice %arg11[%add3A_89, %dma_start3A_117] : memref<100x100xi32, #tpu.memory_space<vmem>> -> memref<1x100xi32, #tpu.memory_space<vmem>>
        %dma_start3A_119 = tpu.memref_squeeze %dma_start3A_118 : memref<1x100xi32, #tpu.memory_space<vmem>> -> memref<100xi32, #tpu.memory_space<vmem>>
        %dma_start3A_120 = arith.constant 0 : i32
        %dma_start3A_121 = arith.constant 0 : i32
        %dma_start3A_122 = tpu.memref_slice %arg16[%dma_start3A_120, %dma_start3A_121] : memref<10000x128xf32, #tpu.memory_space<vmem_shared>> -> memref<10000x128xf32, #tpu.memory_space<vmem_shared>>
        tpu.enqueue_indirect_dma source(%arg12 : memref<100x128xf32, #tpu.memory_space<vmem>>) target(%dma_start3A_122 : memref<10000x128xf32, #tpu.memory_space<vmem_shared>>) offsets(%dma_start3A_119 : memref<100xi32, #tpu.memory_space<vmem>>) semaphore(%run_scoped3A_116 : memref<!tpu.dma_semaphore, #tpu.memory_space<semaphore_mem>>) {add = true}
        %dma_wait3A_123 = arith.constant 0 : i32
        %dma_wait3A_124 = tpu.memref_slice %arg11[%add3A_89, %dma_wait3A_123] : memref<100x100xi32, #tpu.memory_space<vmem>> -> memref<1x100xi32, #tpu.memory_space<vmem>>
        %dma_wait3A_125 = tpu.memref_squeeze %dma_wait3A_124 : memref<1x100xi32, #tpu.memory_space<vmem>> -> memref<100xi32, #tpu.memory_space<vmem>>
        %dma_wait3A_126 = arith.constant 0 : i32
        %dma_wait3A_127 = arith.constant 0 : i32
        %dma_wait3A_128 = tpu.memref_slice %arg16[%dma_wait3A_126, %dma_wait3A_127] : memref<10000x128xf32, #tpu.memory_space<vmem_shared>> -> memref<10000x128xf32, #tpu.memory_space<vmem_shared>>
        tpu.wait_indirect_dma semaphore(%run_scoped3A_116 : memref<!tpu.dma_semaphore, #tpu.memory_space<semaphore_mem>>) src(%arg12 : memref<100x128xf32, #tpu.memory_space<vmem>>) dst(%dma_wait3A_128 : memref<10000x128xf32, #tpu.memory_space<vmem_shared>>)
        tpu.yield
      }) : () -> ()
      %mul3A_99 = arith.constant 2 : i32
      %mul3A_100 = arith.muli %scan3A_85, %mul3A_99 : i32
      %add3A_101 = arith.constant 1 : i32
      %add3A_102 = arith.addi %mul3A_100, %add3A_101 : i32
      %add3A_103 = arith.constant 1 : i32
      %add3A_104 = arith.addi %add3A_102, %add3A_103 : i32
      %lt3A_105 = arith.constant 100 : i32
      %lt3A_106 = arith.cmpi slt, %add3A_104, %lt3A_105 : i32
      %convert_element_type3A_107 = arith.extui %lt3A_106 : i1 to i32
      %cond3A_108 = arith.constant 0 : i32
      %cond3A_109 = arith.cmpi ne, %convert_element_type3A_107, %cond3A_108 : i32
      scf.if %cond3A_109 {
        %add3A_116 = arith.constant 1 : i32
        %add3A_117 = arith.addi %add3A_102, %add3A_116 : i32
        %dma_start3A_118 = arith.constant 0 : i32
        %dma_start3A_119 = tpu.memref_slice %arg10[%add3A_117, %dma_start3A_118] : memref<100x100xi32, #tpu.memory_space<vmem>> -> memref<1x100xi32, #tpu.memory_space<vmem>>
        %dma_start3A_120 = tpu.memref_squeeze %dma_start3A_119 : memref<1x100xi32, #tpu.memory_space<vmem>> -> memref<100xi32, #tpu.memory_space<vmem>>
        %dma_start3A_121 = arith.constant 0 : i32
        %dma_start3A_122 = arith.constant 0 : i32
        %dma_start3A_123 = tpu.memref_slice %arg2[%dma_start3A_121, %dma_start3A_122] : memref<10000x128xf32, #tpu.memory_space<hbm>> -> memref<10000x128xf32, #tpu.memory_space<hbm>>
        tpu.enqueue_indirect_dma source(%dma_start3A_123 : memref<10000x128xf32, #tpu.memory_space<hbm>>) target(%arg12 : memref<100x128xf32, #tpu.memory_space<vmem>>) offsets(%dma_start3A_120 : memref<100xi32, #tpu.memory_space<vmem>>) semaphore(%arg14 : memref<!tpu.dma_semaphore, #tpu.memory_space<semaphore_mem>>)
      } else {
      }
      %dma_wait3A_110 = arith.constant 0 : i32
      %dma_wait3A_111 = tpu.memref_slice %arg10[%add3A_102, %dma_wait3A_110] : memref<100x100xi32, #tpu.memory_space<vmem>> -> memref<1x100xi32, #tpu.memory_space<vmem>>
      %dma_wait3A_112 = tpu.memref_squeeze %dma_wait3A_111 : memref<1x100xi32, #tpu.memory_space<vmem>> -> memref<100xi32, #tpu.memory_space<vmem>>
      %dma_wait3A_113 = arith.constant 0 : i32
      %dma_wait3A_114 = arith.constant 0 : i32
      %dma_wait3A_115 = tpu.memref_slice %arg2[%dma_wait3A_113, %dma_wait3A_114] : memref<10000x128xf32, #tpu.memory_space<hbm>> -> memref<10000x128xf32, #tpu.memory_space<hbm>>
      tpu.wait_indirect_dma semaphore(%arg15 : memref<!tpu.dma_semaphore, #tpu.memory_space<semaphore_mem>>) src(%dma_wait3A_115 : memref<10000x128xf32, #tpu.memory_space<hbm>>) dst(%arg13 : memref<100x128xf32, #tpu.memory_space<vmem>>)
      "tpu.region"() ({
        %run_scoped3A_116 = tpu.sem_alloc : memref<!tpu.dma_semaphore, #tpu.memory_space<semaphore_mem>>
        %dma_start3A_117 = arith.constant 0 : i32
        %dma_start3A_118 = tpu.memref_slice %arg11[%add3A_102, %dma_start3A_117] : memref<100x100xi32, #tpu.memory_space<vmem>> -> memref<1x100xi32, #tpu.memory_space<vmem>>
        %dma_start3A_119 = tpu.memref_squeeze %dma_start3A_118 : memref<1x100xi32, #tpu.memory_space<vmem>> -> memref<100xi32, #tpu.memory_space<vmem>>
        %dma_start3A_120 = arith.constant 0 : i32
        %dma_start3A_121 = arith.constant 0 : i32
        %dma_start3A_122 = tpu.memref_slice %arg16[%dma_start3A_120, %dma_start3A_121] : memref<10000x128xf32, #tpu.memory_space<vmem_shared>> -> memref<10000x128xf32, #tpu.memory_space<vmem_shared>>
        tpu.enqueue_indirect_dma source(%arg13 : memref<100x128xf32, #tpu.memory_space<vmem>>) target(%dma_start3A_122 : memref<10000x128xf32, #tpu.memory_space<vmem_shared>>) offsets(%dma_start3A_119 : memref<100xi32, #tpu.memory_space<vmem>>) semaphore(%run_scoped3A_116 : memref<!tpu.dma_semaphore, #tpu.memory_space<semaphore_mem>>) {add = true}
        %dma_wait3A_123 = arith.constant 0 : i32
        %dma_wait3A_124 = tpu.memref_slice %arg11[%add3A_102, %dma_wait3A_123] : memref<100x100xi32, #tpu.memory_space<vmem>> -> memref<1x100xi32, #tpu.memory_space<vmem>>
        %dma_wait3A_125 = tpu.memref_squeeze %dma_wait3A_124 : memref<1x100xi32, #tpu.memory_space<vmem>> -> memref<100xi32, #tpu.memory_space<vmem>>
        %dma_wait3A_126 = arith.constant 0 : i32
        %dma_wait3A_127 = arith.constant 0 : i32
        %dma_wait3A_128 = tpu.memref_slice %arg16[%dma_wait3A_126, %dma_wait3A_127] : memref<10000x128xf32, #tpu.memory_space<vmem_shared>> -> memref<10000x128xf32, #tpu.memory_space<vmem_shared>>
        tpu.wait_indirect_dma semaphore(%run_scoped3A_116 : memref<!tpu.dma_semaphore, #tpu.memory_space<semaphore_mem>>) src(%arg13 : memref<100x128xf32, #tpu.memory_space<vmem>>) dst(%dma_wait3A_128 : memref<10000x128xf32, #tpu.memory_space<vmem_shared>>)
        tpu.yield
      }) : () -> ()
    }
    %scan3A_13 = arith.constant 50 : i32
    %barrier3A_14 = arith.constant 0 : index
    tpu.barrier barrier_id(%barrier3A_14)
    %mul3A_15 = arith.constant 625 : i32
    %mul3A_16 = arith.muli %arg1, %mul3A_15 : i32
    %mul3A_17 = arith.constant 625 : i32
    %mul3A_18 = arith.muli %arg1, %mul3A_17 : i32
    %run_scoped3A = arith.constant 0 : i32
    "tpu.region"() ({
      %run_scoped3A_85 = tpu.sem_alloc : memref<!tpu.dma_semaphore, #tpu.memory_space<semaphore_mem>>
      %dma_start3A_86 = arith.constant 0 : i32
      %dma_start3A_87 = tpu.memref_slice %arg9[%arg0, %run_scoped3A, %mul3A_18, %dma_start3A_86] : memref<2x4x10000x128xf32, #tpu.memory_space<hbm>> -> memref<1x1x625x128xf32, #tpu.memory_space<hbm>>
      %dma_start3A_88 = tpu.memref_squeeze %dma_start3A_87 : memref<1x1x625x128xf32, #tpu.memory_space<hbm>> -> memref<625x128xf32, #tpu.memory_space<hbm>>
      %dma_start3A_89 = arith.constant 0 : i32
      %dma_start3A_90 = tpu.memref_slice %arg16[%mul3A_16, %dma_start3A_89] : memref<10000x128xf32, #tpu.memory_space<vmem_shared>> -> memref<625x128xf32, #tpu.memory_space<vmem_shared>>
      tpu.enqueue_dma source(%dma_start3A_90 : memref<625x128xf32, #tpu.memory_space<vmem_shared>>) target(%dma_start3A_88 : memref<625x128xf32, #tpu.memory_space<hbm>>) target_semaphore(%run_scoped3A_85 : memref<!tpu.dma_semaphore, #tpu.memory_space<semaphore_mem>>)
      %dma_wait3A = arith.constant 0 : i32
      %dma_wait3A_91 = tpu.memref_slice %arg9[%arg0, %run_scoped3A, %mul3A_18, %dma_wait3A] : memref<2x4x10000x128xf32, #tpu.memory_space<hbm>> -> memref<1x1x625x128xf32, #tpu.memory_space<hbm>>
      %dma_wait3A_92 = tpu.memref_squeeze %dma_wait3A_91 : memref<1x1x625x128xf32, #tpu.memory_space<hbm>> -> memref<625x128xf32, #tpu.memory_space<hbm>>
      %dma_wait3A_93 = arith.constant 0 : i32
      %dma_wait3A_94 = tpu.memref_slice %arg16[%mul3A_16, %dma_wait3A_93] : memref<10000x128xf32, #tpu.memory_space<vmem_shared>> -> memref<625x128xf32, #tpu.memory_space<vmem_shared>>
      tpu.wait_dma2 semaphore(%run_scoped3A_85 : memref<!tpu.dma_semaphore, #tpu.memory_space<semaphore_mem>>) src(%dma_wait3A_94 : memref<625x128xf32, #tpu.memory_space<vmem_shared>>) dst(%dma_wait3A_92 : memref<625x128xf32, #tpu.memory_space<hbm>>)
      tpu.yield
    }) : () -> ()
    %mul3A_19 = arith.constant 625 : i32
    %mul3A_20 = arith.muli %arg1, %mul3A_19 : i32
    "tpu.region"() ({
      %run_scoped3A_85 = tpu.sem_alloc : memref<!tpu.dma_semaphore, #tpu.memory_space<semaphore_mem>>
      %dma_start3A_86 = arith.constant 0 : i32
      %dma_start3A_87 = tpu.memref_slice %arg16[%mul3A_20, %dma_start3A_86] : memref<10000x128xf32, #tpu.memory_space<vmem_shared>> -> memref<625x128xf32, #tpu.memory_space<vmem_shared>>
      tpu.enqueue_dma source(%arg8 : memref<625x128xf32, #tpu.memory_space<hbm>>) target(%dma_start3A_87 : memref<625x128xf32, #tpu.memory_space<vmem_shared>>) target_semaphore(%run_scoped3A_85 : memref<!tpu.dma_semaphore, #tpu.memory_space<semaphore_mem>>)
      %dma_wait3A = arith.constant 0 : i32
      %dma_wait3A_88 = tpu.memref_slice %arg16[%mul3A_20, %dma_wait3A] : memref<10000x128xf32, #tpu.memory_space<vmem_shared>> -> memref<625x128xf32, #tpu.memory_space<vmem_shared>>
      tpu.wait_dma2 semaphore(%run_scoped3A_85 : memref<!tpu.dma_semaphore, #tpu.memory_space<semaphore_mem>>) src(%arg8 : memref<625x128xf32, #tpu.memory_space<hbm>>) dst(%dma_wait3A_88 : memref<625x128xf32, #tpu.memory_space<vmem_shared>>)
      tpu.yield
    }) : () -> ()
    %barrier3A_21 = arith.constant 0 : index
    tpu.barrier barrier_id(%barrier3A_21)
    %dma_start3A_22 = arith.constant 0 : i32
    %dma_start3A_23 = arith.constant 0 : i32
    %dma_start3A_24 = tpu.memref_slice %arg10[%dma_start3A_22, %dma_start3A_23] : memref<100x100xi32, #tpu.memory_space<vmem>> -> memref<1x100xi32, #tpu.memory_space<vmem>>
    %dma_start3A_25 = tpu.memref_squeeze %dma_start3A_24 : memref<1x100xi32, #tpu.memory_space<vmem>> -> memref<100xi32, #tpu.memory_space<vmem>>
    %dma_start3A_26 = arith.constant 0 : i32
    %dma_start3A_27 = arith.constant 0 : i32
    %dma_start3A_28 = tpu.memref_slice %arg3[%dma_start3A_26, %dma_start3A_27] : memref<10000x128xf32, #tpu.memory_space<hbm>> -> memref<10000x128xf32, #tpu.memory_space<hbm>>
    tpu.enqueue_indirect_dma source(%dma_start3A_28 : memref<10000x128xf32, #tpu.memory_space<hbm>>) target(%arg12 : memref<100x128xf32, #tpu.memory_space<vmem>>) offsets(%dma_start3A_25 : memref<100xi32, #tpu.memory_space<vmem>>) semaphore(%arg14 : memref<!tpu.dma_semaphore, #tpu.memory_space<semaphore_mem>>)
    %scan3A_29 = arith.constant 0 : i32
    %scan3A_30 = arith.constant 0 : i32
    %scan3A_31 = arith.constant 50 : i32
    %scan3A_32 = arith.addi %scan3A_30, %scan3A_31 : i32
    %scan3A_33 = arith.constant 1 : i32
    scf.for %scan3A_85 = %scan3A_30 to %scan3A_32 step %scan3A_33  : i32 {
      %mul3A_86 = arith.constant 2 : i32
      %mul3A_87 = arith.muli %scan3A_85, %mul3A_86 : i32
      %add3A_88 = arith.constant 0 : i32
      %add3A_89 = arith.addi %mul3A_87, %add3A_88 : i32
      %add3A_90 = arith.constant 1 : i32
      %add3A_91 = arith.addi %add3A_89, %add3A_90 : i32
      %lt3A = arith.constant 100 : i32
      %lt3A_92 = arith.cmpi slt, %add3A_91, %lt3A : i32
      %convert_element_type3A = arith.extui %lt3A_92 : i1 to i32
      %cond3A = arith.constant 0 : i32
      %cond3A_93 = arith.cmpi ne, %convert_element_type3A, %cond3A : i32
      scf.if %cond3A_93 {
        %add3A_116 = arith.constant 1 : i32
        %add3A_117 = arith.addi %add3A_89, %add3A_116 : i32
        %dma_start3A_118 = arith.constant 0 : i32
        %dma_start3A_119 = tpu.memref_slice %arg10[%add3A_117, %dma_start3A_118] : memref<100x100xi32, #tpu.memory_space<vmem>> -> memref<1x100xi32, #tpu.memory_space<vmem>>
        %dma_start3A_120 = tpu.memref_squeeze %dma_start3A_119 : memref<1x100xi32, #tpu.memory_space<vmem>> -> memref<100xi32, #tpu.memory_space<vmem>>
        %dma_start3A_121 = arith.constant 0 : i32
        %dma_start3A_122 = arith.constant 0 : i32
        %dma_start3A_123 = tpu.memref_slice %arg3[%dma_start3A_121, %dma_start3A_122] : memref<10000x128xf32, #tpu.memory_space<hbm>> -> memref<10000x128xf32, #tpu.memory_space<hbm>>
        tpu.enqueue_indirect_dma source(%dma_start3A_123 : memref<10000x128xf32, #tpu.memory_space<hbm>>) target(%arg13 : memref<100x128xf32, #tpu.memory_space<vmem>>) offsets(%dma_start3A_120 : memref<100xi32, #tpu.memory_space<vmem>>) semaphore(%arg15 : memref<!tpu.dma_semaphore, #tpu.memory_space<semaphore_mem>>)
      } else {
      }
      %dma_wait3A = arith.constant 0 : i32
      %dma_wait3A_94 = tpu.memref_slice %arg10[%add3A_89, %dma_wait3A] : memref<100x100xi32, #tpu.memory_space<vmem>> -> memref<1x100xi32, #tpu.memory_space<vmem>>
      %dma_wait3A_95 = tpu.memref_squeeze %dma_wait3A_94 : memref<1x100xi32, #tpu.memory_space<vmem>> -> memref<100xi32, #tpu.memory_space<vmem>>
      %dma_wait3A_96 = arith.constant 0 : i32
      %dma_wait3A_97 = arith.constant 0 : i32
      %dma_wait3A_98 = tpu.memref_slice %arg3[%dma_wait3A_96, %dma_wait3A_97] : memref<10000x128xf32, #tpu.memory_space<hbm>> -> memref<10000x128xf32, #tpu.memory_space<hbm>>
      tpu.wait_indirect_dma semaphore(%arg14 : memref<!tpu.dma_semaphore, #tpu.memory_space<semaphore_mem>>) src(%dma_wait3A_98 : memref<10000x128xf32, #tpu.memory_space<hbm>>) dst(%arg12 : memref<100x128xf32, #tpu.memory_space<vmem>>)
      "tpu.region"() ({
        %run_scoped3A_116 = tpu.sem_alloc : memref<!tpu.dma_semaphore, #tpu.memory_space<semaphore_mem>>
        %dma_start3A_117 = arith.constant 0 : i32
        %dma_start3A_118 = tpu.memref_slice %arg11[%add3A_89, %dma_start3A_117] : memref<100x100xi32, #tpu.memory_space<vmem>> -> memref<1x100xi32, #tpu.memory_space<vmem>>
        %dma_start3A_119 = tpu.memref_squeeze %dma_start3A_118 : memref<1x100xi32, #tpu.memory_space<vmem>> -> memref<100xi32, #tpu.memory_space<vmem>>
        %dma_start3A_120 = arith.constant 0 : i32
        %dma_start3A_121 = arith.constant 0 : i32
        %dma_start3A_122 = tpu.memref_slice %arg16[%dma_start3A_120, %dma_start3A_121] : memref<10000x128xf32, #tpu.memory_space<vmem_shared>> -> memref<10000x128xf32, #tpu.memory_space<vmem_shared>>
        tpu.enqueue_indirect_dma source(%arg12 : memref<100x128xf32, #tpu.memory_space<vmem>>) target(%dma_start3A_122 : memref<10000x128xf32, #tpu.memory_space<vmem_shared>>) offsets(%dma_start3A_119 : memref<100xi32, #tpu.memory_space<vmem>>) semaphore(%run_scoped3A_116 : memref<!tpu.dma_semaphore, #tpu.memory_space<semaphore_mem>>) {add = true}
        %dma_wait3A_123 = arith.constant 0 : i32
        %dma_wait3A_124 = tpu.memref_slice %arg11[%add3A_89, %dma_wait3A_123] : memref<100x100xi32, #tpu.memory_space<vmem>> -> memref<1x100xi32, #tpu.memory_space<vmem>>
        %dma_wait3A_125 = tpu.memref_squeeze %dma_wait3A_124 : memref<1x100xi32, #tpu.memory_space<vmem>> -> memref<100xi32, #tpu.memory_space<vmem>>
        %dma_wait3A_126 = arith.constant 0 : i32
        %dma_wait3A_127 = arith.constant 0 : i32
        %dma_wait3A_128 = tpu.memref_slice %arg16[%dma_wait3A_126, %dma_wait3A_127] : memref<10000x128xf32, #tpu.memory_space<vmem_shared>> -> memref<10000x128xf32, #tpu.memory_space<vmem_shared>>
        tpu.wait_indirect_dma semaphore(%run_scoped3A_116 : memref<!tpu.dma_semaphore, #tpu.memory_space<semaphore_mem>>) src(%arg12 : memref<100x128xf32, #tpu.memory_space<vmem>>) dst(%dma_wait3A_128 : memref<10000x128xf32, #tpu.memory_space<vmem_shared>>)
        tpu.yield
      }) : () -> ()
      %mul3A_99 = arith.constant 2 : i32
      %mul3A_100 = arith.muli %scan3A_85, %mul3A_99 : i32
      %add3A_101 = arith.constant 1 : i32
      %add3A_102 = arith.addi %mul3A_100, %add3A_101 : i32
      %add3A_103 = arith.constant 1 : i32
      %add3A_104 = arith.addi %add3A_102, %add3A_103 : i32
      %lt3A_105 = arith.constant 100 : i32
      %lt3A_106 = arith.cmpi slt, %add3A_104, %lt3A_105 : i32
      %convert_element_type3A_107 = arith.extui %lt3A_106 : i1 to i32
      %cond3A_108 = arith.constant 0 : i32
      %cond3A_109 = arith.cmpi ne, %convert_element_type3A_107, %cond3A_108 : i32
      scf.if %cond3A_109 {
        %add3A_116 = arith.constant 1 : i32
        %add3A_117 = arith.addi %add3A_102, %add3A_116 : i32
        %dma_start3A_118 = arith.constant 0 : i32
        %dma_start3A_119 = tpu.memref_slice %arg10[%add3A_117, %dma_start3A_118] : memref<100x100xi32, #tpu.memory_space<vmem>> -> memref<1x100xi32, #tpu.memory_space<vmem>>
        %dma_start3A_120 = tpu.memref_squeeze %dma_start3A_119 : memref<1x100xi32, #tpu.memory_space<vmem>> -> memref<100xi32, #tpu.memory_space<vmem>>
        %dma_start3A_121 = arith.constant 0 : i32
        %dma_start3A_122 = arith.constant 0 : i32
        %dma_start3A_123 = tpu.memref_slice %arg3[%dma_start3A_121, %dma_start3A_122] : memref<10000x128xf32, #tpu.memory_space<hbm>> -> memref<10000x128xf32, #tpu.memory_space<hbm>>
        tpu.enqueue_indirect_dma source(%dma_start3A_123 : memref<10000x128xf32, #tpu.memory_space<hbm>>) target(%arg12 : memref<100x128xf32, #tpu.memory_space<vmem>>) offsets(%dma_start3A_120 : memref<100xi32, #tpu.memory_space<vmem>>) semaphore(%arg14 : memref<!tpu.dma_semaphore, #tpu.memory_space<semaphore_mem>>)
      } else {
      }
      %dma_wait3A_110 = arith.constant 0 : i32
      %dma_wait3A_111 = tpu.memref_slice %arg10[%add3A_102, %dma_wait3A_110] : memref<100x100xi32, #tpu.memory_space<vmem>> -> memref<1x100xi32, #tpu.memory_space<vmem>>
      %dma_wait3A_112 = tpu.memref_squeeze %dma_wait3A_111 : memref<1x100xi32, #tpu.memory_space<vmem>> -> memref<100xi32, #tpu.memory_space<vmem>>
      %dma_wait3A_113 = arith.constant 0 : i32
      %dma_wait3A_114 = arith.constant 0 : i32
      %dma_wait3A_115 = tpu.memref_slice %arg3[%dma_wait3A_113, %dma_wait3A_114] : memref<10000x128xf32, #tpu.memory_space<hbm>> -> memref<10000x128xf32, #tpu.memory_space<hbm>>
      tpu.wait_indirect_dma semaphore(%arg15 : memref<!tpu.dma_semaphore, #tpu.memory_space<semaphore_mem>>) src(%dma_wait3A_115 : memref<10000x128xf32, #tpu.memory_space<hbm>>) dst(%arg13 : memref<100x128xf32, #tpu.memory_space<vmem>>)
      "tpu.region"() ({
        %run_scoped3A_116 = tpu.sem_alloc : memref<!tpu.dma_semaphore, #tpu.memory_space<semaphore_mem>>
        %dma_start3A_117 = arith.constant 0 : i32
        %dma_start3A_118 = tpu.memref_slice %arg11[%add3A_102, %dma_start3A_117] : memref<100x100xi32, #tpu.memory_space<vmem>> -> memref<1x100xi32, #tpu.memory_space<vmem>>
        %dma_start3A_119 = tpu.memref_squeeze %dma_start3A_118 : memref<1x100xi32, #tpu.memory_space<vmem>> -> memref<100xi32, #tpu.memory_space<vmem>>
        %dma_start3A_120 = arith.constant 0 : i32
        %dma_start3A_121 = arith.constant 0 : i32
        %dma_start3A_122 = tpu.memref_slice %arg16[%dma_start3A_120, %dma_start3A_121] : memref<10000x128xf32, #tpu.memory_space<vmem_shared>> -> memref<10000x128xf32, #tpu.memory_space<vmem_shared>>
        tpu.enqueue_indirect_dma source(%arg13 : memref<100x128xf32, #tpu.memory_space<vmem>>) target(%dma_start3A_122 : memref<10000x128xf32, #tpu.memory_space<vmem_shared>>) offsets(%dma_start3A_119 : memref<100xi32, #tpu.memory_space<vmem>>) semaphore(%run_scoped3A_116 : memref<!tpu.dma_semaphore, #tpu.memory_space<semaphore_mem>>) {add = true}
        %dma_wait3A_123 = arith.constant 0 : i32
        %dma_wait3A_124 = tpu.memref_slice %arg11[%add3A_102, %dma_wait3A_123] : memref<100x100xi32, #tpu.memory_space<vmem>> -> memref<1x100xi32, #tpu.memory_space<vmem>>
        %dma_wait3A_125 = tpu.memref_squeeze %dma_wait3A_124 : memref<1x100xi32, #tpu.memory_space<vmem>> -> memref<100xi32, #tpu.memory_space<vmem>>
        %dma_wait3A_126 = arith.constant 0 : i32
        %dma_wait3A_127 = arith.constant 0 : i32
        %dma_wait3A_128 = tpu.memref_slice %arg16[%dma_wait3A_126, %dma_wait3A_127] : memref<10000x128xf32, #tpu.memory_space<vmem_shared>> -> memref<10000x128xf32, #tpu.memory_space<vmem_shared>>
        tpu.wait_indirect_dma semaphore(%run_scoped3A_116 : memref<!tpu.dma_semaphore, #tpu.memory_space<semaphore_mem>>) src(%arg13 : memref<100x128xf32, #tpu.memory_space<vmem>>) dst(%dma_wait3A_128 : memref<10000x128xf32, #tpu.memory_space<vmem_shared>>)
        tpu.yield
      }) : () -> ()
    }
    %scan3A_34 = arith.constant 50 : i32
    %barrier3A_35 = arith.constant 0 : index
    tpu.barrier barrier_id(%barrier3A_35)
    %mul3A_36 = arith.constant 625 : i32
    %mul3A_37 = arith.muli %arg1, %mul3A_36 : i32
    %mul3A_38 = arith.constant 625 : i32
    %mul3A_39 = arith.muli %arg1, %mul3A_38 : i32
    %run_scoped3A_40 = arith.constant 1 : i32
    "tpu.region"() ({
      %run_scoped3A_85 = tpu.sem_alloc : memref<!tpu.dma_semaphore, #tpu.memory_space<semaphore_mem>>
      %dma_start3A_86 = arith.constant 0 : i32
      %dma_start3A_87 = tpu.memref_slice %arg9[%arg0, %run_scoped3A_40, %mul3A_39, %dma_start3A_86] : memref<2x4x10000x128xf32, #tpu.memory_space<hbm>> -> memref<1x1x625x128xf32, #tpu.memory_space<hbm>>
      %dma_start3A_88 = tpu.memref_squeeze %dma_start3A_87 : memref<1x1x625x128xf32, #tpu.memory_space<hbm>> -> memref<625x128xf32, #tpu.memory_space<hbm>>
      %dma_start3A_89 = arith.constant 0 : i32
      %dma_start3A_90 = tpu.memref_slice %arg16[%mul3A_37, %dma_start3A_89] : memref<10000x128xf32, #tpu.memory_space<vmem_shared>> -> memref<625x128xf32, #tpu.memory_space<vmem_shared>>
      tpu.enqueue_dma source(%dma_start3A_90 : memref<625x128xf32, #tpu.memory_space<vmem_shared>>) target(%dma_start3A_88 : memref<625x128xf32, #tpu.memory_space<hbm>>) target_semaphore(%run_scoped3A_85 : memref<!tpu.dma_semaphore, #tpu.memory_space<semaphore_mem>>)
      %dma_wait3A = arith.constant 0 : i32
      %dma_wait3A_91 = tpu.memref_slice %arg9[%arg0, %run_scoped3A_40, %mul3A_39, %dma_wait3A] : memref<2x4x10000x128xf32, #tpu.memory_space<hbm>> -> memref<1x1x625x128xf32, #tpu.memory_space<hbm>>
      %dma_wait3A_92 = tpu.memref_squeeze %dma_wait3A_91 : memref<1x1x625x128xf32, #tpu.memory_space<hbm>> -> memref<625x128xf32, #tpu.memory_space<hbm>>
      %dma_wait3A_93 = arith.constant 0 : i32
      %dma_wait3A_94 = tpu.memref_slice %arg16[%mul3A_37, %dma_wait3A_93] : memref<10000x128xf32, #tpu.memory_space<vmem_shared>> -> memref<625x128xf32, #tpu.memory_space<vmem_shared>>
      tpu.wait_dma2 semaphore(%run_scoped3A_85 : memref<!tpu.dma_semaphore, #tpu.memory_space<semaphore_mem>>) src(%dma_wait3A_94 : memref<625x128xf32, #tpu.memory_space<vmem_shared>>) dst(%dma_wait3A_92 : memref<625x128xf32, #tpu.memory_space<hbm>>)
      tpu.yield
    }) : () -> ()
    %mul3A_41 = arith.constant 625 : i32
    %mul3A_42 = arith.muli %arg1, %mul3A_41 : i32
    "tpu.region"() ({
      %run_scoped3A_85 = tpu.sem_alloc : memref<!tpu.dma_semaphore, #tpu.memory_space<semaphore_mem>>
      %dma_start3A_86 = arith.constant 0 : i32
      %dma_start3A_87 = tpu.memref_slice %arg16[%mul3A_42, %dma_start3A_86] : memref<10000x128xf32, #tpu.memory_space<vmem_shared>> -> memref<625x128xf32, #tpu.memory_space<vmem_shared>>
      tpu.enqueue_dma source(%arg8 : memref<625x128xf32, #tpu.memory_space<hbm>>) target(%dma_start3A_87 : memref<625x128xf32, #tpu.memory_space<vmem_shared>>) target_semaphore(%run_scoped3A_85 : memref<!tpu.dma_semaphore, #tpu.memory_space<semaphore_mem>>)
      %dma_wait3A = arith.constant 0 : i32
      %dma_wait3A_88 = tpu.memref_slice %arg16[%mul3A_42, %dma_wait3A] : memref<10000x128xf32, #tpu.memory_space<vmem_shared>> -> memref<625x128xf32, #tpu.memory_space<vmem_shared>>
      tpu.wait_dma2 semaphore(%run_scoped3A_85 : memref<!tpu.dma_semaphore, #tpu.memory_space<semaphore_mem>>) src(%arg8 : memref<625x128xf32, #tpu.memory_space<hbm>>) dst(%dma_wait3A_88 : memref<625x128xf32, #tpu.memory_space<vmem_shared>>)
      tpu.yield
    }) : () -> ()
    %barrier3A_43 = arith.constant 0 : index
    tpu.barrier barrier_id(%barrier3A_43)
    %dma_start3A_44 = arith.constant 0 : i32
    %dma_start3A_45 = arith.constant 0 : i32
    %dma_start3A_46 = tpu.memref_slice %arg10[%dma_start3A_44, %dma_start3A_45] : memref<100x100xi32, #tpu.memory_space<vmem>> -> memref<1x100xi32, #tpu.memory_space<vmem>>
    %dma_start3A_47 = tpu.memref_squeeze %dma_start3A_46 : memref<1x100xi32, #tpu.memory_space<vmem>> -> memref<100xi32, #tpu.memory_space<vmem>>
    %dma_start3A_48 = arith.constant 0 : i32
    %dma_start3A_49 = arith.constant 0 : i32
    %dma_start3A_50 = tpu.memref_slice %arg4[%dma_start3A_48, %dma_start3A_49] : memref<10000x128xf32, #tpu.memory_space<hbm>> -> memref<10000x128xf32, #tpu.memory_space<hbm>>
    tpu.enqueue_indirect_dma source(%dma_start3A_50 : memref<10000x128xf32, #tpu.memory_space<hbm>>) target(%arg12 : memref<100x128xf32, #tpu.memory_space<vmem>>) offsets(%dma_start3A_47 : memref<100xi32, #tpu.memory_space<vmem>>) semaphore(%arg14 : memref<!tpu.dma_semaphore, #tpu.memory_space<semaphore_mem>>)
    %scan3A_51 = arith.constant 0 : i32
    %scan3A_52 = arith.constant 0 : i32
    %scan3A_53 = arith.constant 50 : i32
    %scan3A_54 = arith.addi %scan3A_52, %scan3A_53 : i32
    %scan3A_55 = arith.constant 1 : i32
    scf.for %scan3A_85 = %scan3A_52 to %scan3A_54 step %scan3A_55  : i32 {
      %mul3A_86 = arith.constant 2 : i32
      %mul3A_87 = arith.muli %scan3A_85, %mul3A_86 : i32
      %add3A_88 = arith.constant 0 : i32
      %add3A_89 = arith.addi %mul3A_87, %add3A_88 : i32
      %add3A_90 = arith.constant 1 : i32
      %add3A_91 = arith.addi %add3A_89, %add3A_90 : i32
      %lt3A = arith.constant 100 : i32
      %lt3A_92 = arith.cmpi slt, %add3A_91, %lt3A : i32
      %convert_element_type3A = arith.extui %lt3A_92 : i1 to i32
      %cond3A = arith.constant 0 : i32
      %cond3A_93 = arith.cmpi ne, %convert_element_type3A, %cond3A : i32
      scf.if %cond3A_93 {
        %add3A_116 = arith.constant 1 : i32
        %add3A_117 = arith.addi %add3A_89, %add3A_116 : i32
        %dma_start3A_118 = arith.constant 0 : i32
        %dma_start3A_119 = tpu.memref_slice %arg10[%add3A_117, %dma_start3A_118] : memref<100x100xi32, #tpu.memory_space<vmem>> -> memref<1x100xi32, #tpu.memory_space<vmem>>
        %dma_start3A_120 = tpu.memref_squeeze %dma_start3A_119 : memref<1x100xi32, #tpu.memory_space<vmem>> -> memref<100xi32, #tpu.memory_space<vmem>>
        %dma_start3A_121 = arith.constant 0 : i32
        %dma_start3A_122 = arith.constant 0 : i32
        %dma_start3A_123 = tpu.memref_slice %arg4[%dma_start3A_121, %dma_start3A_122] : memref<10000x128xf32, #tpu.memory_space<hbm>> -> memref<10000x128xf32, #tpu.memory_space<hbm>>
        tpu.enqueue_indirect_dma source(%dma_start3A_123 : memref<10000x128xf32, #tpu.memory_space<hbm>>) target(%arg13 : memref<100x128xf32, #tpu.memory_space<vmem>>) offsets(%dma_start3A_120 : memref<100xi32, #tpu.memory_space<vmem>>) semaphore(%arg15 : memref<!tpu.dma_semaphore, #tpu.memory_space<semaphore_mem>>)
      } else {
      }
      %dma_wait3A = arith.constant 0 : i32
      %dma_wait3A_94 = tpu.memref_slice %arg10[%add3A_89, %dma_wait3A] : memref<100x100xi32, #tpu.memory_space<vmem>> -> memref<1x100xi32, #tpu.memory_space<vmem>>
      %dma_wait3A_95 = tpu.memref_squeeze %dma_wait3A_94 : memref<1x100xi32, #tpu.memory_space<vmem>> -> memref<100xi32, #tpu.memory_space<vmem>>
      %dma_wait3A_96 = arith.constant 0 : i32
      %dma_wait3A_97 = arith.constant 0 : i32
      %dma_wait3A_98 = tpu.memref_slice %arg4[%dma_wait3A_96, %dma_wait3A_97] : memref<10000x128xf32, #tpu.memory_space<hbm>> -> memref<10000x128xf32, #tpu.memory_space<hbm>>
      tpu.wait_indirect_dma semaphore(%arg14 : memref<!tpu.dma_semaphore, #tpu.memory_space<semaphore_mem>>) src(%dma_wait3A_98 : memref<10000x128xf32, #tpu.memory_space<hbm>>) dst(%arg12 : memref<100x128xf32, #tpu.memory_space<vmem>>)
      "tpu.region"() ({
        %run_scoped3A_116 = tpu.sem_alloc : memref<!tpu.dma_semaphore, #tpu.memory_space<semaphore_mem>>
        %dma_start3A_117 = arith.constant 0 : i32
        %dma_start3A_118 = tpu.memref_slice %arg11[%add3A_89, %dma_start3A_117] : memref<100x100xi32, #tpu.memory_space<vmem>> -> memref<1x100xi32, #tpu.memory_space<vmem>>
        %dma_start3A_119 = tpu.memref_squeeze %dma_start3A_118 : memref<1x100xi32, #tpu.memory_space<vmem>> -> memref<100xi32, #tpu.memory_space<vmem>>
        %dma_start3A_120 = arith.constant 0 : i32
        %dma_start3A_121 = arith.constant 0 : i32
        %dma_start3A_122 = tpu.memref_slice %arg16[%dma_start3A_120, %dma_start3A_121] : memref<10000x128xf32, #tpu.memory_space<vmem_shared>> -> memref<10000x128xf32, #tpu.memory_space<vmem_shared>>
        tpu.enqueue_indirect_dma source(%arg12 : memref<100x128xf32, #tpu.memory_space<vmem>>) target(%dma_start3A_122 : memref<10000x128xf32, #tpu.memory_space<vmem_shared>>) offsets(%dma_start3A_119 : memref<100xi32, #tpu.memory_space<vmem>>) semaphore(%run_scoped3A_116 : memref<!tpu.dma_semaphore, #tpu.memory_space<semaphore_mem>>) {add = true}
        %dma_wait3A_123 = arith.constant 0 : i32
        %dma_wait3A_124 = tpu.memref_slice %arg11[%add3A_89, %dma_wait3A_123] : memref<100x100xi32, #tpu.memory_space<vmem>> -> memref<1x100xi32, #tpu.memory_space<vmem>>
        %dma_wait3A_125 = tpu.memref_squeeze %dma_wait3A_124 : memref<1x100xi32, #tpu.memory_space<vmem>> -> memref<100xi32, #tpu.memory_space<vmem>>
        %dma_wait3A_126 = arith.constant 0 : i32
        %dma_wait3A_127 = arith.constant 0 : i32
        %dma_wait3A_128 = tpu.memref_slice %arg16[%dma_wait3A_126, %dma_wait3A_127] : memref<10000x128xf32, #tpu.memory_space<vmem_shared>> -> memref<10000x128xf32, #tpu.memory_space<vmem_shared>>
        tpu.wait_indirect_dma semaphore(%run_scoped3A_116 : memref<!tpu.dma_semaphore, #tpu.memory_space<semaphore_mem>>) src(%arg12 : memref<100x128xf32, #tpu.memory_space<vmem>>) dst(%dma_wait3A_128 : memref<10000x128xf32, #tpu.memory_space<vmem_shared>>)
        tpu.yield
      }) : () -> ()
      %mul3A_99 = arith.constant 2 : i32
      %mul3A_100 = arith.muli %scan3A_85, %mul3A_99 : i32
      %add3A_101 = arith.constant 1 : i32
      %add3A_102 = arith.addi %mul3A_100, %add3A_101 : i32
      %add3A_103 = arith.constant 1 : i32
      %add3A_104 = arith.addi %add3A_102, %add3A_103 : i32
      %lt3A_105 = arith.constant 100 : i32
      %lt3A_106 = arith.cmpi slt, %add3A_104, %lt3A_105 : i32
      %convert_element_type3A_107 = arith.extui %lt3A_106 : i1 to i32
      %cond3A_108 = arith.constant 0 : i32
      %cond3A_109 = arith.cmpi ne, %convert_element_type3A_107, %cond3A_108 : i32
      scf.if %cond3A_109 {
        %add3A_116 = arith.constant 1 : i32
        %add3A_117 = arith.addi %add3A_102, %add3A_116 : i32
        %dma_start3A_118 = arith.constant 0 : i32
        %dma_start3A_119 = tpu.memref_slice %arg10[%add3A_117, %dma_start3A_118] : memref<100x100xi32, #tpu.memory_space<vmem>> -> memref<1x100xi32, #tpu.memory_space<vmem>>
        %dma_start3A_120 = tpu.memref_squeeze %dma_start3A_119 : memref<1x100xi32, #tpu.memory_space<vmem>> -> memref<100xi32, #tpu.memory_space<vmem>>
        %dma_start3A_121 = arith.constant 0 : i32
        %dma_start3A_122 = arith.constant 0 : i32
        %dma_start3A_123 = tpu.memref_slice %arg4[%dma_start3A_121, %dma_start3A_122] : memref<10000x128xf32, #tpu.memory_space<hbm>> -> memref<10000x128xf32, #tpu.memory_space<hbm>>
        tpu.enqueue_indirect_dma source(%dma_start3A_123 : memref<10000x128xf32, #tpu.memory_space<hbm>>) target(%arg12 : memref<100x128xf32, #tpu.memory_space<vmem>>) offsets(%dma_start3A_120 : memref<100xi32, #tpu.memory_space<vmem>>) semaphore(%arg14 : memref<!tpu.dma_semaphore, #tpu.memory_space<semaphore_mem>>)
      } else {
      }
      %dma_wait3A_110 = arith.constant 0 : i32
      %dma_wait3A_111 = tpu.memref_slice %arg10[%add3A_102, %dma_wait3A_110] : memref<100x100xi32, #tpu.memory_space<vmem>> -> memref<1x100xi32, #tpu.memory_space<vmem>>
      %dma_wait3A_112 = tpu.memref_squeeze %dma_wait3A_111 : memref<1x100xi32, #tpu.memory_space<vmem>> -> memref<100xi32, #tpu.memory_space<vmem>>
      %dma_wait3A_113 = arith.constant 0 : i32
      %dma_wait3A_114 = arith.constant 0 : i32
      %dma_wait3A_115 = tpu.memref_slice %arg4[%dma_wait3A_113, %dma_wait3A_114] : memref<10000x128xf32, #tpu.memory_space<hbm>> -> memref<10000x128xf32, #tpu.memory_space<hbm>>
      tpu.wait_indirect_dma semaphore(%arg15 : memref<!tpu.dma_semaphore, #tpu.memory_space<semaphore_mem>>) src(%dma_wait3A_115 : memref<10000x128xf32, #tpu.memory_space<hbm>>) dst(%arg13 : memref<100x128xf32, #tpu.memory_space<vmem>>)
      "tpu.region"() ({
        %run_scoped3A_116 = tpu.sem_alloc : memref<!tpu.dma_semaphore, #tpu.memory_space<semaphore_mem>>
        %dma_start3A_117 = arith.constant 0 : i32
        %dma_start3A_118 = tpu.memref_slice %arg11[%add3A_102, %dma_start3A_117] : memref<100x100xi32, #tpu.memory_space<vmem>> -> memref<1x100xi32, #tpu.memory_space<vmem>>
        %dma_start3A_119 = tpu.memref_squeeze %dma_start3A_118 : memref<1x100xi32, #tpu.memory_space<vmem>> -> memref<100xi32, #tpu.memory_space<vmem>>
        %dma_start3A_120 = arith.constant 0 : i32
        %dma_start3A_121 = arith.constant 0 : i32
        %dma_start3A_122 = tpu.memref_slice %arg16[%dma_start3A_120, %dma_start3A_121] : memref<10000x128xf32, #tpu.memory_space<vmem_shared>> -> memref<10000x128xf32, #tpu.memory_space<vmem_shared>>
        tpu.enqueue_indirect_dma source(%arg13 : memref<100x128xf32, #tpu.memory_space<vmem>>) target(%dma_start3A_122 : memref<10000x128xf32, #tpu.memory_space<vmem_shared>>) offsets(%dma_start3A_119 : memref<100xi32, #tpu.memory_space<vmem>>) semaphore(%run_scoped3A_116 : memref<!tpu.dma_semaphore, #tpu.memory_space<semaphore_mem>>) {add = true}
        %dma_wait3A_123 = arith.constant 0 : i32
        %dma_wait3A_124 = tpu.memref_slice %arg11[%add3A_102, %dma_wait3A_123] : memref<100x100xi32, #tpu.memory_space<vmem>> -> memref<1x100xi32, #tpu.memory_space<vmem>>
        %dma_wait3A_125 = tpu.memref_squeeze %dma_wait3A_124 : memref<1x100xi32, #tpu.memory_space<vmem>> -> memref<100xi32, #tpu.memory_space<vmem>>
        %dma_wait3A_126 = arith.constant 0 : i32
        %dma_wait3A_127 = arith.constant 0 : i32
        %dma_wait3A_128 = tpu.memref_slice %arg16[%dma_wait3A_126, %dma_wait3A_127] : memref<10000x128xf32, #tpu.memory_space<vmem_shared>> -> memref<10000x128xf32, #tpu.memory_space<vmem_shared>>
        tpu.wait_indirect_dma semaphore(%run_scoped3A_116 : memref<!tpu.dma_semaphore, #tpu.memory_space<semaphore_mem>>) src(%arg13 : memref<100x128xf32, #tpu.memory_space<vmem>>) dst(%dma_wait3A_128 : memref<10000x128xf32, #tpu.memory_space<vmem_shared>>)
        tpu.yield
      }) : () -> ()
    }
    %scan3A_56 = arith.constant 50 : i32
    %barrier3A_57 = arith.constant 0 : index
    tpu.barrier barrier_id(%barrier3A_57)
    %mul3A_58 = arith.constant 625 : i32
    %mul3A_59 = arith.muli %arg1, %mul3A_58 : i32
    %mul3A_60 = arith.constant 625 : i32
    %mul3A_61 = arith.muli %arg1, %mul3A_60 : i32
    %run_scoped3A_62 = arith.constant 2 : i32
    "tpu.region"() ({
      %run_scoped3A_85 = tpu.sem_alloc : memref<!tpu.dma_semaphore, #tpu.memory_space<semaphore_mem>>
      %dma_start3A_86 = arith.constant 0 : i32
      %dma_start3A_87 = tpu.memref_slice %arg9[%arg0, %run_scoped3A_62, %mul3A_61, %dma_start3A_86] : memref<2x4x10000x128xf32, #tpu.memory_space<hbm>> -> memref<1x1x625x128xf32, #tpu.memory_space<hbm>>
      %dma_start3A_88 = tpu.memref_squeeze %dma_start3A_87 : memref<1x1x625x128xf32, #tpu.memory_space<hbm>> -> memref<625x128xf32, #tpu.memory_space<hbm>>
      %dma_start3A_89 = arith.constant 0 : i32
      %dma_start3A_90 = tpu.memref_slice %arg16[%mul3A_59, %dma_start3A_89] : memref<10000x128xf32, #tpu.memory_space<vmem_shared>> -> memref<625x128xf32, #tpu.memory_space<vmem_shared>>
      tpu.enqueue_dma source(%dma_start3A_90 : memref<625x128xf32, #tpu.memory_space<vmem_shared>>) target(%dma_start3A_88 : memref<625x128xf32, #tpu.memory_space<hbm>>) target_semaphore(%run_scoped3A_85 : memref<!tpu.dma_semaphore, #tpu.memory_space<semaphore_mem>>)
      %dma_wait3A = arith.constant 0 : i32
      %dma_wait3A_91 = tpu.memref_slice %arg9[%arg0, %run_scoped3A_62, %mul3A_61, %dma_wait3A] : memref<2x4x10000x128xf32, #tpu.memory_space<hbm>> -> memref<1x1x625x128xf32, #tpu.memory_space<hbm>>
      %dma_wait3A_92 = tpu.memref_squeeze %dma_wait3A_91 : memref<1x1x625x128xf32, #tpu.memory_space<hbm>> -> memref<625x128xf32, #tpu.memory_space<hbm>>
      %dma_wait3A_93 = arith.constant 0 : i32
      %dma_wait3A_94 = tpu.memref_slice %arg16[%mul3A_59, %dma_wait3A_93] : memref<10000x128xf32, #tpu.memory_space<vmem_shared>> -> memref<625x128xf32, #tpu.memory_space<vmem_shared>>
      tpu.wait_dma2 semaphore(%run_scoped3A_85 : memref<!tpu.dma_semaphore, #tpu.memory_space<semaphore_mem>>) src(%dma_wait3A_94 : memref<625x128xf32, #tpu.memory_space<vmem_shared>>) dst(%dma_wait3A_92 : memref<625x128xf32, #tpu.memory_space<hbm>>)
      tpu.yield
    }) : () -> ()
    %mul3A_63 = arith.constant 625 : i32
    %mul3A_64 = arith.muli %arg1, %mul3A_63 : i32
    "tpu.region"() ({
      %run_scoped3A_85 = tpu.sem_alloc : memref<!tpu.dma_semaphore, #tpu.memory_space<semaphore_mem>>
      %dma_start3A_86 = arith.constant 0 : i32
      %dma_start3A_87 = tpu.memref_slice %arg16[%mul3A_64, %dma_start3A_86] : memref<10000x128xf32, #tpu.memory_space<vmem_shared>> -> memref<625x128xf32, #tpu.memory_space<vmem_shared>>
      tpu.enqueue_dma source(%arg8 : memref<625x128xf32, #tpu.memory_space<hbm>>) target(%dma_start3A_87 : memref<625x128xf32, #tpu.memory_space<vmem_shared>>) target_semaphore(%run_scoped3A_85 : memref<!tpu.dma_semaphore, #tpu.memory_space<semaphore_mem>>)
      %dma_wait3A = arith.constant 0 : i32
      %dma_wait3A_88 = tpu.memref_slice %arg16[%mul3A_64, %dma_wait3A] : memref<10000x128xf32, #tpu.memory_space<vmem_shared>> -> memref<625x128xf32, #tpu.memory_space<vmem_shared>>
      tpu.wait_dma2 semaphore(%run_scoped3A_85 : memref<!tpu.dma_semaphore, #tpu.memory_space<semaphore_mem>>) src(%arg8 : memref<625x128xf32, #tpu.memory_space<hbm>>) dst(%dma_wait3A_88 : memref<625x128xf32, #tpu.memory_space<vmem_shared>>)
      tpu.yield
    }) : () -> ()
    %barrier3A_65 = arith.constant 0 : index
    tpu.barrier barrier_id(%barrier3A_65)
    %dma_start3A_66 = arith.constant 0 : i32
    %dma_start3A_67 = arith.constant 0 : i32
    %dma_start3A_68 = tpu.memref_slice %arg10[%dma_start3A_66, %dma_start3A_67] : memref<100x100xi32, #tpu.memory_space<vmem>> -> memref<1x100xi32, #tpu.memory_space<vmem>>
    %dma_start3A_69 = tpu.memref_squeeze %dma_start3A_68 : memref<1x100xi32, #tpu.memory_space<vmem>> -> memref<100xi32, #tpu.memory_space<vmem>>
    %dma_start3A_70 = arith.constant 0 : i32
    %dma_start3A_71 = arith.constant 0 : i32
    %dma_start3A_72 = tpu.memref_slice %arg5[%dma_start3A_70, %dma_start3A_71] : memref<10000x128xf32, #tpu.memory_space<hbm>> -> memref<10000x128xf32, #tpu.memory_space<hbm>>
    tpu.enqueue_indirect_dma source(%dma_start3A_72 : memref<10000x128xf32, #tpu.memory_space<hbm>>) target(%arg12 : memref<100x128xf32, #tpu.memory_space<vmem>>) offsets(%dma_start3A_69 : memref<100xi32, #tpu.memory_space<vmem>>) semaphore(%arg14 : memref<!tpu.dma_semaphore, #tpu.memory_space<semaphore_mem>>)
    %scan3A_73 = arith.constant 0 : i32
    %scan3A_74 = arith.constant 0 : i32
    %scan3A_75 = arith.constant 50 : i32
    %scan3A_76 = arith.addi %scan3A_74, %scan3A_75 : i32
    %scan3A_77 = arith.constant 1 : i32
    scf.for %scan3A_85 = %scan3A_74 to %scan3A_76 step %scan3A_77  : i32 {
      %mul3A_86 = arith.constant 2 : i32
      %mul3A_87 = arith.muli %scan3A_85, %mul3A_86 : i32
      %add3A_88 = arith.constant 0 : i32
      %add3A_89 = arith.addi %mul3A_87, %add3A_88 : i32
      %add3A_90 = arith.constant 1 : i32
      %add3A_91 = arith.addi %add3A_89, %add3A_90 : i32
      %lt3A = arith.constant 100 : i32
      %lt3A_92 = arith.cmpi slt, %add3A_91, %lt3A : i32
      %convert_element_type3A = arith.extui %lt3A_92 : i1 to i32
      %cond3A = arith.constant 0 : i32
      %cond3A_93 = arith.cmpi ne, %convert_element_type3A, %cond3A : i32
      scf.if %cond3A_93 {
        %add3A_116 = arith.constant 1 : i32
        %add3A_117 = arith.addi %add3A_89, %add3A_116 : i32
        %dma_start3A_118 = arith.constant 0 : i32
        %dma_start3A_119 = tpu.memref_slice %arg10[%add3A_117, %dma_start3A_118] : memref<100x100xi32, #tpu.memory_space<vmem>> -> memref<1x100xi32, #tpu.memory_space<vmem>>
        %dma_start3A_120 = tpu.memref_squeeze %dma_start3A_119 : memref<1x100xi32, #tpu.memory_space<vmem>> -> memref<100xi32, #tpu.memory_space<vmem>>
        %dma_start3A_121 = arith.constant 0 : i32
        %dma_start3A_122 = arith.constant 0 : i32
        %dma_start3A_123 = tpu.memref_slice %arg5[%dma_start3A_121, %dma_start3A_122] : memref<10000x128xf32, #tpu.memory_space<hbm>> -> memref<10000x128xf32, #tpu.memory_space<hbm>>
        tpu.enqueue_indirect_dma source(%dma_start3A_123 : memref<10000x128xf32, #tpu.memory_space<hbm>>) target(%arg13 : memref<100x128xf32, #tpu.memory_space<vmem>>) offsets(%dma_start3A_120 : memref<100xi32, #tpu.memory_space<vmem>>) semaphore(%arg15 : memref<!tpu.dma_semaphore, #tpu.memory_space<semaphore_mem>>)
      } else {
      }
      %dma_wait3A = arith.constant 0 : i32
      %dma_wait3A_94 = tpu.memref_slice %arg10[%add3A_89, %dma_wait3A] : memref<100x100xi32, #tpu.memory_space<vmem>> -> memref<1x100xi32, #tpu.memory_space<vmem>>
      %dma_wait3A_95 = tpu.memref_squeeze %dma_wait3A_94 : memref<1x100xi32, #tpu.memory_space<vmem>> -> memref<100xi32, #tpu.memory_space<vmem>>
      %dma_wait3A_96 = arith.constant 0 : i32
      %dma_wait3A_97 = arith.constant 0 : i32
      %dma_wait3A_98 = tpu.memref_slice %arg5[%dma_wait3A_96, %dma_wait3A_97] : memref<10000x128xf32, #tpu.memory_space<hbm>> -> memref<10000x128xf32, #tpu.memory_space<hbm>>
      tpu.wait_indirect_dma semaphore(%arg14 : memref<!tpu.dma_semaphore, #tpu.memory_space<semaphore_mem>>) src(%dma_wait3A_98 : memref<10000x128xf32, #tpu.memory_space<hbm>>) dst(%arg12 : memref<100x128xf32, #tpu.memory_space<vmem>>)
      "tpu.region"() ({
        %run_scoped3A_116 = tpu.sem_alloc : memref<!tpu.dma_semaphore, #tpu.memory_space<semaphore_mem>>
        %dma_start3A_117 = arith.constant 0 : i32
        %dma_start3A_118 = tpu.memref_slice %arg11[%add3A_89, %dma_start3A_117] : memref<100x100xi32, #tpu.memory_space<vmem>> -> memref<1x100xi32, #tpu.memory_space<vmem>>
        %dma_start3A_119 = tpu.memref_squeeze %dma_start3A_118 : memref<1x100xi32, #tpu.memory_space<vmem>> -> memref<100xi32, #tpu.memory_space<vmem>>
        %dma_start3A_120 = arith.constant 0 : i32
        %dma_start3A_121 = arith.constant 0 : i32
        %dma_start3A_122 = tpu.memref_slice %arg16[%dma_start3A_120, %dma_start3A_121] : memref<10000x128xf32, #tpu.memory_space<vmem_shared>> -> memref<10000x128xf32, #tpu.memory_space<vmem_shared>>
        tpu.enqueue_indirect_dma source(%arg12 : memref<100x128xf32, #tpu.memory_space<vmem>>) target(%dma_start3A_122 : memref<10000x128xf32, #tpu.memory_space<vmem_shared>>) offsets(%dma_start3A_119 : memref<100xi32, #tpu.memory_space<vmem>>) semaphore(%run_scoped3A_116 : memref<!tpu.dma_semaphore, #tpu.memory_space<semaphore_mem>>) {add = true}
        %dma_wait3A_123 = arith.constant 0 : i32
        %dma_wait3A_124 = tpu.memref_slice %arg11[%add3A_89, %dma_wait3A_123] : memref<100x100xi32, #tpu.memory_space<vmem>> -> memref<1x100xi32, #tpu.memory_space<vmem>>
        %dma_wait3A_125 = tpu.memref_squeeze %dma_wait3A_124 : memref<1x100xi32, #tpu.memory_space<vmem>> -> memref<100xi32, #tpu.memory_space<vmem>>
        %dma_wait3A_126 = arith.constant 0 : i32
        %dma_wait3A_127 = arith.constant 0 : i32
        %dma_wait3A_128 = tpu.memref_slice %arg16[%dma_wait3A_126, %dma_wait3A_127] : memref<10000x128xf32, #tpu.memory_space<vmem_shared>> -> memref<10000x128xf32, #tpu.memory_space<vmem_shared>>
        tpu.wait_indirect_dma semaphore(%run_scoped3A_116 : memref<!tpu.dma_semaphore, #tpu.memory_space<semaphore_mem>>) src(%arg12 : memref<100x128xf32, #tpu.memory_space<vmem>>) dst(%dma_wait3A_128 : memref<10000x128xf32, #tpu.memory_space<vmem_shared>>)
        tpu.yield
      }) : () -> ()
      %mul3A_99 = arith.constant 2 : i32
      %mul3A_100 = arith.muli %scan3A_85, %mul3A_99 : i32
      %add3A_101 = arith.constant 1 : i32
      %add3A_102 = arith.addi %mul3A_100, %add3A_101 : i32
      %add3A_103 = arith.constant 1 : i32
      %add3A_104 = arith.addi %add3A_102, %add3A_103 : i32
      %lt3A_105 = arith.constant 100 : i32
      %lt3A_106 = arith.cmpi slt, %add3A_104, %lt3A_105 : i32
      %convert_element_type3A_107 = arith.extui %lt3A_106 : i1 to i32
      %cond3A_108 = arith.constant 0 : i32
      %cond3A_109 = arith.cmpi ne, %convert_element_type3A_107, %cond3A_108 : i32
      scf.if %cond3A_109 {
        %add3A_116 = arith.constant 1 : i32
        %add3A_117 = arith.addi %add3A_102, %add3A_116 : i32
        %dma_start3A_118 = arith.constant 0 : i32
        %dma_start3A_119 = tpu.memref_slice %arg10[%add3A_117, %dma_start3A_118] : memref<100x100xi32, #tpu.memory_space<vmem>> -> memref<1x100xi32, #tpu.memory_space<vmem>>
        %dma_start3A_120 = tpu.memref_squeeze %dma_start3A_119 : memref<1x100xi32, #tpu.memory_space<vmem>> -> memref<100xi32, #tpu.memory_space<vmem>>
        %dma_start3A_121 = arith.constant 0 : i32
        %dma_start3A_122 = arith.constant 0 : i32
        %dma_start3A_123 = tpu.memref_slice %arg5[%dma_start3A_121, %dma_start3A_122] : memref<10000x128xf32, #tpu.memory_space<hbm>> -> memref<10000x128xf32, #tpu.memory_space<hbm>>
        tpu.enqueue_indirect_dma source(%dma_start3A_123 : memref<10000x128xf32, #tpu.memory_space<hbm>>) target(%arg12 : memref<100x128xf32, #tpu.memory_space<vmem>>) offsets(%dma_start3A_120 : memref<100xi32, #tpu.memory_space<vmem>>) semaphore(%arg14 : memref<!tpu.dma_semaphore, #tpu.memory_space<semaphore_mem>>)
      } else {
      }
      %dma_wait3A_110 = arith.constant 0 : i32
      %dma_wait3A_111 = tpu.memref_slice %arg10[%add3A_102, %dma_wait3A_110] : memref<100x100xi32, #tpu.memory_space<vmem>> -> memref<1x100xi32, #tpu.memory_space<vmem>>
      %dma_wait3A_112 = tpu.memref_squeeze %dma_wait3A_111 : memref<1x100xi32, #tpu.memory_space<vmem>> -> memref<100xi32, #tpu.memory_space<vmem>>
      %dma_wait3A_113 = arith.constant 0 : i32
      %dma_wait3A_114 = arith.constant 0 : i32
      %dma_wait3A_115 = tpu.memref_slice %arg5[%dma_wait3A_113, %dma_wait3A_114] : memref<10000x128xf32, #tpu.memory_space<hbm>> -> memref<10000x128xf32, #tpu.memory_space<hbm>>
      tpu.wait_indirect_dma semaphore(%arg15 : memref<!tpu.dma_semaphore, #tpu.memory_space<semaphore_mem>>) src(%dma_wait3A_115 : memref<10000x128xf32, #tpu.memory_space<hbm>>) dst(%arg13 : memref<100x128xf32, #tpu.memory_space<vmem>>)
      "tpu.region"() ({
        %run_scoped3A_116 = tpu.sem_alloc : memref<!tpu.dma_semaphore, #tpu.memory_space<semaphore_mem>>
        %dma_start3A_117 = arith.constant 0 : i32
        %dma_start3A_118 = tpu.memref_slice %arg11[%add3A_102, %dma_start3A_117] : memref<100x100xi32, #tpu.memory_space<vmem>> -> memref<1x100xi32, #tpu.memory_space<vmem>>
        %dma_start3A_119 = tpu.memref_squeeze %dma_start3A_118 : memref<1x100xi32, #tpu.memory_space<vmem>> -> memref<100xi32, #tpu.memory_space<vmem>>
        %dma_start3A_120 = arith.constant 0 : i32
        %dma_start3A_121 = arith.constant 0 : i32
        %dma_start3A_122 = tpu.memref_slice %arg16[%dma_start3A_120, %dma_start3A_121] : memref<10000x128xf32, #tpu.memory_space<vmem_shared>> -> memref<10000x128xf32, #tpu.memory_space<vmem_shared>>
        tpu.enqueue_indirect_dma source(%arg13 : memref<100x128xf32, #tpu.memory_space<vmem>>) target(%dma_start3A_122 : memref<10000x128xf32, #tpu.memory_space<vmem_shared>>) offsets(%dma_start3A_119 : memref<100xi32, #tpu.memory_space<vmem>>) semaphore(%run_scoped3A_116 : memref<!tpu.dma_semaphore, #tpu.memory_space<semaphore_mem>>) {add = true}
        %dma_wait3A_123 = arith.constant 0 : i32
        %dma_wait3A_124 = tpu.memref_slice %arg11[%add3A_102, %dma_wait3A_123] : memref<100x100xi32, #tpu.memory_space<vmem>> -> memref<1x100xi32, #tpu.memory_space<vmem>>
        %dma_wait3A_125 = tpu.memref_squeeze %dma_wait3A_124 : memref<1x100xi32, #tpu.memory_space<vmem>> -> memref<100xi32, #tpu.memory_space<vmem>>
        %dma_wait3A_126 = arith.constant 0 : i32
        %dma_wait3A_127 = arith.constant 0 : i32
        %dma_wait3A_128 = tpu.memref_slice %arg16[%dma_wait3A_126, %dma_wait3A_127] : memref<10000x128xf32, #tpu.memory_space<vmem_shared>> -> memref<10000x128xf32, #tpu.memory_space<vmem_shared>>
        tpu.wait_indirect_dma semaphore(%run_scoped3A_116 : memref<!tpu.dma_semaphore, #tpu.memory_space<semaphore_mem>>) src(%arg13 : memref<100x128xf32, #tpu.memory_space<vmem>>) dst(%dma_wait3A_128 : memref<10000x128xf32, #tpu.memory_space<vmem_shared>>)
        tpu.yield
      }) : () -> ()
    }
    %scan3A_78 = arith.constant 50 : i32
    %barrier3A_79 = arith.constant 0 : index
    tpu.barrier barrier_id(%barrier3A_79)
    %mul3A_80 = arith.constant 625 : i32
    %mul3A_81 = arith.muli %arg1, %mul3A_80 : i32
    %mul3A_82 = arith.constant 625 : i32
    %mul3A_83 = arith.muli %arg1, %mul3A_82 : i32
    %run_scoped3A_84 = arith.constant 3 : i32
    "tpu.region"() ({
      %run_scoped3A_85 = tpu.sem_alloc : memref<!tpu.dma_semaphore, #tpu.memory_space<semaphore_mem>>
      %dma_start3A_86 = arith.constant 0 : i32
      %dma_start3A_87 = tpu.memref_slice %arg9[%arg0, %run_scoped3A_84, %mul3A_83, %dma_start3A_86] : memref<2x4x10000x128xf32, #tpu.memory_space<hbm>> -> memref<1x1x625x128xf32, #tpu.memory_space<hbm>>
      %dma_start3A_88 = tpu.memref_squeeze %dma_start3A_87 : memref<1x1x625x128xf32, #tpu.memory_space<hbm>> -> memref<625x128xf32, #tpu.memory_space<hbm>>
      %dma_start3A_89 = arith.constant 0 : i32
      %dma_start3A_90 = tpu.memref_slice %arg16[%mul3A_81, %dma_start3A_89] : memref<10000x128xf32, #tpu.memory_space<vmem_shared>> -> memref<625x128xf32, #tpu.memory_space<vmem_shared>>
      tpu.enqueue_dma source(%dma_start3A_90 : memref<625x128xf32, #tpu.memory_space<vmem_shared>>) target(%dma_start3A_88 : memref<625x128xf32, #tpu.memory_space<hbm>>) target_semaphore(%run_scoped3A_85 : memref<!tpu.dma_semaphore, #tpu.memory_space<semaphore_mem>>)
      %dma_wait3A = arith.constant 0 : i32
      %dma_wait3A_91 = tpu.memref_slice %arg9[%arg0, %run_scoped3A_84, %mul3A_83, %dma_wait3A] : memref<2x4x10000x128xf32, #tpu.memory_space<hbm>> -> memref<1x1x625x128xf32, #tpu.memory_space<hbm>>
      %dma_wait3A_92 = tpu.memref_squeeze %dma_wait3A_91 : memref<1x1x625x128xf32, #tpu.memory_space<hbm>> -> memref<625x128xf32, #tpu.memory_space<hbm>>
      %dma_wait3A_93 = arith.constant 0 : i32
      %dma_wait3A_94 = tpu.memref_slice %arg16[%mul3A_81, %dma_wait3A_93] : memref<10000x128xf32, #tpu.memory_space<vmem_shared>> -> memref<625x128xf32, #tpu.memory_space<vmem_shared>>
      tpu.wait_dma2 semaphore(%run_scoped3A_85 : memref<!tpu.dma_semaphore, #tpu.memory_space<semaphore_mem>>) src(%dma_wait3A_94 : memref<625x128xf32, #tpu.memory_space<vmem_shared>>) dst(%dma_wait3A_92 : memref<625x128xf32, #tpu.memory_space<hbm>>)
      tpu.yield
    }) : () -> ()
    return
  }
}

#map = affine_map<(d0, d1) -> (0, 0)>
#map1 = affine_map<(d0, d1) -> (0, 0, 0)>
#map2 = affine_map<(d0, d1) -> (0, 0, 0, 0)>
module attributes {stable_mosaic.version = 14 : i64} {
  func.func @body(%arg0: i32, %arg1: i32, %arg2: memref<10000x128xf32, #tpu.memory_space<hbm>>, %arg3: memref<10000x128xf32, #tpu.memory_space<hbm>>, %arg4: memref<32x100x100xi32, #tpu.memory_space<hbm>>, %arg5: memref<32x100x100xi32, #tpu.memory_space<hbm>>, %arg6: memref<625x128xf32, #tpu.memory_space<hbm>>, %arg7: memref<2x2x10000x128xf32, #tpu.memory_space<hbm>>, %arg8: memref<100x100xi32, #tpu.memory_space<vmem>>, %arg9: memref<100x100xi32, #tpu.memory_space<vmem>>, %arg10: memref<100x128xf32, #tpu.memory_space<vmem>>, %arg11: memref<100x128xf32, #tpu.memory_space<vmem>>, %arg12: memref<!tpu.dma_semaphore, #tpu.memory_space<semaphore_mem>>, %arg13: memref<!tpu.dma_semaphore, #tpu.memory_space<semaphore_mem>>, %arg14: memref<10000x128xf32, #tpu.memory_space<vmem_shared>>) attributes {dimension_semantics = [#tpu.dimension_semantics<core_parallel>, #tpu.dimension_semantics<subcore_parallel>], iteration_bounds = array<i64: 2, 16>, scalar_prefetch = 0 : i64, scratch_operands = 7 : i64, tpu.core_type = #tpu.core_type<sc_vector_subcore>, window_params = [{transform_indices = #map}, {transform_indices = #map}, {transform_indices = #map1}, {transform_indices = #map1}, {transform_indices = #map}, {transform_indices = #map2}]} {
    %mul3A = arith.constant 2 : i32
    %mul3A_0 = arith.muli %arg1, %mul3A : i32
    %add3A = arith.addi %mul3A_0, %arg0 : i32
    "tpu.region"() ({
      %run_scoped3A_41 = tpu.sem_alloc : memref<!tpu.dma_semaphore, #tpu.memory_space<semaphore_mem>>
      %dma_start3A_42 = arith.constant 0 : i32
      %dma_start3A_43 = arith.constant 0 : i32
      %dma_start3A_44 = tpu.memref_slice %arg4[%add3A, %dma_start3A_42, %dma_start3A_43] : memref<32x100x100xi32, #tpu.memory_space<hbm>> -> memref<1x100x100xi32, #tpu.memory_space<hbm>>
      %dma_start3A_45 = tpu.memref_squeeze %dma_start3A_44 : memref<1x100x100xi32, #tpu.memory_space<hbm>> -> memref<100x100xi32, #tpu.memory_space<hbm>>
      %dma_start3A_46 = arith.constant 0 : i32
      %dma_start3A_47 = arith.constant 0 : i32
      %dma_start3A_48 = tpu.memref_slice %arg4[%add3A, %dma_start3A_46, %dma_start3A_47] : memref<32x100x100xi32, #tpu.memory_space<hbm>> -> memref<1x100x100xi32, #tpu.memory_space<hbm>>
      %dma_start3A_49 = tpu.memref_squeeze %dma_start3A_48 : memref<1x100x100xi32, #tpu.memory_space<hbm>> -> memref<100x100xi32, #tpu.memory_space<hbm>>
      tpu.enqueue_dma source(%dma_start3A_49 : memref<100x100xi32, #tpu.memory_space<hbm>>) target(%arg8 : memref<100x100xi32, #tpu.memory_space<vmem>>) target_semaphore(%run_scoped3A_41 : memref<!tpu.dma_semaphore, #tpu.memory_space<semaphore_mem>>)
      %dma_wait3A = arith.constant 0 : i32
      %dma_wait3A_50 = arith.constant 0 : i32
      %dma_wait3A_51 = tpu.memref_slice %arg4[%add3A, %dma_wait3A, %dma_wait3A_50] : memref<32x100x100xi32, #tpu.memory_space<hbm>> -> memref<1x100x100xi32, #tpu.memory_space<hbm>>
      %dma_wait3A_52 = tpu.memref_squeeze %dma_wait3A_51 : memref<1x100x100xi32, #tpu.memory_space<hbm>> -> memref<100x100xi32, #tpu.memory_space<hbm>>
      %dma_wait3A_53 = arith.constant 0 : i32
      %dma_wait3A_54 = arith.constant 0 : i32
      %dma_wait3A_55 = tpu.memref_slice %arg4[%add3A, %dma_wait3A_53, %dma_wait3A_54] : memref<32x100x100xi32, #tpu.memory_space<hbm>> -> memref<1x100x100xi32, #tpu.memory_space<hbm>>
      %dma_wait3A_56 = tpu.memref_squeeze %dma_wait3A_55 : memref<1x100x100xi32, #tpu.memory_space<hbm>> -> memref<100x100xi32, #tpu.memory_space<hbm>>
      tpu.wait_dma2 semaphore(%run_scoped3A_41 : memref<!tpu.dma_semaphore, #tpu.memory_space<semaphore_mem>>) src(%dma_wait3A_56 : memref<100x100xi32, #tpu.memory_space<hbm>>) dst(%arg8 : memref<100x100xi32, #tpu.memory_space<vmem>>)
      tpu.yield
    }) : () -> ()
    "tpu.region"() ({
      %run_scoped3A_41 = tpu.sem_alloc : memref<!tpu.dma_semaphore, #tpu.memory_space<semaphore_mem>>
      %dma_start3A_42 = arith.constant 0 : i32
      %dma_start3A_43 = arith.constant 0 : i32
      %dma_start3A_44 = tpu.memref_slice %arg5[%add3A, %dma_start3A_42, %dma_start3A_43] : memref<32x100x100xi32, #tpu.memory_space<hbm>> -> memref<1x100x100xi32, #tpu.memory_space<hbm>>
      %dma_start3A_45 = tpu.memref_squeeze %dma_start3A_44 : memref<1x100x100xi32, #tpu.memory_space<hbm>> -> memref<100x100xi32, #tpu.memory_space<hbm>>
      %dma_start3A_46 = arith.constant 0 : i32
      %dma_start3A_47 = arith.constant 0 : i32
      %dma_start3A_48 = tpu.memref_slice %arg5[%add3A, %dma_start3A_46, %dma_start3A_47] : memref<32x100x100xi32, #tpu.memory_space<hbm>> -> memref<1x100x100xi32, #tpu.memory_space<hbm>>
      %dma_start3A_49 = tpu.memref_squeeze %dma_start3A_48 : memref<1x100x100xi32, #tpu.memory_space<hbm>> -> memref<100x100xi32, #tpu.memory_space<hbm>>
      tpu.enqueue_dma source(%dma_start3A_49 : memref<100x100xi32, #tpu.memory_space<hbm>>) target(%arg9 : memref<100x100xi32, #tpu.memory_space<vmem>>) target_semaphore(%run_scoped3A_41 : memref<!tpu.dma_semaphore, #tpu.memory_space<semaphore_mem>>)
      %dma_wait3A = arith.constant 0 : i32
      %dma_wait3A_50 = arith.constant 0 : i32
      %dma_wait3A_51 = tpu.memref_slice %arg5[%add3A, %dma_wait3A, %dma_wait3A_50] : memref<32x100x100xi32, #tpu.memory_space<hbm>> -> memref<1x100x100xi32, #tpu.memory_space<hbm>>
      %dma_wait3A_52 = tpu.memref_squeeze %dma_wait3A_51 : memref<1x100x100xi32, #tpu.memory_space<hbm>> -> memref<100x100xi32, #tpu.memory_space<hbm>>
      %dma_wait3A_53 = arith.constant 0 : i32
      %dma_wait3A_54 = arith.constant 0 : i32
      %dma_wait3A_55 = tpu.memref_slice %arg5[%add3A, %dma_wait3A_53, %dma_wait3A_54] : memref<32x100x100xi32, #tpu.memory_space<hbm>> -> memref<1x100x100xi32, #tpu.memory_space<hbm>>
      %dma_wait3A_56 = tpu.memref_squeeze %dma_wait3A_55 : memref<1x100x100xi32, #tpu.memory_space<hbm>> -> memref<100x100xi32, #tpu.memory_space<hbm>>
      tpu.wait_dma2 semaphore(%run_scoped3A_41 : memref<!tpu.dma_semaphore, #tpu.memory_space<semaphore_mem>>) src(%dma_wait3A_56 : memref<100x100xi32, #tpu.memory_space<hbm>>) dst(%arg9 : memref<100x100xi32, #tpu.memory_space<vmem>>)
      tpu.yield
    }) : () -> ()
    %mul3A_1 = arith.constant 625 : i32
    %mul3A_2 = arith.muli %arg1, %mul3A_1 : i32
    "tpu.region"() ({
      %run_scoped3A_41 = tpu.sem_alloc : memref<!tpu.dma_semaphore, #tpu.memory_space<semaphore_mem>>
      %dma_start3A_42 = arith.constant 0 : i32
      %dma_start3A_43 = tpu.memref_slice %arg14[%mul3A_2, %dma_start3A_42] : memref<10000x128xf32, #tpu.memory_space<vmem_shared>> -> memref<625x128xf32, #tpu.memory_space<vmem_shared>>
      tpu.enqueue_dma source(%arg6 : memref<625x128xf32, #tpu.memory_space<hbm>>) target(%dma_start3A_43 : memref<625x128xf32, #tpu.memory_space<vmem_shared>>) target_semaphore(%run_scoped3A_41 : memref<!tpu.dma_semaphore, #tpu.memory_space<semaphore_mem>>)
      %dma_wait3A = arith.constant 0 : i32
      %dma_wait3A_44 = tpu.memref_slice %arg14[%mul3A_2, %dma_wait3A] : memref<10000x128xf32, #tpu.memory_space<vmem_shared>> -> memref<625x128xf32, #tpu.memory_space<vmem_shared>>
      tpu.wait_dma2 semaphore(%run_scoped3A_41 : memref<!tpu.dma_semaphore, #tpu.memory_space<semaphore_mem>>) src(%arg6 : memref<625x128xf32, #tpu.memory_space<hbm>>) dst(%dma_wait3A_44 : memref<625x128xf32, #tpu.memory_space<vmem_shared>>)
      tpu.yield
    }) : () -> ()
    %barrier3A = arith.constant 0 : index
    tpu.barrier barrier_id(%barrier3A)
    %dma_start3A = arith.constant 0 : i32
    %dma_start3A_3 = arith.constant 0 : i32
    %dma_start3A_4 = tpu.memref_slice %arg8[%dma_start3A, %dma_start3A_3] : memref<100x100xi32, #tpu.memory_space<vmem>> -> memref<1x100xi32, #tpu.memory_space<vmem>>
    %dma_start3A_5 = tpu.memref_squeeze %dma_start3A_4 : memref<1x100xi32, #tpu.memory_space<vmem>> -> memref<100xi32, #tpu.memory_space<vmem>>
    %dma_start3A_6 = arith.constant 0 : i32
    %dma_start3A_7 = arith.constant 0 : i32
    %dma_start3A_8 = tpu.memref_slice %arg2[%dma_start3A_6, %dma_start3A_7] : memref<10000x128xf32, #tpu.memory_space<hbm>> -> memref<10000x128xf32, #tpu.memory_space<hbm>>
    tpu.enqueue_indirect_dma source(%dma_start3A_8 : memref<10000x128xf32, #tpu.memory_space<hbm>>) target(%arg10 : memref<100x128xf32, #tpu.memory_space<vmem>>) offsets(%dma_start3A_5 : memref<100xi32, #tpu.memory_space<vmem>>) semaphore(%arg12 : memref<!tpu.dma_semaphore, #tpu.memory_space<semaphore_mem>>)
    %scan3A = arith.constant 0 : i32
    %scan3A_9 = arith.constant 0 : i32
    %scan3A_10 = arith.constant 50 : i32
    %scan3A_11 = arith.addi %scan3A_9, %scan3A_10 : i32
    %scan3A_12 = arith.constant 1 : i32
    scf.for %scan3A_41 = %scan3A_9 to %scan3A_11 step %scan3A_12  : i32 {
      %mul3A_42 = arith.constant 2 : i32
      %mul3A_43 = arith.muli %scan3A_41, %mul3A_42 : i32
      %add3A_44 = arith.constant 0 : i32
      %add3A_45 = arith.addi %mul3A_43, %add3A_44 : i32
      %add3A_46 = arith.constant 1 : i32
      %add3A_47 = arith.addi %add3A_45, %add3A_46 : i32
      %lt3A = arith.constant 100 : i32
      %lt3A_48 = arith.cmpi slt, %add3A_47, %lt3A : i32
      %convert_element_type3A = arith.extui %lt3A_48 : i1 to i32
      %cond3A = arith.constant 0 : i32
      %cond3A_49 = arith.cmpi ne, %convert_element_type3A, %cond3A : i32
      scf.if %cond3A_49 {
        %add3A_72 = arith.constant 1 : i32
        %add3A_73 = arith.addi %add3A_45, %add3A_72 : i32
        %dma_start3A_74 = arith.constant 0 : i32
        %dma_start3A_75 = tpu.memref_slice %arg8[%add3A_73, %dma_start3A_74] : memref<100x100xi32, #tpu.memory_space<vmem>> -> memref<1x100xi32, #tpu.memory_space<vmem>>
        %dma_start3A_76 = tpu.memref_squeeze %dma_start3A_75 : memref<1x100xi32, #tpu.memory_space<vmem>> -> memref<100xi32, #tpu.memory_space<vmem>>
        %dma_start3A_77 = arith.constant 0 : i32
        %dma_start3A_78 = arith.constant 0 : i32
        %dma_start3A_79 = tpu.memref_slice %arg2[%dma_start3A_77, %dma_start3A_78] : memref<10000x128xf32, #tpu.memory_space<hbm>> -> memref<10000x128xf32, #tpu.memory_space<hbm>>
        tpu.enqueue_indirect_dma source(%dma_start3A_79 : memref<10000x128xf32, #tpu.memory_space<hbm>>) target(%arg11 : memref<100x128xf32, #tpu.memory_space<vmem>>) offsets(%dma_start3A_76 : memref<100xi32, #tpu.memory_space<vmem>>) semaphore(%arg13 : memref<!tpu.dma_semaphore, #tpu.memory_space<semaphore_mem>>)
      } else {
      }
      %dma_wait3A = arith.constant 0 : i32
      %dma_wait3A_50 = tpu.memref_slice %arg8[%add3A_45, %dma_wait3A] : memref<100x100xi32, #tpu.memory_space<vmem>> -> memref<1x100xi32, #tpu.memory_space<vmem>>
      %dma_wait3A_51 = tpu.memref_squeeze %dma_wait3A_50 : memref<1x100xi32, #tpu.memory_space<vmem>> -> memref<100xi32, #tpu.memory_space<vmem>>
      %dma_wait3A_52 = arith.constant 0 : i32
      %dma_wait3A_53 = arith.constant 0 : i32
      %dma_wait3A_54 = tpu.memref_slice %arg2[%dma_wait3A_52, %dma_wait3A_53] : memref<10000x128xf32, #tpu.memory_space<hbm>> -> memref<10000x128xf32, #tpu.memory_space<hbm>>
      tpu.wait_indirect_dma semaphore(%arg12 : memref<!tpu.dma_semaphore, #tpu.memory_space<semaphore_mem>>) src(%dma_wait3A_54 : memref<10000x128xf32, #tpu.memory_space<hbm>>) dst(%arg10 : memref<100x128xf32, #tpu.memory_space<vmem>>)
      "tpu.region"() ({
        %run_scoped3A_72 = tpu.sem_alloc : memref<!tpu.dma_semaphore, #tpu.memory_space<semaphore_mem>>
        %dma_start3A_73 = arith.constant 0 : i32
        %dma_start3A_74 = tpu.memref_slice %arg9[%add3A_45, %dma_start3A_73] : memref<100x100xi32, #tpu.memory_space<vmem>> -> memref<1x100xi32, #tpu.memory_space<vmem>>
        %dma_start3A_75 = tpu.memref_squeeze %dma_start3A_74 : memref<1x100xi32, #tpu.memory_space<vmem>> -> memref<100xi32, #tpu.memory_space<vmem>>
        %dma_start3A_76 = arith.constant 0 : i32
        %dma_start3A_77 = arith.constant 0 : i32
        %dma_start3A_78 = tpu.memref_slice %arg14[%dma_start3A_76, %dma_start3A_77] : memref<10000x128xf32, #tpu.memory_space<vmem_shared>> -> memref<10000x128xf32, #tpu.memory_space<vmem_shared>>
        tpu.enqueue_indirect_dma source(%arg10 : memref<100x128xf32, #tpu.memory_space<vmem>>) target(%dma_start3A_78 : memref<10000x128xf32, #tpu.memory_space<vmem_shared>>) offsets(%dma_start3A_75 : memref<100xi32, #tpu.memory_space<vmem>>) semaphore(%run_scoped3A_72 : memref<!tpu.dma_semaphore, #tpu.memory_space<semaphore_mem>>) {add = true}
        %dma_wait3A_79 = arith.constant 0 : i32
        %dma_wait3A_80 = tpu.memref_slice %arg9[%add3A_45, %dma_wait3A_79] : memref<100x100xi32, #tpu.memory_space<vmem>> -> memref<1x100xi32, #tpu.memory_space<vmem>>
        %dma_wait3A_81 = tpu.memref_squeeze %dma_wait3A_80 : memref<1x100xi32, #tpu.memory_space<vmem>> -> memref<100xi32, #tpu.memory_space<vmem>>
        %dma_wait3A_82 = arith.constant 0 : i32
        %dma_wait3A_83 = arith.constant 0 : i32
        %dma_wait3A_84 = tpu.memref_slice %arg14[%dma_wait3A_82, %dma_wait3A_83] : memref<10000x128xf32, #tpu.memory_space<vmem_shared>> -> memref<10000x128xf32, #tpu.memory_space<vmem_shared>>
        tpu.wait_indirect_dma semaphore(%run_scoped3A_72 : memref<!tpu.dma_semaphore, #tpu.memory_space<semaphore_mem>>) src(%arg10 : memref<100x128xf32, #tpu.memory_space<vmem>>) dst(%dma_wait3A_84 : memref<10000x128xf32, #tpu.memory_space<vmem_shared>>)
        tpu.yield
      }) : () -> ()
      %mul3A_55 = arith.constant 2 : i32
      %mul3A_56 = arith.muli %scan3A_41, %mul3A_55 : i32
      %add3A_57 = arith.constant 1 : i32
      %add3A_58 = arith.addi %mul3A_56, %add3A_57 : i32
      %add3A_59 = arith.constant 1 : i32
      %add3A_60 = arith.addi %add3A_58, %add3A_59 : i32
      %lt3A_61 = arith.constant 100 : i32
      %lt3A_62 = arith.cmpi slt, %add3A_60, %lt3A_61 : i32
      %convert_element_type3A_63 = arith.extui %lt3A_62 : i1 to i32
      %cond3A_64 = arith.constant 0 : i32
      %cond3A_65 = arith.cmpi ne, %convert_element_type3A_63, %cond3A_64 : i32
      scf.if %cond3A_65 {
        %add3A_72 = arith.constant 1 : i32
        %add3A_73 = arith.addi %add3A_58, %add3A_72 : i32
        %dma_start3A_74 = arith.constant 0 : i32
        %dma_start3A_75 = tpu.memref_slice %arg8[%add3A_73, %dma_start3A_74] : memref<100x100xi32, #tpu.memory_space<vmem>> -> memref<1x100xi32, #tpu.memory_space<vmem>>
        %dma_start3A_76 = tpu.memref_squeeze %dma_start3A_75 : memref<1x100xi32, #tpu.memory_space<vmem>> -> memref<100xi32, #tpu.memory_space<vmem>>
        %dma_start3A_77 = arith.constant 0 : i32
        %dma_start3A_78 = arith.constant 0 : i32
        %dma_start3A_79 = tpu.memref_slice %arg2[%dma_start3A_77, %dma_start3A_78] : memref<10000x128xf32, #tpu.memory_space<hbm>> -> memref<10000x128xf32, #tpu.memory_space<hbm>>
        tpu.enqueue_indirect_dma source(%dma_start3A_79 : memref<10000x128xf32, #tpu.memory_space<hbm>>) target(%arg10 : memref<100x128xf32, #tpu.memory_space<vmem>>) offsets(%dma_start3A_76 : memref<100xi32, #tpu.memory_space<vmem>>) semaphore(%arg12 : memref<!tpu.dma_semaphore, #tpu.memory_space<semaphore_mem>>)
      } else {
      }
      %dma_wait3A_66 = arith.constant 0 : i32
      %dma_wait3A_67 = tpu.memref_slice %arg8[%add3A_58, %dma_wait3A_66] : memref<100x100xi32, #tpu.memory_space<vmem>> -> memref<1x100xi32, #tpu.memory_space<vmem>>
      %dma_wait3A_68 = tpu.memref_squeeze %dma_wait3A_67 : memref<1x100xi32, #tpu.memory_space<vmem>> -> memref<100xi32, #tpu.memory_space<vmem>>
      %dma_wait3A_69 = arith.constant 0 : i32
      %dma_wait3A_70 = arith.constant 0 : i32
      %dma_wait3A_71 = tpu.memref_slice %arg2[%dma_wait3A_69, %dma_wait3A_70] : memref<10000x128xf32, #tpu.memory_space<hbm>> -> memref<10000x128xf32, #tpu.memory_space<hbm>>
      tpu.wait_indirect_dma semaphore(%arg13 : memref<!tpu.dma_semaphore, #tpu.memory_space<semaphore_mem>>) src(%dma_wait3A_71 : memref<10000x128xf32, #tpu.memory_space<hbm>>) dst(%arg11 : memref<100x128xf32, #tpu.memory_space<vmem>>)
      "tpu.region"() ({
        %run_scoped3A_72 = tpu.sem_alloc : memref<!tpu.dma_semaphore, #tpu.memory_space<semaphore_mem>>
        %dma_start3A_73 = arith.constant 0 : i32
        %dma_start3A_74 = tpu.memref_slice %arg9[%add3A_58, %dma_start3A_73] : memref<100x100xi32, #tpu.memory_space<vmem>> -> memref<1x100xi32, #tpu.memory_space<vmem>>
        %dma_start3A_75 = tpu.memref_squeeze %dma_start3A_74 : memref<1x100xi32, #tpu.memory_space<vmem>> -> memref<100xi32, #tpu.memory_space<vmem>>
        %dma_start3A_76 = arith.constant 0 : i32
        %dma_start3A_77 = arith.constant 0 : i32
        %dma_start3A_78 = tpu.memref_slice %arg14[%dma_start3A_76, %dma_start3A_77] : memref<10000x128xf32, #tpu.memory_space<vmem_shared>> -> memref<10000x128xf32, #tpu.memory_space<vmem_shared>>
        tpu.enqueue_indirect_dma source(%arg11 : memref<100x128xf32, #tpu.memory_space<vmem>>) target(%dma_start3A_78 : memref<10000x128xf32, #tpu.memory_space<vmem_shared>>) offsets(%dma_start3A_75 : memref<100xi32, #tpu.memory_space<vmem>>) semaphore(%run_scoped3A_72 : memref<!tpu.dma_semaphore, #tpu.memory_space<semaphore_mem>>) {add = true}
        %dma_wait3A_79 = arith.constant 0 : i32
        %dma_wait3A_80 = tpu.memref_slice %arg9[%add3A_58, %dma_wait3A_79] : memref<100x100xi32, #tpu.memory_space<vmem>> -> memref<1x100xi32, #tpu.memory_space<vmem>>
        %dma_wait3A_81 = tpu.memref_squeeze %dma_wait3A_80 : memref<1x100xi32, #tpu.memory_space<vmem>> -> memref<100xi32, #tpu.memory_space<vmem>>
        %dma_wait3A_82 = arith.constant 0 : i32
        %dma_wait3A_83 = arith.constant 0 : i32
        %dma_wait3A_84 = tpu.memref_slice %arg14[%dma_wait3A_82, %dma_wait3A_83] : memref<10000x128xf32, #tpu.memory_space<vmem_shared>> -> memref<10000x128xf32, #tpu.memory_space<vmem_shared>>
        tpu.wait_indirect_dma semaphore(%run_scoped3A_72 : memref<!tpu.dma_semaphore, #tpu.memory_space<semaphore_mem>>) src(%arg11 : memref<100x128xf32, #tpu.memory_space<vmem>>) dst(%dma_wait3A_84 : memref<10000x128xf32, #tpu.memory_space<vmem_shared>>)
        tpu.yield
      }) : () -> ()
    }
    %scan3A_13 = arith.constant 50 : i32
    %barrier3A_14 = arith.constant 0 : index
    tpu.barrier barrier_id(%barrier3A_14)
    %mul3A_15 = arith.constant 625 : i32
    %mul3A_16 = arith.muli %arg1, %mul3A_15 : i32
    %mul3A_17 = arith.constant 625 : i32
    %mul3A_18 = arith.muli %arg1, %mul3A_17 : i32
    %run_scoped3A = arith.constant 0 : i32
    "tpu.region"() ({
      %run_scoped3A_41 = tpu.sem_alloc : memref<!tpu.dma_semaphore, #tpu.memory_space<semaphore_mem>>
      %dma_start3A_42 = arith.constant 0 : i32
      %dma_start3A_43 = tpu.memref_slice %arg7[%arg0, %run_scoped3A, %mul3A_18, %dma_start3A_42] : memref<2x2x10000x128xf32, #tpu.memory_space<hbm>> -> memref<1x1x625x128xf32, #tpu.memory_space<hbm>>
      %dma_start3A_44 = tpu.memref_squeeze %dma_start3A_43 : memref<1x1x625x128xf32, #tpu.memory_space<hbm>> -> memref<625x128xf32, #tpu.memory_space<hbm>>
      %dma_start3A_45 = arith.constant 0 : i32
      %dma_start3A_46 = tpu.memref_slice %arg14[%mul3A_16, %dma_start3A_45] : memref<10000x128xf32, #tpu.memory_space<vmem_shared>> -> memref<625x128xf32, #tpu.memory_space<vmem_shared>>
      tpu.enqueue_dma source(%dma_start3A_46 : memref<625x128xf32, #tpu.memory_space<vmem_shared>>) target(%dma_start3A_44 : memref<625x128xf32, #tpu.memory_space<hbm>>) target_semaphore(%run_scoped3A_41 : memref<!tpu.dma_semaphore, #tpu.memory_space<semaphore_mem>>)
      %dma_wait3A = arith.constant 0 : i32
      %dma_wait3A_47 = tpu.memref_slice %arg7[%arg0, %run_scoped3A, %mul3A_18, %dma_wait3A] : memref<2x2x10000x128xf32, #tpu.memory_space<hbm>> -> memref<1x1x625x128xf32, #tpu.memory_space<hbm>>
      %dma_wait3A_48 = tpu.memref_squeeze %dma_wait3A_47 : memref<1x1x625x128xf32, #tpu.memory_space<hbm>> -> memref<625x128xf32, #tpu.memory_space<hbm>>
      %dma_wait3A_49 = arith.constant 0 : i32
      %dma_wait3A_50 = tpu.memref_slice %arg14[%mul3A_16, %dma_wait3A_49] : memref<10000x128xf32, #tpu.memory_space<vmem_shared>> -> memref<625x128xf32, #tpu.memory_space<vmem_shared>>
      tpu.wait_dma2 semaphore(%run_scoped3A_41 : memref<!tpu.dma_semaphore, #tpu.memory_space<semaphore_mem>>) src(%dma_wait3A_50 : memref<625x128xf32, #tpu.memory_space<vmem_shared>>) dst(%dma_wait3A_48 : memref<625x128xf32, #tpu.memory_space<hbm>>)
      tpu.yield
    }) : () -> ()
    %mul3A_19 = arith.constant 625 : i32
    %mul3A_20 = arith.muli %arg1, %mul3A_19 : i32
    "tpu.region"() ({
      %run_scoped3A_41 = tpu.sem_alloc : memref<!tpu.dma_semaphore, #tpu.memory_space<semaphore_mem>>
      %dma_start3A_42 = arith.constant 0 : i32
      %dma_start3A_43 = tpu.memref_slice %arg14[%mul3A_20, %dma_start3A_42] : memref<10000x128xf32, #tpu.memory_space<vmem_shared>> -> memref<625x128xf32, #tpu.memory_space<vmem_shared>>
      tpu.enqueue_dma source(%arg6 : memref<625x128xf32, #tpu.memory_space<hbm>>) target(%dma_start3A_43 : memref<625x128xf32, #tpu.memory_space<vmem_shared>>) target_semaphore(%run_scoped3A_41 : memref<!tpu.dma_semaphore, #tpu.memory_space<semaphore_mem>>)
      %dma_wait3A = arith.constant 0 : i32
      %dma_wait3A_44 = tpu.memref_slice %arg14[%mul3A_20, %dma_wait3A] : memref<10000x128xf32, #tpu.memory_space<vmem_shared>> -> memref<625x128xf32, #tpu.memory_space<vmem_shared>>
      tpu.wait_dma2 semaphore(%run_scoped3A_41 : memref<!tpu.dma_semaphore, #tpu.memory_space<semaphore_mem>>) src(%arg6 : memref<625x128xf32, #tpu.memory_space<hbm>>) dst(%dma_wait3A_44 : memref<625x128xf32, #tpu.memory_space<vmem_shared>>)
      tpu.yield
    }) : () -> ()
    %barrier3A_21 = arith.constant 0 : index
    tpu.barrier barrier_id(%barrier3A_21)
    %dma_start3A_22 = arith.constant 0 : i32
    %dma_start3A_23 = arith.constant 0 : i32
    %dma_start3A_24 = tpu.memref_slice %arg8[%dma_start3A_22, %dma_start3A_23] : memref<100x100xi32, #tpu.memory_space<vmem>> -> memref<1x100xi32, #tpu.memory_space<vmem>>
    %dma_start3A_25 = tpu.memref_squeeze %dma_start3A_24 : memref<1x100xi32, #tpu.memory_space<vmem>> -> memref<100xi32, #tpu.memory_space<vmem>>
    %dma_start3A_26 = arith.constant 0 : i32
    %dma_start3A_27 = arith.constant 0 : i32
    %dma_start3A_28 = tpu.memref_slice %arg3[%dma_start3A_26, %dma_start3A_27] : memref<10000x128xf32, #tpu.memory_space<hbm>> -> memref<10000x128xf32, #tpu.memory_space<hbm>>
    tpu.enqueue_indirect_dma source(%dma_start3A_28 : memref<10000x128xf32, #tpu.memory_space<hbm>>) target(%arg10 : memref<100x128xf32, #tpu.memory_space<vmem>>) offsets(%dma_start3A_25 : memref<100xi32, #tpu.memory_space<vmem>>) semaphore(%arg12 : memref<!tpu.dma_semaphore, #tpu.memory_space<semaphore_mem>>)
    %scan3A_29 = arith.constant 0 : i32
    %scan3A_30 = arith.constant 0 : i32
    %scan3A_31 = arith.constant 50 : i32
    %scan3A_32 = arith.addi %scan3A_30, %scan3A_31 : i32
    %scan3A_33 = arith.constant 1 : i32
    scf.for %scan3A_41 = %scan3A_30 to %scan3A_32 step %scan3A_33  : i32 {
      %mul3A_42 = arith.constant 2 : i32
      %mul3A_43 = arith.muli %scan3A_41, %mul3A_42 : i32
      %add3A_44 = arith.constant 0 : i32
      %add3A_45 = arith.addi %mul3A_43, %add3A_44 : i32
      %add3A_46 = arith.constant 1 : i32
      %add3A_47 = arith.addi %add3A_45, %add3A_46 : i32
      %lt3A = arith.constant 100 : i32
      %lt3A_48 = arith.cmpi slt, %add3A_47, %lt3A : i32
      %convert_element_type3A = arith.extui %lt3A_48 : i1 to i32
      %cond3A = arith.constant 0 : i32
      %cond3A_49 = arith.cmpi ne, %convert_element_type3A, %cond3A : i32
      scf.if %cond3A_49 {
        %add3A_72 = arith.constant 1 : i32
        %add3A_73 = arith.addi %add3A_45, %add3A_72 : i32
        %dma_start3A_74 = arith.constant 0 : i32
        %dma_start3A_75 = tpu.memref_slice %arg8[%add3A_73, %dma_start3A_74] : memref<100x100xi32, #tpu.memory_space<vmem>> -> memref<1x100xi32, #tpu.memory_space<vmem>>
        %dma_start3A_76 = tpu.memref_squeeze %dma_start3A_75 : memref<1x100xi32, #tpu.memory_space<vmem>> -> memref<100xi32, #tpu.memory_space<vmem>>
        %dma_start3A_77 = arith.constant 0 : i32
        %dma_start3A_78 = arith.constant 0 : i32
        %dma_start3A_79 = tpu.memref_slice %arg3[%dma_start3A_77, %dma_start3A_78] : memref<10000x128xf32, #tpu.memory_space<hbm>> -> memref<10000x128xf32, #tpu.memory_space<hbm>>
        tpu.enqueue_indirect_dma source(%dma_start3A_79 : memref<10000x128xf32, #tpu.memory_space<hbm>>) target(%arg11 : memref<100x128xf32, #tpu.memory_space<vmem>>) offsets(%dma_start3A_76 : memref<100xi32, #tpu.memory_space<vmem>>) semaphore(%arg13 : memref<!tpu.dma_semaphore, #tpu.memory_space<semaphore_mem>>)
      } else {
      }
      %dma_wait3A = arith.constant 0 : i32
      %dma_wait3A_50 = tpu.memref_slice %arg8[%add3A_45, %dma_wait3A] : memref<100x100xi32, #tpu.memory_space<vmem>> -> memref<1x100xi32, #tpu.memory_space<vmem>>
      %dma_wait3A_51 = tpu.memref_squeeze %dma_wait3A_50 : memref<1x100xi32, #tpu.memory_space<vmem>> -> memref<100xi32, #tpu.memory_space<vmem>>
      %dma_wait3A_52 = arith.constant 0 : i32
      %dma_wait3A_53 = arith.constant 0 : i32
      %dma_wait3A_54 = tpu.memref_slice %arg3[%dma_wait3A_52, %dma_wait3A_53] : memref<10000x128xf32, #tpu.memory_space<hbm>> -> memref<10000x128xf32, #tpu.memory_space<hbm>>
      tpu.wait_indirect_dma semaphore(%arg12 : memref<!tpu.dma_semaphore, #tpu.memory_space<semaphore_mem>>) src(%dma_wait3A_54 : memref<10000x128xf32, #tpu.memory_space<hbm>>) dst(%arg10 : memref<100x128xf32, #tpu.memory_space<vmem>>)
      "tpu.region"() ({
        %run_scoped3A_72 = tpu.sem_alloc : memref<!tpu.dma_semaphore, #tpu.memory_space<semaphore_mem>>
        %dma_start3A_73 = arith.constant 0 : i32
        %dma_start3A_74 = tpu.memref_slice %arg9[%add3A_45, %dma_start3A_73] : memref<100x100xi32, #tpu.memory_space<vmem>> -> memref<1x100xi32, #tpu.memory_space<vmem>>
        %dma_start3A_75 = tpu.memref_squeeze %dma_start3A_74 : memref<1x100xi32, #tpu.memory_space<vmem>> -> memref<100xi32, #tpu.memory_space<vmem>>
        %dma_start3A_76 = arith.constant 0 : i32
        %dma_start3A_77 = arith.constant 0 : i32
        %dma_start3A_78 = tpu.memref_slice %arg14[%dma_start3A_76, %dma_start3A_77] : memref<10000x128xf32, #tpu.memory_space<vmem_shared>> -> memref<10000x128xf32, #tpu.memory_space<vmem_shared>>
        tpu.enqueue_indirect_dma source(%arg10 : memref<100x128xf32, #tpu.memory_space<vmem>>) target(%dma_start3A_78 : memref<10000x128xf32, #tpu.memory_space<vmem_shared>>) offsets(%dma_start3A_75 : memref<100xi32, #tpu.memory_space<vmem>>) semaphore(%run_scoped3A_72 : memref<!tpu.dma_semaphore, #tpu.memory_space<semaphore_mem>>) {add = true}
        %dma_wait3A_79 = arith.constant 0 : i32
        %dma_wait3A_80 = tpu.memref_slice %arg9[%add3A_45, %dma_wait3A_79] : memref<100x100xi32, #tpu.memory_space<vmem>> -> memref<1x100xi32, #tpu.memory_space<vmem>>
        %dma_wait3A_81 = tpu.memref_squeeze %dma_wait3A_80 : memref<1x100xi32, #tpu.memory_space<vmem>> -> memref<100xi32, #tpu.memory_space<vmem>>
        %dma_wait3A_82 = arith.constant 0 : i32
        %dma_wait3A_83 = arith.constant 0 : i32
        %dma_wait3A_84 = tpu.memref_slice %arg14[%dma_wait3A_82, %dma_wait3A_83] : memref<10000x128xf32, #tpu.memory_space<vmem_shared>> -> memref<10000x128xf32, #tpu.memory_space<vmem_shared>>
        tpu.wait_indirect_dma semaphore(%run_scoped3A_72 : memref<!tpu.dma_semaphore, #tpu.memory_space<semaphore_mem>>) src(%arg10 : memref<100x128xf32, #tpu.memory_space<vmem>>) dst(%dma_wait3A_84 : memref<10000x128xf32, #tpu.memory_space<vmem_shared>>)
        tpu.yield
      }) : () -> ()
      %mul3A_55 = arith.constant 2 : i32
      %mul3A_56 = arith.muli %scan3A_41, %mul3A_55 : i32
      %add3A_57 = arith.constant 1 : i32
      %add3A_58 = arith.addi %mul3A_56, %add3A_57 : i32
      %add3A_59 = arith.constant 1 : i32
      %add3A_60 = arith.addi %add3A_58, %add3A_59 : i32
      %lt3A_61 = arith.constant 100 : i32
      %lt3A_62 = arith.cmpi slt, %add3A_60, %lt3A_61 : i32
      %convert_element_type3A_63 = arith.extui %lt3A_62 : i1 to i32
      %cond3A_64 = arith.constant 0 : i32
      %cond3A_65 = arith.cmpi ne, %convert_element_type3A_63, %cond3A_64 : i32
      scf.if %cond3A_65 {
        %add3A_72 = arith.constant 1 : i32
        %add3A_73 = arith.addi %add3A_58, %add3A_72 : i32
        %dma_start3A_74 = arith.constant 0 : i32
        %dma_start3A_75 = tpu.memref_slice %arg8[%add3A_73, %dma_start3A_74] : memref<100x100xi32, #tpu.memory_space<vmem>> -> memref<1x100xi32, #tpu.memory_space<vmem>>
        %dma_start3A_76 = tpu.memref_squeeze %dma_start3A_75 : memref<1x100xi32, #tpu.memory_space<vmem>> -> memref<100xi32, #tpu.memory_space<vmem>>
        %dma_start3A_77 = arith.constant 0 : i32
        %dma_start3A_78 = arith.constant 0 : i32
        %dma_start3A_79 = tpu.memref_slice %arg3[%dma_start3A_77, %dma_start3A_78] : memref<10000x128xf32, #tpu.memory_space<hbm>> -> memref<10000x128xf32, #tpu.memory_space<hbm>>
        tpu.enqueue_indirect_dma source(%dma_start3A_79 : memref<10000x128xf32, #tpu.memory_space<hbm>>) target(%arg10 : memref<100x128xf32, #tpu.memory_space<vmem>>) offsets(%dma_start3A_76 : memref<100xi32, #tpu.memory_space<vmem>>) semaphore(%arg12 : memref<!tpu.dma_semaphore, #tpu.memory_space<semaphore_mem>>)
      } else {
      }
      %dma_wait3A_66 = arith.constant 0 : i32
      %dma_wait3A_67 = tpu.memref_slice %arg8[%add3A_58, %dma_wait3A_66] : memref<100x100xi32, #tpu.memory_space<vmem>> -> memref<1x100xi32, #tpu.memory_space<vmem>>
      %dma_wait3A_68 = tpu.memref_squeeze %dma_wait3A_67 : memref<1x100xi32, #tpu.memory_space<vmem>> -> memref<100xi32, #tpu.memory_space<vmem>>
      %dma_wait3A_69 = arith.constant 0 : i32
      %dma_wait3A_70 = arith.constant 0 : i32
      %dma_wait3A_71 = tpu.memref_slice %arg3[%dma_wait3A_69, %dma_wait3A_70] : memref<10000x128xf32, #tpu.memory_space<hbm>> -> memref<10000x128xf32, #tpu.memory_space<hbm>>
      tpu.wait_indirect_dma semaphore(%arg13 : memref<!tpu.dma_semaphore, #tpu.memory_space<semaphore_mem>>) src(%dma_wait3A_71 : memref<10000x128xf32, #tpu.memory_space<hbm>>) dst(%arg11 : memref<100x128xf32, #tpu.memory_space<vmem>>)
      "tpu.region"() ({
        %run_scoped3A_72 = tpu.sem_alloc : memref<!tpu.dma_semaphore, #tpu.memory_space<semaphore_mem>>
        %dma_start3A_73 = arith.constant 0 : i32
        %dma_start3A_74 = tpu.memref_slice %arg9[%add3A_58, %dma_start3A_73] : memref<100x100xi32, #tpu.memory_space<vmem>> -> memref<1x100xi32, #tpu.memory_space<vmem>>
        %dma_start3A_75 = tpu.memref_squeeze %dma_start3A_74 : memref<1x100xi32, #tpu.memory_space<vmem>> -> memref<100xi32, #tpu.memory_space<vmem>>
        %dma_start3A_76 = arith.constant 0 : i32
        %dma_start3A_77 = arith.constant 0 : i32
        %dma_start3A_78 = tpu.memref_slice %arg14[%dma_start3A_76, %dma_start3A_77] : memref<10000x128xf32, #tpu.memory_space<vmem_shared>> -> memref<10000x128xf32, #tpu.memory_space<vmem_shared>>
        tpu.enqueue_indirect_dma source(%arg11 : memref<100x128xf32, #tpu.memory_space<vmem>>) target(%dma_start3A_78 : memref<10000x128xf32, #tpu.memory_space<vmem_shared>>) offsets(%dma_start3A_75 : memref<100xi32, #tpu.memory_space<vmem>>) semaphore(%run_scoped3A_72 : memref<!tpu.dma_semaphore, #tpu.memory_space<semaphore_mem>>) {add = true}
        %dma_wait3A_79 = arith.constant 0 : i32
        %dma_wait3A_80 = tpu.memref_slice %arg9[%add3A_58, %dma_wait3A_79] : memref<100x100xi32, #tpu.memory_space<vmem>> -> memref<1x100xi32, #tpu.memory_space<vmem>>
        %dma_wait3A_81 = tpu.memref_squeeze %dma_wait3A_80 : memref<1x100xi32, #tpu.memory_space<vmem>> -> memref<100xi32, #tpu.memory_space<vmem>>
        %dma_wait3A_82 = arith.constant 0 : i32
        %dma_wait3A_83 = arith.constant 0 : i32
        %dma_wait3A_84 = tpu.memref_slice %arg14[%dma_wait3A_82, %dma_wait3A_83] : memref<10000x128xf32, #tpu.memory_space<vmem_shared>> -> memref<10000x128xf32, #tpu.memory_space<vmem_shared>>
        tpu.wait_indirect_dma semaphore(%run_scoped3A_72 : memref<!tpu.dma_semaphore, #tpu.memory_space<semaphore_mem>>) src(%arg11 : memref<100x128xf32, #tpu.memory_space<vmem>>) dst(%dma_wait3A_84 : memref<10000x128xf32, #tpu.memory_space<vmem_shared>>)
        tpu.yield
      }) : () -> ()
    }
    %scan3A_34 = arith.constant 50 : i32
    %barrier3A_35 = arith.constant 0 : index
    tpu.barrier barrier_id(%barrier3A_35)
    %mul3A_36 = arith.constant 625 : i32
    %mul3A_37 = arith.muli %arg1, %mul3A_36 : i32
    %mul3A_38 = arith.constant 625 : i32
    %mul3A_39 = arith.muli %arg1, %mul3A_38 : i32
    %run_scoped3A_40 = arith.constant 1 : i32
    "tpu.region"() ({
      %run_scoped3A_41 = tpu.sem_alloc : memref<!tpu.dma_semaphore, #tpu.memory_space<semaphore_mem>>
      %dma_start3A_42 = arith.constant 0 : i32
      %dma_start3A_43 = tpu.memref_slice %arg7[%arg0, %run_scoped3A_40, %mul3A_39, %dma_start3A_42] : memref<2x2x10000x128xf32, #tpu.memory_space<hbm>> -> memref<1x1x625x128xf32, #tpu.memory_space<hbm>>
      %dma_start3A_44 = tpu.memref_squeeze %dma_start3A_43 : memref<1x1x625x128xf32, #tpu.memory_space<hbm>> -> memref<625x128xf32, #tpu.memory_space<hbm>>
      %dma_start3A_45 = arith.constant 0 : i32
      %dma_start3A_46 = tpu.memref_slice %arg14[%mul3A_37, %dma_start3A_45] : memref<10000x128xf32, #tpu.memory_space<vmem_shared>> -> memref<625x128xf32, #tpu.memory_space<vmem_shared>>
      tpu.enqueue_dma source(%dma_start3A_46 : memref<625x128xf32, #tpu.memory_space<vmem_shared>>) target(%dma_start3A_44 : memref<625x128xf32, #tpu.memory_space<hbm>>) target_semaphore(%run_scoped3A_41 : memref<!tpu.dma_semaphore, #tpu.memory_space<semaphore_mem>>)
      %dma_wait3A = arith.constant 0 : i32
      %dma_wait3A_47 = tpu.memref_slice %arg7[%arg0, %run_scoped3A_40, %mul3A_39, %dma_wait3A] : memref<2x2x10000x128xf32, #tpu.memory_space<hbm>> -> memref<1x1x625x128xf32, #tpu.memory_space<hbm>>
      %dma_wait3A_48 = tpu.memref_squeeze %dma_wait3A_47 : memref<1x1x625x128xf32, #tpu.memory_space<hbm>> -> memref<625x128xf32, #tpu.memory_space<hbm>>
      %dma_wait3A_49 = arith.constant 0 : i32
      %dma_wait3A_50 = tpu.memref_slice %arg14[%mul3A_37, %dma_wait3A_49] : memref<10000x128xf32, #tpu.memory_space<vmem_shared>> -> memref<625x128xf32, #tpu.memory_space<vmem_shared>>
      tpu.wait_dma2 semaphore(%run_scoped3A_41 : memref<!tpu.dma_semaphore, #tpu.memory_space<semaphore_mem>>) src(%dma_wait3A_50 : memref<625x128xf32, #tpu.memory_space<vmem_shared>>) dst(%dma_wait3A_48 : memref<625x128xf32, #tpu.memory_space<hbm>>)
      tpu.yield
    }) : () -> ()
    return
  }
}

#map = affine_map<(d0, d1) -> (0, 0)>
#map1 = affine_map<(d0, d1) -> (0, 0, 0)>
#map2 = affine_map<(d0, d1) -> (0, 0, 0, 0)>
module attributes {stable_mosaic.version = 14 : i64} {
  func.func @body(%arg0: i32, %arg1: i32, %arg2: memref<10000x128xf32, #tpu.memory_space<hbm>>, %arg3: memref<32x100x100xi32, #tpu.memory_space<hbm>>, %arg4: memref<32x100x100xi32, #tpu.memory_space<hbm>>, %arg5: memref<625x128xf32, #tpu.memory_space<hbm>>, %arg6: memref<2x1x10000x128xf32, #tpu.memory_space<hbm>>, %arg7: memref<100x100xi32, #tpu.memory_space<vmem>>, %arg8: memref<100x100xi32, #tpu.memory_space<vmem>>, %arg9: memref<100x128xf32, #tpu.memory_space<vmem>>, %arg10: memref<100x128xf32, #tpu.memory_space<vmem>>, %arg11: memref<!tpu.dma_semaphore, #tpu.memory_space<semaphore_mem>>, %arg12: memref<!tpu.dma_semaphore, #tpu.memory_space<semaphore_mem>>, %arg13: memref<10000x128xf32, #tpu.memory_space<vmem_shared>>) attributes {dimension_semantics = [#tpu.dimension_semantics<core_parallel>, #tpu.dimension_semantics<subcore_parallel>], iteration_bounds = array<i64: 2, 16>, scalar_prefetch = 0 : i64, scratch_operands = 7 : i64, tpu.core_type = #tpu.core_type<sc_vector_subcore>, window_params = [{transform_indices = #map}, {transform_indices = #map1}, {transform_indices = #map1}, {transform_indices = #map}, {transform_indices = #map2}]} {
    %mul3A = arith.constant 2 : i32
    %mul3A_0 = arith.muli %arg1, %mul3A : i32
    %add3A = arith.addi %mul3A_0, %arg0 : i32
    "tpu.region"() ({
      %run_scoped3A_19 = tpu.sem_alloc : memref<!tpu.dma_semaphore, #tpu.memory_space<semaphore_mem>>
      %dma_start3A_20 = arith.constant 0 : i32
      %dma_start3A_21 = arith.constant 0 : i32
      %dma_start3A_22 = tpu.memref_slice %arg3[%add3A, %dma_start3A_20, %dma_start3A_21] : memref<32x100x100xi32, #tpu.memory_space<hbm>> -> memref<1x100x100xi32, #tpu.memory_space<hbm>>
      %dma_start3A_23 = tpu.memref_squeeze %dma_start3A_22 : memref<1x100x100xi32, #tpu.memory_space<hbm>> -> memref<100x100xi32, #tpu.memory_space<hbm>>
      %dma_start3A_24 = arith.constant 0 : i32
      %dma_start3A_25 = arith.constant 0 : i32
      %dma_start3A_26 = tpu.memref_slice %arg3[%add3A, %dma_start3A_24, %dma_start3A_25] : memref<32x100x100xi32, #tpu.memory_space<hbm>> -> memref<1x100x100xi32, #tpu.memory_space<hbm>>
      %dma_start3A_27 = tpu.memref_squeeze %dma_start3A_26 : memref<1x100x100xi32, #tpu.memory_space<hbm>> -> memref<100x100xi32, #tpu.memory_space<hbm>>
      tpu.enqueue_dma source(%dma_start3A_27 : memref<100x100xi32, #tpu.memory_space<hbm>>) target(%arg7 : memref<100x100xi32, #tpu.memory_space<vmem>>) target_semaphore(%run_scoped3A_19 : memref<!tpu.dma_semaphore, #tpu.memory_space<semaphore_mem>>)
      %dma_wait3A = arith.constant 0 : i32
      %dma_wait3A_28 = arith.constant 0 : i32
      %dma_wait3A_29 = tpu.memref_slice %arg3[%add3A, %dma_wait3A, %dma_wait3A_28] : memref<32x100x100xi32, #tpu.memory_space<hbm>> -> memref<1x100x100xi32, #tpu.memory_space<hbm>>
      %dma_wait3A_30 = tpu.memref_squeeze %dma_wait3A_29 : memref<1x100x100xi32, #tpu.memory_space<hbm>> -> memref<100x100xi32, #tpu.memory_space<hbm>>
      %dma_wait3A_31 = arith.constant 0 : i32
      %dma_wait3A_32 = arith.constant 0 : i32
      %dma_wait3A_33 = tpu.memref_slice %arg3[%add3A, %dma_wait3A_31, %dma_wait3A_32] : memref<32x100x100xi32, #tpu.memory_space<hbm>> -> memref<1x100x100xi32, #tpu.memory_space<hbm>>
      %dma_wait3A_34 = tpu.memref_squeeze %dma_wait3A_33 : memref<1x100x100xi32, #tpu.memory_space<hbm>> -> memref<100x100xi32, #tpu.memory_space<hbm>>
      tpu.wait_dma2 semaphore(%run_scoped3A_19 : memref<!tpu.dma_semaphore, #tpu.memory_space<semaphore_mem>>) src(%dma_wait3A_34 : memref<100x100xi32, #tpu.memory_space<hbm>>) dst(%arg7 : memref<100x100xi32, #tpu.memory_space<vmem>>)
      tpu.yield
    }) : () -> ()
    "tpu.region"() ({
      %run_scoped3A_19 = tpu.sem_alloc : memref<!tpu.dma_semaphore, #tpu.memory_space<semaphore_mem>>
      %dma_start3A_20 = arith.constant 0 : i32
      %dma_start3A_21 = arith.constant 0 : i32
      %dma_start3A_22 = tpu.memref_slice %arg4[%add3A, %dma_start3A_20, %dma_start3A_21] : memref<32x100x100xi32, #tpu.memory_space<hbm>> -> memref<1x100x100xi32, #tpu.memory_space<hbm>>
      %dma_start3A_23 = tpu.memref_squeeze %dma_start3A_22 : memref<1x100x100xi32, #tpu.memory_space<hbm>> -> memref<100x100xi32, #tpu.memory_space<hbm>>
      %dma_start3A_24 = arith.constant 0 : i32
      %dma_start3A_25 = arith.constant 0 : i32
      %dma_start3A_26 = tpu.memref_slice %arg4[%add3A, %dma_start3A_24, %dma_start3A_25] : memref<32x100x100xi32, #tpu.memory_space<hbm>> -> memref<1x100x100xi32, #tpu.memory_space<hbm>>
      %dma_start3A_27 = tpu.memref_squeeze %dma_start3A_26 : memref<1x100x100xi32, #tpu.memory_space<hbm>> -> memref<100x100xi32, #tpu.memory_space<hbm>>
      tpu.enqueue_dma source(%dma_start3A_27 : memref<100x100xi32, #tpu.memory_space<hbm>>) target(%arg8 : memref<100x100xi32, #tpu.memory_space<vmem>>) target_semaphore(%run_scoped3A_19 : memref<!tpu.dma_semaphore, #tpu.memory_space<semaphore_mem>>)
      %dma_wait3A = arith.constant 0 : i32
      %dma_wait3A_28 = arith.constant 0 : i32
      %dma_wait3A_29 = tpu.memref_slice %arg4[%add3A, %dma_wait3A, %dma_wait3A_28] : memref<32x100x100xi32, #tpu.memory_space<hbm>> -> memref<1x100x100xi32, #tpu.memory_space<hbm>>
      %dma_wait3A_30 = tpu.memref_squeeze %dma_wait3A_29 : memref<1x100x100xi32, #tpu.memory_space<hbm>> -> memref<100x100xi32, #tpu.memory_space<hbm>>
      %dma_wait3A_31 = arith.constant 0 : i32
      %dma_wait3A_32 = arith.constant 0 : i32
      %dma_wait3A_33 = tpu.memref_slice %arg4[%add3A, %dma_wait3A_31, %dma_wait3A_32] : memref<32x100x100xi32, #tpu.memory_space<hbm>> -> memref<1x100x100xi32, #tpu.memory_space<hbm>>
      %dma_wait3A_34 = tpu.memref_squeeze %dma_wait3A_33 : memref<1x100x100xi32, #tpu.memory_space<hbm>> -> memref<100x100xi32, #tpu.memory_space<hbm>>
      tpu.wait_dma2 semaphore(%run_scoped3A_19 : memref<!tpu.dma_semaphore, #tpu.memory_space<semaphore_mem>>) src(%dma_wait3A_34 : memref<100x100xi32, #tpu.memory_space<hbm>>) dst(%arg8 : memref<100x100xi32, #tpu.memory_space<vmem>>)
      tpu.yield
    }) : () -> ()
    %mul3A_1 = arith.constant 625 : i32
    %mul3A_2 = arith.muli %arg1, %mul3A_1 : i32
    "tpu.region"() ({
      %run_scoped3A_19 = tpu.sem_alloc : memref<!tpu.dma_semaphore, #tpu.memory_space<semaphore_mem>>
      %dma_start3A_20 = arith.constant 0 : i32
      %dma_start3A_21 = tpu.memref_slice %arg13[%mul3A_2, %dma_start3A_20] : memref<10000x128xf32, #tpu.memory_space<vmem_shared>> -> memref<625x128xf32, #tpu.memory_space<vmem_shared>>
      tpu.enqueue_dma source(%arg5 : memref<625x128xf32, #tpu.memory_space<hbm>>) target(%dma_start3A_21 : memref<625x128xf32, #tpu.memory_space<vmem_shared>>) target_semaphore(%run_scoped3A_19 : memref<!tpu.dma_semaphore, #tpu.memory_space<semaphore_mem>>)
      %dma_wait3A = arith.constant 0 : i32
      %dma_wait3A_22 = tpu.memref_slice %arg13[%mul3A_2, %dma_wait3A] : memref<10000x128xf32, #tpu.memory_space<vmem_shared>> -> memref<625x128xf32, #tpu.memory_space<vmem_shared>>
      tpu.wait_dma2 semaphore(%run_scoped3A_19 : memref<!tpu.dma_semaphore, #tpu.memory_space<semaphore_mem>>) src(%arg5 : memref<625x128xf32, #tpu.memory_space<hbm>>) dst(%dma_wait3A_22 : memref<625x128xf32, #tpu.memory_space<vmem_shared>>)
      tpu.yield
    }) : () -> ()
    %barrier3A = arith.constant 0 : index
    tpu.barrier barrier_id(%barrier3A)
    %dma_start3A = arith.constant 0 : i32
    %dma_start3A_3 = arith.constant 0 : i32
    %dma_start3A_4 = tpu.memref_slice %arg7[%dma_start3A, %dma_start3A_3] : memref<100x100xi32, #tpu.memory_space<vmem>> -> memref<1x100xi32, #tpu.memory_space<vmem>>
    %dma_start3A_5 = tpu.memref_squeeze %dma_start3A_4 : memref<1x100xi32, #tpu.memory_space<vmem>> -> memref<100xi32, #tpu.memory_space<vmem>>
    %dma_start3A_6 = arith.constant 0 : i32
    %dma_start3A_7 = arith.constant 0 : i32
    %dma_start3A_8 = tpu.memref_slice %arg2[%dma_start3A_6, %dma_start3A_7] : memref<10000x128xf32, #tpu.memory_space<hbm>> -> memref<10000x128xf32, #tpu.memory_space<hbm>>
    tpu.enqueue_indirect_dma source(%dma_start3A_8 : memref<10000x128xf32, #tpu.memory_space<hbm>>) target(%arg9 : memref<100x128xf32, #tpu.memory_space<vmem>>) offsets(%dma_start3A_5 : memref<100xi32, #tpu.memory_space<vmem>>) semaphore(%arg11 : memref<!tpu.dma_semaphore, #tpu.memory_space<semaphore_mem>>)
    %scan3A = arith.constant 0 : i32
    %scan3A_9 = arith.constant 0 : i32
    %scan3A_10 = arith.constant 50 : i32
    %scan3A_11 = arith.addi %scan3A_9, %scan3A_10 : i32
    %scan3A_12 = arith.constant 1 : i32
    scf.for %scan3A_19 = %scan3A_9 to %scan3A_11 step %scan3A_12  : i32 {
      %mul3A_20 = arith.constant 2 : i32
      %mul3A_21 = arith.muli %scan3A_19, %mul3A_20 : i32
      %add3A_22 = arith.constant 0 : i32
      %add3A_23 = arith.addi %mul3A_21, %add3A_22 : i32
      %add3A_24 = arith.constant 1 : i32
      %add3A_25 = arith.addi %add3A_23, %add3A_24 : i32
      %lt3A = arith.constant 100 : i32
      %lt3A_26 = arith.cmpi slt, %add3A_25, %lt3A : i32
      %convert_element_type3A = arith.extui %lt3A_26 : i1 to i32
      %cond3A = arith.constant 0 : i32
      %cond3A_27 = arith.cmpi ne, %convert_element_type3A, %cond3A : i32
      scf.if %cond3A_27 {
        %add3A_50 = arith.constant 1 : i32
        %add3A_51 = arith.addi %add3A_23, %add3A_50 : i32
        %dma_start3A_52 = arith.constant 0 : i32
        %dma_start3A_53 = tpu.memref_slice %arg7[%add3A_51, %dma_start3A_52] : memref<100x100xi32, #tpu.memory_space<vmem>> -> memref<1x100xi32, #tpu.memory_space<vmem>>
        %dma_start3A_54 = tpu.memref_squeeze %dma_start3A_53 : memref<1x100xi32, #tpu.memory_space<vmem>> -> memref<100xi32, #tpu.memory_space<vmem>>
        %dma_start3A_55 = arith.constant 0 : i32
        %dma_start3A_56 = arith.constant 0 : i32
        %dma_start3A_57 = tpu.memref_slice %arg2[%dma_start3A_55, %dma_start3A_56] : memref<10000x128xf32, #tpu.memory_space<hbm>> -> memref<10000x128xf32, #tpu.memory_space<hbm>>
        tpu.enqueue_indirect_dma source(%dma_start3A_57 : memref<10000x128xf32, #tpu.memory_space<hbm>>) target(%arg10 : memref<100x128xf32, #tpu.memory_space<vmem>>) offsets(%dma_start3A_54 : memref<100xi32, #tpu.memory_space<vmem>>) semaphore(%arg12 : memref<!tpu.dma_semaphore, #tpu.memory_space<semaphore_mem>>)
      } else {
      }
      %dma_wait3A = arith.constant 0 : i32
      %dma_wait3A_28 = tpu.memref_slice %arg7[%add3A_23, %dma_wait3A] : memref<100x100xi32, #tpu.memory_space<vmem>> -> memref<1x100xi32, #tpu.memory_space<vmem>>
      %dma_wait3A_29 = tpu.memref_squeeze %dma_wait3A_28 : memref<1x100xi32, #tpu.memory_space<vmem>> -> memref<100xi32, #tpu.memory_space<vmem>>
      %dma_wait3A_30 = arith.constant 0 : i32
      %dma_wait3A_31 = arith.constant 0 : i32
      %dma_wait3A_32 = tpu.memref_slice %arg2[%dma_wait3A_30, %dma_wait3A_31] : memref<10000x128xf32, #tpu.memory_space<hbm>> -> memref<10000x128xf32, #tpu.memory_space<hbm>>
      tpu.wait_indirect_dma semaphore(%arg11 : memref<!tpu.dma_semaphore, #tpu.memory_space<semaphore_mem>>) src(%dma_wait3A_32 : memref<10000x128xf32, #tpu.memory_space<hbm>>) dst(%arg9 : memref<100x128xf32, #tpu.memory_space<vmem>>)
      "tpu.region"() ({
        %run_scoped3A_50 = tpu.sem_alloc : memref<!tpu.dma_semaphore, #tpu.memory_space<semaphore_mem>>
        %dma_start3A_51 = arith.constant 0 : i32
        %dma_start3A_52 = tpu.memref_slice %arg8[%add3A_23, %dma_start3A_51] : memref<100x100xi32, #tpu.memory_space<vmem>> -> memref<1x100xi32, #tpu.memory_space<vmem>>
        %dma_start3A_53 = tpu.memref_squeeze %dma_start3A_52 : memref<1x100xi32, #tpu.memory_space<vmem>> -> memref<100xi32, #tpu.memory_space<vmem>>
        %dma_start3A_54 = arith.constant 0 : i32
        %dma_start3A_55 = arith.constant 0 : i32
        %dma_start3A_56 = tpu.memref_slice %arg13[%dma_start3A_54, %dma_start3A_55] : memref<10000x128xf32, #tpu.memory_space<vmem_shared>> -> memref<10000x128xf32, #tpu.memory_space<vmem_shared>>
        tpu.enqueue_indirect_dma source(%arg9 : memref<100x128xf32, #tpu.memory_space<vmem>>) target(%dma_start3A_56 : memref<10000x128xf32, #tpu.memory_space<vmem_shared>>) offsets(%dma_start3A_53 : memref<100xi32, #tpu.memory_space<vmem>>) semaphore(%run_scoped3A_50 : memref<!tpu.dma_semaphore, #tpu.memory_space<semaphore_mem>>) {add = true}
        %dma_wait3A_57 = arith.constant 0 : i32
        %dma_wait3A_58 = tpu.memref_slice %arg8[%add3A_23, %dma_wait3A_57] : memref<100x100xi32, #tpu.memory_space<vmem>> -> memref<1x100xi32, #tpu.memory_space<vmem>>
        %dma_wait3A_59 = tpu.memref_squeeze %dma_wait3A_58 : memref<1x100xi32, #tpu.memory_space<vmem>> -> memref<100xi32, #tpu.memory_space<vmem>>
        %dma_wait3A_60 = arith.constant 0 : i32
        %dma_wait3A_61 = arith.constant 0 : i32
        %dma_wait3A_62 = tpu.memref_slice %arg13[%dma_wait3A_60, %dma_wait3A_61] : memref<10000x128xf32, #tpu.memory_space<vmem_shared>> -> memref<10000x128xf32, #tpu.memory_space<vmem_shared>>
        tpu.wait_indirect_dma semaphore(%run_scoped3A_50 : memref<!tpu.dma_semaphore, #tpu.memory_space<semaphore_mem>>) src(%arg9 : memref<100x128xf32, #tpu.memory_space<vmem>>) dst(%dma_wait3A_62 : memref<10000x128xf32, #tpu.memory_space<vmem_shared>>)
        tpu.yield
      }) : () -> ()
      %mul3A_33 = arith.constant 2 : i32
      %mul3A_34 = arith.muli %scan3A_19, %mul3A_33 : i32
      %add3A_35 = arith.constant 1 : i32
      %add3A_36 = arith.addi %mul3A_34, %add3A_35 : i32
      %add3A_37 = arith.constant 1 : i32
      %add3A_38 = arith.addi %add3A_36, %add3A_37 : i32
      %lt3A_39 = arith.constant 100 : i32
      %lt3A_40 = arith.cmpi slt, %add3A_38, %lt3A_39 : i32
      %convert_element_type3A_41 = arith.extui %lt3A_40 : i1 to i32
      %cond3A_42 = arith.constant 0 : i32
      %cond3A_43 = arith.cmpi ne, %convert_element_type3A_41, %cond3A_42 : i32
      scf.if %cond3A_43 {
        %add3A_50 = arith.constant 1 : i32
        %add3A_51 = arith.addi %add3A_36, %add3A_50 : i32
        %dma_start3A_52 = arith.constant 0 : i32
        %dma_start3A_53 = tpu.memref_slice %arg7[%add3A_51, %dma_start3A_52] : memref<100x100xi32, #tpu.memory_space<vmem>> -> memref<1x100xi32, #tpu.memory_space<vmem>>
        %dma_start3A_54 = tpu.memref_squeeze %dma_start3A_53 : memref<1x100xi32, #tpu.memory_space<vmem>> -> memref<100xi32, #tpu.memory_space<vmem>>
        %dma_start3A_55 = arith.constant 0 : i32
        %dma_start3A_56 = arith.constant 0 : i32
        %dma_start3A_57 = tpu.memref_slice %arg2[%dma_start3A_55, %dma_start3A_56] : memref<10000x128xf32, #tpu.memory_space<hbm>> -> memref<10000x128xf32, #tpu.memory_space<hbm>>
        tpu.enqueue_indirect_dma source(%dma_start3A_57 : memref<10000x128xf32, #tpu.memory_space<hbm>>) target(%arg9 : memref<100x128xf32, #tpu.memory_space<vmem>>) offsets(%dma_start3A_54 : memref<100xi32, #tpu.memory_space<vmem>>) semaphore(%arg11 : memref<!tpu.dma_semaphore, #tpu.memory_space<semaphore_mem>>)
      } else {
      }
      %dma_wait3A_44 = arith.constant 0 : i32
      %dma_wait3A_45 = tpu.memref_slice %arg7[%add3A_36, %dma_wait3A_44] : memref<100x100xi32, #tpu.memory_space<vmem>> -> memref<1x100xi32, #tpu.memory_space<vmem>>
      %dma_wait3A_46 = tpu.memref_squeeze %dma_wait3A_45 : memref<1x100xi32, #tpu.memory_space<vmem>> -> memref<100xi32, #tpu.memory_space<vmem>>
      %dma_wait3A_47 = arith.constant 0 : i32
      %dma_wait3A_48 = arith.constant 0 : i32
      %dma_wait3A_49 = tpu.memref_slice %arg2[%dma_wait3A_47, %dma_wait3A_48] : memref<10000x128xf32, #tpu.memory_space<hbm>> -> memref<10000x128xf32, #tpu.memory_space<hbm>>
      tpu.wait_indirect_dma semaphore(%arg12 : memref<!tpu.dma_semaphore, #tpu.memory_space<semaphore_mem>>) src(%dma_wait3A_49 : memref<10000x128xf32, #tpu.memory_space<hbm>>) dst(%arg10 : memref<100x128xf32, #tpu.memory_space<vmem>>)
      "tpu.region"() ({
        %run_scoped3A_50 = tpu.sem_alloc : memref<!tpu.dma_semaphore, #tpu.memory_space<semaphore_mem>>
        %dma_start3A_51 = arith.constant 0 : i32
        %dma_start3A_52 = tpu.memref_slice %arg8[%add3A_36, %dma_start3A_51] : memref<100x100xi32, #tpu.memory_space<vmem>> -> memref<1x100xi32, #tpu.memory_space<vmem>>
        %dma_start3A_53 = tpu.memref_squeeze %dma_start3A_52 : memref<1x100xi32, #tpu.memory_space<vmem>> -> memref<100xi32, #tpu.memory_space<vmem>>
        %dma_start3A_54 = arith.constant 0 : i32
        %dma_start3A_55 = arith.constant 0 : i32
        %dma_start3A_56 = tpu.memref_slice %arg13[%dma_start3A_54, %dma_start3A_55] : memref<10000x128xf32, #tpu.memory_space<vmem_shared>> -> memref<10000x128xf32, #tpu.memory_space<vmem_shared>>
        tpu.enqueue_indirect_dma source(%arg10 : memref<100x128xf32, #tpu.memory_space<vmem>>) target(%dma_start3A_56 : memref<10000x128xf32, #tpu.memory_space<vmem_shared>>) offsets(%dma_start3A_53 : memref<100xi32, #tpu.memory_space<vmem>>) semaphore(%run_scoped3A_50 : memref<!tpu.dma_semaphore, #tpu.memory_space<semaphore_mem>>) {add = true}
        %dma_wait3A_57 = arith.constant 0 : i32
        %dma_wait3A_58 = tpu.memref_slice %arg8[%add3A_36, %dma_wait3A_57] : memref<100x100xi32, #tpu.memory_space<vmem>> -> memref<1x100xi32, #tpu.memory_space<vmem>>
        %dma_wait3A_59 = tpu.memref_squeeze %dma_wait3A_58 : memref<1x100xi32, #tpu.memory_space<vmem>> -> memref<100xi32, #tpu.memory_space<vmem>>
        %dma_wait3A_60 = arith.constant 0 : i32
        %dma_wait3A_61 = arith.constant 0 : i32
        %dma_wait3A_62 = tpu.memref_slice %arg13[%dma_wait3A_60, %dma_wait3A_61] : memref<10000x128xf32, #tpu.memory_space<vmem_shared>> -> memref<10000x128xf32, #tpu.memory_space<vmem_shared>>
        tpu.wait_indirect_dma semaphore(%run_scoped3A_50 : memref<!tpu.dma_semaphore, #tpu.memory_space<semaphore_mem>>) src(%arg10 : memref<100x128xf32, #tpu.memory_space<vmem>>) dst(%dma_wait3A_62 : memref<10000x128xf32, #tpu.memory_space<vmem_shared>>)
        tpu.yield
      }) : () -> ()
    }
    %scan3A_13 = arith.constant 50 : i32
    %barrier3A_14 = arith.constant 0 : index
    tpu.barrier barrier_id(%barrier3A_14)
    %mul3A_15 = arith.constant 625 : i32
    %mul3A_16 = arith.muli %arg1, %mul3A_15 : i32
    %mul3A_17 = arith.constant 625 : i32
    %mul3A_18 = arith.muli %arg1, %mul3A_17 : i32
    %run_scoped3A = arith.constant 0 : i32
    "tpu.region"() ({
      %run_scoped3A_19 = tpu.sem_alloc : memref<!tpu.dma_semaphore, #tpu.memory_space<semaphore_mem>>
      %dma_start3A_20 = arith.constant 0 : i32
      %dma_start3A_21 = tpu.memref_slice %arg6[%arg0, %run_scoped3A, %mul3A_18, %dma_start3A_20] : memref<2x1x10000x128xf32, #tpu.memory_space<hbm>> -> memref<1x1x625x128xf32, #tpu.memory_space<hbm>>
      %dma_start3A_22 = tpu.memref_squeeze %dma_start3A_21 : memref<1x1x625x128xf32, #tpu.memory_space<hbm>> -> memref<625x128xf32, #tpu.memory_space<hbm>>
      %dma_start3A_23 = arith.constant 0 : i32
      %dma_start3A_24 = tpu.memref_slice %arg13[%mul3A_16, %dma_start3A_23] : memref<10000x128xf32, #tpu.memory_space<vmem_shared>> -> memref<625x128xf32, #tpu.memory_space<vmem_shared>>
      tpu.enqueue_dma source(%dma_start3A_24 : memref<625x128xf32, #tpu.memory_space<vmem_shared>>) target(%dma_start3A_22 : memref<625x128xf32, #tpu.memory_space<hbm>>) target_semaphore(%run_scoped3A_19 : memref<!tpu.dma_semaphore, #tpu.memory_space<semaphore_mem>>)
      %dma_wait3A = arith.constant 0 : i32
      %dma_wait3A_25 = tpu.memref_slice %arg6[%arg0, %run_scoped3A, %mul3A_18, %dma_wait3A] : memref<2x1x10000x128xf32, #tpu.memory_space<hbm>> -> memref<1x1x625x128xf32, #tpu.memory_space<hbm>>
      %dma_wait3A_26 = tpu.memref_squeeze %dma_wait3A_25 : memref<1x1x625x128xf32, #tpu.memory_space<hbm>> -> memref<625x128xf32, #tpu.memory_space<hbm>>
      %dma_wait3A_27 = arith.constant 0 : i32
      %dma_wait3A_28 = tpu.memref_slice %arg13[%mul3A_16, %dma_wait3A_27] : memref<10000x128xf32, #tpu.memory_space<vmem_shared>> -> memref<625x128xf32, #tpu.memory_space<vmem_shared>>
      tpu.wait_dma2 semaphore(%run_scoped3A_19 : memref<!tpu.dma_semaphore, #tpu.memory_space<semaphore_mem>>) src(%dma_wait3A_28 : memref<625x128xf32, #tpu.memory_space<vmem_shared>>) dst(%dma_wait3A_26 : memref<625x128xf32, #tpu.memory_space<hbm>>)
      tpu.yield
    }) : () -> ()
    return
  }
}

#map = affine_map<(d0, d1) -> (0, 0)>
#map1 = affine_map<(d0, d1) -> (0, 0, 0)>
#map2 = affine_map<(d0, d1) -> (0, 0, 0, 0)>
module attributes {stable_mosaic.version = 14 : i64} {
  func.func @body(%arg0: i32, %arg1: i32, %arg2: memref<10000x64xf32, #tpu.memory_space<hbm>>, %arg3: memref<32x100x100xi32, #tpu.memory_space<hbm>>, %arg4: memref<32x100x100xi32, #tpu.memory_space<hbm>>, %arg5: memref<625x64xf32, #tpu.memory_space<hbm>>, %arg6: memref<2x1x10000x64xf32, #tpu.memory_space<hbm>>, %arg7: memref<100x100xi32, #tpu.memory_space<vmem>>, %arg8: memref<100x100xi32, #tpu.memory_space<vmem>>, %arg9: memref<100x64xf32, #tpu.memory_space<vmem>>, %arg10: memref<100x64xf32, #tpu.memory_space<vmem>>, %arg11: memref<!tpu.dma_semaphore, #tpu.memory_space<semaphore_mem>>, %arg12: memref<!tpu.dma_semaphore, #tpu.memory_space<semaphore_mem>>, %arg13: memref<10000x64xf32, #tpu.memory_space<vmem_shared>>) attributes {dimension_semantics = [#tpu.dimension_semantics<core_parallel>, #tpu.dimension_semantics<subcore_parallel>], iteration_bounds = array<i64: 2, 16>, scalar_prefetch = 0 : i64, scratch_operands = 7 : i64, tpu.core_type = #tpu.core_type<sc_vector_subcore>, window_params = [{transform_indices = #map}, {transform_indices = #map1}, {transform_indices = #map1}, {transform_indices = #map}, {transform_indices = #map2}]} {
    %mul3A = arith.constant 2 : i32
    %mul3A_0 = arith.muli %arg1, %mul3A : i32
    %add3A = arith.addi %mul3A_0, %arg0 : i32
    "tpu.region"() ({
      %run_scoped3A_19 = tpu.sem_alloc : memref<!tpu.dma_semaphore, #tpu.memory_space<semaphore_mem>>
      %dma_start3A_20 = arith.constant 0 : i32
      %dma_start3A_21 = arith.constant 0 : i32
      %dma_start3A_22 = tpu.memref_slice %arg3[%add3A, %dma_start3A_20, %dma_start3A_21] : memref<32x100x100xi32, #tpu.memory_space<hbm>> -> memref<1x100x100xi32, #tpu.memory_space<hbm>>
      %dma_start3A_23 = tpu.memref_squeeze %dma_start3A_22 : memref<1x100x100xi32, #tpu.memory_space<hbm>> -> memref<100x100xi32, #tpu.memory_space<hbm>>
      %dma_start3A_24 = arith.constant 0 : i32
      %dma_start3A_25 = arith.constant 0 : i32
      %dma_start3A_26 = tpu.memref_slice %arg3[%add3A, %dma_start3A_24, %dma_start3A_25] : memref<32x100x100xi32, #tpu.memory_space<hbm>> -> memref<1x100x100xi32, #tpu.memory_space<hbm>>
      %dma_start3A_27 = tpu.memref_squeeze %dma_start3A_26 : memref<1x100x100xi32, #tpu.memory_space<hbm>> -> memref<100x100xi32, #tpu.memory_space<hbm>>
      tpu.enqueue_dma source(%dma_start3A_27 : memref<100x100xi32, #tpu.memory_space<hbm>>) target(%arg7 : memref<100x100xi32, #tpu.memory_space<vmem>>) target_semaphore(%run_scoped3A_19 : memref<!tpu.dma_semaphore, #tpu.memory_space<semaphore_mem>>)
      %dma_wait3A = arith.constant 0 : i32
      %dma_wait3A_28 = arith.constant 0 : i32
      %dma_wait3A_29 = tpu.memref_slice %arg3[%add3A, %dma_wait3A, %dma_wait3A_28] : memref<32x100x100xi32, #tpu.memory_space<hbm>> -> memref<1x100x100xi32, #tpu.memory_space<hbm>>
      %dma_wait3A_30 = tpu.memref_squeeze %dma_wait3A_29 : memref<1x100x100xi32, #tpu.memory_space<hbm>> -> memref<100x100xi32, #tpu.memory_space<hbm>>
      %dma_wait3A_31 = arith.constant 0 : i32
      %dma_wait3A_32 = arith.constant 0 : i32
      %dma_wait3A_33 = tpu.memref_slice %arg3[%add3A, %dma_wait3A_31, %dma_wait3A_32] : memref<32x100x100xi32, #tpu.memory_space<hbm>> -> memref<1x100x100xi32, #tpu.memory_space<hbm>>
      %dma_wait3A_34 = tpu.memref_squeeze %dma_wait3A_33 : memref<1x100x100xi32, #tpu.memory_space<hbm>> -> memref<100x100xi32, #tpu.memory_space<hbm>>
      tpu.wait_dma2 semaphore(%run_scoped3A_19 : memref<!tpu.dma_semaphore, #tpu.memory_space<semaphore_mem>>) src(%dma_wait3A_34 : memref<100x100xi32, #tpu.memory_space<hbm>>) dst(%arg7 : memref<100x100xi32, #tpu.memory_space<vmem>>)
      tpu.yield
    }) : () -> ()
    "tpu.region"() ({
      %run_scoped3A_19 = tpu.sem_alloc : memref<!tpu.dma_semaphore, #tpu.memory_space<semaphore_mem>>
      %dma_start3A_20 = arith.constant 0 : i32
      %dma_start3A_21 = arith.constant 0 : i32
      %dma_start3A_22 = tpu.memref_slice %arg4[%add3A, %dma_start3A_20, %dma_start3A_21] : memref<32x100x100xi32, #tpu.memory_space<hbm>> -> memref<1x100x100xi32, #tpu.memory_space<hbm>>
      %dma_start3A_23 = tpu.memref_squeeze %dma_start3A_22 : memref<1x100x100xi32, #tpu.memory_space<hbm>> -> memref<100x100xi32, #tpu.memory_space<hbm>>
      %dma_start3A_24 = arith.constant 0 : i32
      %dma_start3A_25 = arith.constant 0 : i32
      %dma_start3A_26 = tpu.memref_slice %arg4[%add3A, %dma_start3A_24, %dma_start3A_25] : memref<32x100x100xi32, #tpu.memory_space<hbm>> -> memref<1x100x100xi32, #tpu.memory_space<hbm>>
      %dma_start3A_27 = tpu.memref_squeeze %dma_start3A_26 : memref<1x100x100xi32, #tpu.memory_space<hbm>> -> memref<100x100xi32, #tpu.memory_space<hbm>>
      tpu.enqueue_dma source(%dma_start3A_27 : memref<100x100xi32, #tpu.memory_space<hbm>>) target(%arg8 : memref<100x100xi32, #tpu.memory_space<vmem>>) target_semaphore(%run_scoped3A_19 : memref<!tpu.dma_semaphore, #tpu.memory_space<semaphore_mem>>)
      %dma_wait3A = arith.constant 0 : i32
      %dma_wait3A_28 = arith.constant 0 : i32
      %dma_wait3A_29 = tpu.memref_slice %arg4[%add3A, %dma_wait3A, %dma_wait3A_28] : memref<32x100x100xi32, #tpu.memory_space<hbm>> -> memref<1x100x100xi32, #tpu.memory_space<hbm>>
      %dma_wait3A_30 = tpu.memref_squeeze %dma_wait3A_29 : memref<1x100x100xi32, #tpu.memory_space<hbm>> -> memref<100x100xi32, #tpu.memory_space<hbm>>
      %dma_wait3A_31 = arith.constant 0 : i32
      %dma_wait3A_32 = arith.constant 0 : i32
      %dma_wait3A_33 = tpu.memref_slice %arg4[%add3A, %dma_wait3A_31, %dma_wait3A_32] : memref<32x100x100xi32, #tpu.memory_space<hbm>> -> memref<1x100x100xi32, #tpu.memory_space<hbm>>
      %dma_wait3A_34 = tpu.memref_squeeze %dma_wait3A_33 : memref<1x100x100xi32, #tpu.memory_space<hbm>> -> memref<100x100xi32, #tpu.memory_space<hbm>>
      tpu.wait_dma2 semaphore(%run_scoped3A_19 : memref<!tpu.dma_semaphore, #tpu.memory_space<semaphore_mem>>) src(%dma_wait3A_34 : memref<100x100xi32, #tpu.memory_space<hbm>>) dst(%arg8 : memref<100x100xi32, #tpu.memory_space<vmem>>)
      tpu.yield
    }) : () -> ()
    %mul3A_1 = arith.constant 625 : i32
    %mul3A_2 = arith.muli %arg1, %mul3A_1 : i32
    "tpu.region"() ({
      %run_scoped3A_19 = tpu.sem_alloc : memref<!tpu.dma_semaphore, #tpu.memory_space<semaphore_mem>>
      %dma_start3A_20 = arith.constant 0 : i32
      %dma_start3A_21 = tpu.memref_slice %arg13[%mul3A_2, %dma_start3A_20] : memref<10000x64xf32, #tpu.memory_space<vmem_shared>> -> memref<625x64xf32, #tpu.memory_space<vmem_shared>>
      tpu.enqueue_dma source(%arg5 : memref<625x64xf32, #tpu.memory_space<hbm>>) target(%dma_start3A_21 : memref<625x64xf32, #tpu.memory_space<vmem_shared>>) target_semaphore(%run_scoped3A_19 : memref<!tpu.dma_semaphore, #tpu.memory_space<semaphore_mem>>)
      %dma_wait3A = arith.constant 0 : i32
      %dma_wait3A_22 = tpu.memref_slice %arg13[%mul3A_2, %dma_wait3A] : memref<10000x64xf32, #tpu.memory_space<vmem_shared>> -> memref<625x64xf32, #tpu.memory_space<vmem_shared>>
      tpu.wait_dma2 semaphore(%run_scoped3A_19 : memref<!tpu.dma_semaphore, #tpu.memory_space<semaphore_mem>>) src(%arg5 : memref<625x64xf32, #tpu.memory_space<hbm>>) dst(%dma_wait3A_22 : memref<625x64xf32, #tpu.memory_space<vmem_shared>>)
      tpu.yield
    }) : () -> ()
    %barrier3A = arith.constant 0 : index
    tpu.barrier barrier_id(%barrier3A)
    %dma_start3A = arith.constant 0 : i32
    %dma_start3A_3 = arith.constant 0 : i32
    %dma_start3A_4 = tpu.memref_slice %arg7[%dma_start3A, %dma_start3A_3] : memref<100x100xi32, #tpu.memory_space<vmem>> -> memref<1x100xi32, #tpu.memory_space<vmem>>
    %dma_start3A_5 = tpu.memref_squeeze %dma_start3A_4 : memref<1x100xi32, #tpu.memory_space<vmem>> -> memref<100xi32, #tpu.memory_space<vmem>>
    %dma_start3A_6 = arith.constant 0 : i32
    %dma_start3A_7 = arith.constant 0 : i32
    %dma_start3A_8 = tpu.memref_slice %arg2[%dma_start3A_6, %dma_start3A_7] : memref<10000x64xf32, #tpu.memory_space<hbm>> -> memref<10000x64xf32, #tpu.memory_space<hbm>>
    tpu.enqueue_indirect_dma source(%dma_start3A_8 : memref<10000x64xf32, #tpu.memory_space<hbm>>) target(%arg9 : memref<100x64xf32, #tpu.memory_space<vmem>>) offsets(%dma_start3A_5 : memref<100xi32, #tpu.memory_space<vmem>>) semaphore(%arg11 : memref<!tpu.dma_semaphore, #tpu.memory_space<semaphore_mem>>)
    %scan3A = arith.constant 0 : i32
    %scan3A_9 = arith.constant 0 : i32
    %scan3A_10 = arith.constant 50 : i32
    %scan3A_11 = arith.addi %scan3A_9, %scan3A_10 : i32
    %scan3A_12 = arith.constant 1 : i32
    scf.for %scan3A_19 = %scan3A_9 to %scan3A_11 step %scan3A_12  : i32 {
      %mul3A_20 = arith.constant 2 : i32
      %mul3A_21 = arith.muli %scan3A_19, %mul3A_20 : i32
      %add3A_22 = arith.constant 0 : i32
      %add3A_23 = arith.addi %mul3A_21, %add3A_22 : i32
      %add3A_24 = arith.constant 1 : i32
      %add3A_25 = arith.addi %add3A_23, %add3A_24 : i32
      %lt3A = arith.constant 100 : i32
      %lt3A_26 = arith.cmpi slt, %add3A_25, %lt3A : i32
      %convert_element_type3A = arith.extui %lt3A_26 : i1 to i32
      %cond3A = arith.constant 0 : i32
      %cond3A_27 = arith.cmpi ne, %convert_element_type3A, %cond3A : i32
      scf.if %cond3A_27 {
        %add3A_50 = arith.constant 1 : i32
        %add3A_51 = arith.addi %add3A_23, %add3A_50 : i32
        %dma_start3A_52 = arith.constant 0 : i32
        %dma_start3A_53 = tpu.memref_slice %arg7[%add3A_51, %dma_start3A_52] : memref<100x100xi32, #tpu.memory_space<vmem>> -> memref<1x100xi32, #tpu.memory_space<vmem>>
        %dma_start3A_54 = tpu.memref_squeeze %dma_start3A_53 : memref<1x100xi32, #tpu.memory_space<vmem>> -> memref<100xi32, #tpu.memory_space<vmem>>
        %dma_start3A_55 = arith.constant 0 : i32
        %dma_start3A_56 = arith.constant 0 : i32
        %dma_start3A_57 = tpu.memref_slice %arg2[%dma_start3A_55, %dma_start3A_56] : memref<10000x64xf32, #tpu.memory_space<hbm>> -> memref<10000x64xf32, #tpu.memory_space<hbm>>
        tpu.enqueue_indirect_dma source(%dma_start3A_57 : memref<10000x64xf32, #tpu.memory_space<hbm>>) target(%arg10 : memref<100x64xf32, #tpu.memory_space<vmem>>) offsets(%dma_start3A_54 : memref<100xi32, #tpu.memory_space<vmem>>) semaphore(%arg12 : memref<!tpu.dma_semaphore, #tpu.memory_space<semaphore_mem>>)
      } else {
      }
      %dma_wait3A = arith.constant 0 : i32
      %dma_wait3A_28 = tpu.memref_slice %arg7[%add3A_23, %dma_wait3A] : memref<100x100xi32, #tpu.memory_space<vmem>> -> memref<1x100xi32, #tpu.memory_space<vmem>>
      %dma_wait3A_29 = tpu.memref_squeeze %dma_wait3A_28 : memref<1x100xi32, #tpu.memory_space<vmem>> -> memref<100xi32, #tpu.memory_space<vmem>>
      %dma_wait3A_30 = arith.constant 0 : i32
      %dma_wait3A_31 = arith.constant 0 : i32
      %dma_wait3A_32 = tpu.memref_slice %arg2[%dma_wait3A_30, %dma_wait3A_31] : memref<10000x64xf32, #tpu.memory_space<hbm>> -> memref<10000x64xf32, #tpu.memory_space<hbm>>
      tpu.wait_indirect_dma semaphore(%arg11 : memref<!tpu.dma_semaphore, #tpu.memory_space<semaphore_mem>>) src(%dma_wait3A_32 : memref<10000x64xf32, #tpu.memory_space<hbm>>) dst(%arg9 : memref<100x64xf32, #tpu.memory_space<vmem>>)
      "tpu.region"() ({
        %run_scoped3A_50 = tpu.sem_alloc : memref<!tpu.dma_semaphore, #tpu.memory_space<semaphore_mem>>
        %dma_start3A_51 = arith.constant 0 : i32
        %dma_start3A_52 = tpu.memref_slice %arg8[%add3A_23, %dma_start3A_51] : memref<100x100xi32, #tpu.memory_space<vmem>> -> memref<1x100xi32, #tpu.memory_space<vmem>>
        %dma_start3A_53 = tpu.memref_squeeze %dma_start3A_52 : memref<1x100xi32, #tpu.memory_space<vmem>> -> memref<100xi32, #tpu.memory_space<vmem>>
        %dma_start3A_54 = arith.constant 0 : i32
        %dma_start3A_55 = arith.constant 0 : i32
        %dma_start3A_56 = tpu.memref_slice %arg13[%dma_start3A_54, %dma_start3A_55] : memref<10000x64xf32, #tpu.memory_space<vmem_shared>> -> memref<10000x64xf32, #tpu.memory_space<vmem_shared>>
        tpu.enqueue_indirect_dma source(%arg9 : memref<100x64xf32, #tpu.memory_space<vmem>>) target(%dma_start3A_56 : memref<10000x64xf32, #tpu.memory_space<vmem_shared>>) offsets(%dma_start3A_53 : memref<100xi32, #tpu.memory_space<vmem>>) semaphore(%run_scoped3A_50 : memref<!tpu.dma_semaphore, #tpu.memory_space<semaphore_mem>>) {add = true}
        %dma_wait3A_57 = arith.constant 0 : i32
        %dma_wait3A_58 = tpu.memref_slice %arg8[%add3A_23, %dma_wait3A_57] : memref<100x100xi32, #tpu.memory_space<vmem>> -> memref<1x100xi32, #tpu.memory_space<vmem>>
        %dma_wait3A_59 = tpu.memref_squeeze %dma_wait3A_58 : memref<1x100xi32, #tpu.memory_space<vmem>> -> memref<100xi32, #tpu.memory_space<vmem>>
        %dma_wait3A_60 = arith.constant 0 : i32
        %dma_wait3A_61 = arith.constant 0 : i32
        %dma_wait3A_62 = tpu.memref_slice %arg13[%dma_wait3A_60, %dma_wait3A_61] : memref<10000x64xf32, #tpu.memory_space<vmem_shared>> -> memref<10000x64xf32, #tpu.memory_space<vmem_shared>>
        tpu.wait_indirect_dma semaphore(%run_scoped3A_50 : memref<!tpu.dma_semaphore, #tpu.memory_space<semaphore_mem>>) src(%arg9 : memref<100x64xf32, #tpu.memory_space<vmem>>) dst(%dma_wait3A_62 : memref<10000x64xf32, #tpu.memory_space<vmem_shared>>)
        tpu.yield
      }) : () -> ()
      %mul3A_33 = arith.constant 2 : i32
      %mul3A_34 = arith.muli %scan3A_19, %mul3A_33 : i32
      %add3A_35 = arith.constant 1 : i32
      %add3A_36 = arith.addi %mul3A_34, %add3A_35 : i32
      %add3A_37 = arith.constant 1 : i32
      %add3A_38 = arith.addi %add3A_36, %add3A_37 : i32
      %lt3A_39 = arith.constant 100 : i32
      %lt3A_40 = arith.cmpi slt, %add3A_38, %lt3A_39 : i32
      %convert_element_type3A_41 = arith.extui %lt3A_40 : i1 to i32
      %cond3A_42 = arith.constant 0 : i32
      %cond3A_43 = arith.cmpi ne, %convert_element_type3A_41, %cond3A_42 : i32
      scf.if %cond3A_43 {
        %add3A_50 = arith.constant 1 : i32
        %add3A_51 = arith.addi %add3A_36, %add3A_50 : i32
        %dma_start3A_52 = arith.constant 0 : i32
        %dma_start3A_53 = tpu.memref_slice %arg7[%add3A_51, %dma_start3A_52] : memref<100x100xi32, #tpu.memory_space<vmem>> -> memref<1x100xi32, #tpu.memory_space<vmem>>
        %dma_start3A_54 = tpu.memref_squeeze %dma_start3A_53 : memref<1x100xi32, #tpu.memory_space<vmem>> -> memref<100xi32, #tpu.memory_space<vmem>>
        %dma_start3A_55 = arith.constant 0 : i32
        %dma_start3A_56 = arith.constant 0 : i32
        %dma_start3A_57 = tpu.memref_slice %arg2[%dma_start3A_55, %dma_start3A_56] : memref<10000x64xf32, #tpu.memory_space<hbm>> -> memref<10000x64xf32, #tpu.memory_space<hbm>>
        tpu.enqueue_indirect_dma source(%dma_start3A_57 : memref<10000x64xf32, #tpu.memory_space<hbm>>) target(%arg9 : memref<100x64xf32, #tpu.memory_space<vmem>>) offsets(%dma_start3A_54 : memref<100xi32, #tpu.memory_space<vmem>>) semaphore(%arg11 : memref<!tpu.dma_semaphore, #tpu.memory_space<semaphore_mem>>)
      } else {
      }
      %dma_wait3A_44 = arith.constant 0 : i32
      %dma_wait3A_45 = tpu.memref_slice %arg7[%add3A_36, %dma_wait3A_44] : memref<100x100xi32, #tpu.memory_space<vmem>> -> memref<1x100xi32, #tpu.memory_space<vmem>>
      %dma_wait3A_46 = tpu.memref_squeeze %dma_wait3A_45 : memref<1x100xi32, #tpu.memory_space<vmem>> -> memref<100xi32, #tpu.memory_space<vmem>>
      %dma_wait3A_47 = arith.constant 0 : i32
      %dma_wait3A_48 = arith.constant 0 : i32
      %dma_wait3A_49 = tpu.memref_slice %arg2[%dma_wait3A_47, %dma_wait3A_48] : memref<10000x64xf32, #tpu.memory_space<hbm>> -> memref<10000x64xf32, #tpu.memory_space<hbm>>
      tpu.wait_indirect_dma semaphore(%arg12 : memref<!tpu.dma_semaphore, #tpu.memory_space<semaphore_mem>>) src(%dma_wait3A_49 : memref<10000x64xf32, #tpu.memory_space<hbm>>) dst(%arg10 : memref<100x64xf32, #tpu.memory_space<vmem>>)
      "tpu.region"() ({
        %run_scoped3A_50 = tpu.sem_alloc : memref<!tpu.dma_semaphore, #tpu.memory_space<semaphore_mem>>
        %dma_start3A_51 = arith.constant 0 : i32
        %dma_start3A_52 = tpu.memref_slice %arg8[%add3A_36, %dma_start3A_51] : memref<100x100xi32, #tpu.memory_space<vmem>> -> memref<1x100xi32, #tpu.memory_space<vmem>>
        %dma_start3A_53 = tpu.memref_squeeze %dma_start3A_52 : memref<1x100xi32, #tpu.memory_space<vmem>> -> memref<100xi32, #tpu.memory_space<vmem>>
        %dma_start3A_54 = arith.constant 0 : i32
        %dma_start3A_55 = arith.constant 0 : i32
        %dma_start3A_56 = tpu.memref_slice %arg13[%dma_start3A_54, %dma_start3A_55] : memref<10000x64xf32, #tpu.memory_space<vmem_shared>> -> memref<10000x64xf32, #tpu.memory_space<vmem_shared>>
        tpu.enqueue_indirect_dma source(%arg10 : memref<100x64xf32, #tpu.memory_space<vmem>>) target(%dma_start3A_56 : memref<10000x64xf32, #tpu.memory_space<vmem_shared>>) offsets(%dma_start3A_53 : memref<100xi32, #tpu.memory_space<vmem>>) semaphore(%run_scoped3A_50 : memref<!tpu.dma_semaphore, #tpu.memory_space<semaphore_mem>>) {add = true}
        %dma_wait3A_57 = arith.constant 0 : i32
        %dma_wait3A_58 = tpu.memref_slice %arg8[%add3A_36, %dma_wait3A_57] : memref<100x100xi32, #tpu.memory_space<vmem>> -> memref<1x100xi32, #tpu.memory_space<vmem>>
        %dma_wait3A_59 = tpu.memref_squeeze %dma_wait3A_58 : memref<1x100xi32, #tpu.memory_space<vmem>> -> memref<100xi32, #tpu.memory_space<vmem>>
        %dma_wait3A_60 = arith.constant 0 : i32
        %dma_wait3A_61 = arith.constant 0 : i32
        %dma_wait3A_62 = tpu.memref_slice %arg13[%dma_wait3A_60, %dma_wait3A_61] : memref<10000x64xf32, #tpu.memory_space<vmem_shared>> -> memref<10000x64xf32, #tpu.memory_space<vmem_shared>>
        tpu.wait_indirect_dma semaphore(%run_scoped3A_50 : memref<!tpu.dma_semaphore, #tpu.memory_space<semaphore_mem>>) src(%arg10 : memref<100x64xf32, #tpu.memory_space<vmem>>) dst(%dma_wait3A_62 : memref<10000x64xf32, #tpu.memory_space<vmem_shared>>)
        tpu.yield
      }) : () -> ()
    }
    %scan3A_13 = arith.constant 50 : i32
    %barrier3A_14 = arith.constant 0 : index
    tpu.barrier barrier_id(%barrier3A_14)
    %mul3A_15 = arith.constant 625 : i32
    %mul3A_16 = arith.muli %arg1, %mul3A_15 : i32
    %mul3A_17 = arith.constant 625 : i32
    %mul3A_18 = arith.muli %arg1, %mul3A_17 : i32
    %run_scoped3A = arith.constant 0 : i32
    "tpu.region"() ({
      %run_scoped3A_19 = tpu.sem_alloc : memref<!tpu.dma_semaphore, #tpu.memory_space<semaphore_mem>>
      %dma_start3A_20 = arith.constant 0 : i32
      %dma_start3A_21 = tpu.memref_slice %arg6[%arg0, %run_scoped3A, %mul3A_18, %dma_start3A_20] : memref<2x1x10000x64xf32, #tpu.memory_space<hbm>> -> memref<1x1x625x64xf32, #tpu.memory_space<hbm>>
      %dma_start3A_22 = tpu.memref_squeeze %dma_start3A_21 : memref<1x1x625x64xf32, #tpu.memory_space<hbm>> -> memref<625x64xf32, #tpu.memory_space<hbm>>
      %dma_start3A_23 = arith.constant 0 : i32
      %dma_start3A_24 = tpu.memref_slice %arg13[%mul3A_16, %dma_start3A_23] : memref<10000x64xf32, #tpu.memory_space<vmem_shared>> -> memref<625x64xf32, #tpu.memory_space<vmem_shared>>
      tpu.enqueue_dma source(%dma_start3A_24 : memref<625x64xf32, #tpu.memory_space<vmem_shared>>) target(%dma_start3A_22 : memref<625x64xf32, #tpu.memory_space<hbm>>) target_semaphore(%run_scoped3A_19 : memref<!tpu.dma_semaphore, #tpu.memory_space<semaphore_mem>>)
      %dma_wait3A = arith.constant 0 : i32
      %dma_wait3A_25 = tpu.memref_slice %arg6[%arg0, %run_scoped3A, %mul3A_18, %dma_wait3A] : memref<2x1x10000x64xf32, #tpu.memory_space<hbm>> -> memref<1x1x625x64xf32, #tpu.memory_space<hbm>>
      %dma_wait3A_26 = tpu.memref_squeeze %dma_wait3A_25 : memref<1x1x625x64xf32, #tpu.memory_space<hbm>> -> memref<625x64xf32, #tpu.memory_space<hbm>>
      %dma_wait3A_27 = arith.constant 0 : i32
      %dma_wait3A_28 = tpu.memref_slice %arg13[%mul3A_16, %dma_wait3A_27] : memref<10000x64xf32, #tpu.memory_space<vmem_shared>> -> memref<625x64xf32, #tpu.memory_space<vmem_shared>>
      tpu.wait_dma2 semaphore(%run_scoped3A_19 : memref<!tpu.dma_semaphore, #tpu.memory_space<semaphore_mem>>) src(%dma_wait3A_28 : memref<625x64xf32, #tpu.memory_space<vmem_shared>>) dst(%dma_wait3A_26 : memref<625x64xf32, #tpu.memory_space<hbm>>)
      tpu.yield
    }) : () -> ()
    return
  }
}

module attributes {stable_mosaic.version = 14 : i64} {
  func.func @body(%arg0: i32, %arg1: memref<1000x32xf32, #tpu.memory_space<vmem>>, %arg2: memref<1000x128xf32, #tpu.memory_space<vmem>>, %arg3: memref<1000x1xf32, #tpu.memory_space<vmem>>, %arg4: memref<1000x128xf32, #tpu.memory_space<vmem>>) attributes {dimension_semantics = [#tpu.dimension_semantics<arbitrary>], iteration_bounds = array<i64: 10>, scalar_prefetch = 0 : i64, scratch_operands = 0 : i64, tpu.core_type = #tpu.core_type<tc>, window_params = [{transform_indices = @transform_0, window_bounds = array<i64: 1000, 32>}, {transform_indices = @transform_1, window_bounds = array<i64: 1000, 128>}, {transform_indices = @transform_2, window_bounds = array<i64: 1000, 1>}, {transform_indices = @transform_3, window_bounds = array<i64: 1000, 128>}]} {
    %get3A = arith.constant 0 : index
    %get3A_0 = arith.constant 0 : index
    %get3A_1 = vector.load %arg1[%get3A, %get3A_0] : memref<1000x32xf32, #tpu.memory_space<vmem>>, vector<1000x32xf32>
    %reduce_sum3A = arith.constant dense<0.000000e+00> : vector<1000xf32>
    %reduce_sum3A_2 = vector.multi_reduction <add>, %get3A_1, %reduce_sum3A [1] : vector<1000x32xf32> to vector<1000xf32>
    %broadcast_in_dim3A = vector.shape_cast %reduce_sum3A_2 : vector<1000xf32> to vector<1000x1xf32>
    %add3A = arith.constant 1.000000e+00 : f32
    %add3A_3 = vector.broadcast %add3A : f32 to vector<1000x1xf32>
    %add3A_4 = arith.addf %broadcast_in_dim3A, %add3A_3 : vector<1000x1xf32>
    %rsqrt3A = math.rsqrt %add3A_4 : vector<1000x1xf32>
    %swap3A = arith.constant 0 : index
    %swap3A_5 = arith.constant 0 : index
    %swap3A_6 = vector.load %arg3[%swap3A, %swap3A_5] : memref<1000x1xf32, #tpu.memory_space<vmem>>, vector<1000x1xf32>
    tpu.vector_store %arg3[%swap3A, %swap3A_5], %rsqrt3A {strides = array<i32>} : memref<1000x1xf32, #tpu.memory_space<vmem>>, vector<1000x1xf32>,
    %get3A_7 = arith.constant 0 : index
    %get3A_8 = arith.constant 0 : index
    %get3A_9 = vector.load %arg2[%get3A_7, %get3A_8] : memref<1000x128xf32, #tpu.memory_space<vmem>>, vector<1000x128xf32>
    %mul3A = vector.broadcast %rsqrt3A : vector<1000x1xf32> to vector<1000x128xf32>
    %mul3A_10 = arith.mulf %get3A_9, %mul3A : vector<1000x128xf32>
    %swap3A_11 = arith.constant 0 : index
    %swap3A_12 = arith.constant 0 : index
    %swap3A_13 = vector.load %arg4[%swap3A_11, %swap3A_12] : memref<1000x128xf32, #tpu.memory_space<vmem>>, vector<1000x128xf32>
    tpu.vector_store %arg4[%swap3A_11, %swap3A_12], %mul3A_10 {strides = array<i32>} : memref<1000x128xf32, #tpu.memory_space<vmem>>, vector<1000x128xf32>,
    return
  }
  func.func @transform_0(%arg0: i32) -> (i32, i32) {
    %c0_i32 = arith.constant 0 : i32
    %c0_i32_0 = arith.constant 0 : i32
    return %arg0, %c0_i32 : i32, i32
  }
  func.func @transform_1(%arg0: i32) -> (i32, i32) {
    %c0_i32 = arith.constant 0 : i32
    %c0_i32_0 = arith.constant 0 : i32
    return %arg0, %c0_i32 : i32, i32
  }
  func.func @transform_2(%arg0: i32) -> (i32, i32) {
    %c0_i32 = arith.constant 0 : i32
    %c0_i32_0 = arith.constant 0 : i32
    return %arg0, %c0_i32 : i32, i32
  }
  func.func @transform_3(%arg0: i32) -> (i32, i32) {
    %c0_i32 = arith.constant 0 : i32
    %c0_i32_0 = arith.constant 0 : i32
    return %arg0, %c0_i32 : i32, i32
  }
}

module attributes {stable_mosaic.version = 14 : i64} {
  func.func @body(%arg0: i32, %arg1: i32, %arg2: memref<2x1x1000x128xf32, #tpu.memory_space<vmem>>, %arg3: memref<1000x128xf32, #tpu.memory_space<vmem>>, %arg4: memref<1000x1xf32, #tpu.memory_space<vmem>>, %arg5: memref<128x128xf32, #tpu.memory_space<vmem>>, %arg6: memref<128xf32, #tpu.memory_space<vmem>>, %arg7: memref<1x1000x128xf32, #tpu.memory_space<vmem>>) attributes {dimension_semantics = [#tpu.dimension_semantics<arbitrary>, #tpu.dimension_semantics<arbitrary>], iteration_bounds = array<i64: 10, 4>, scalar_prefetch = 0 : i64, scratch_operands = 0 : i64, tpu.core_type = #tpu.core_type<tc>, window_params = [{transform_indices = @transform_0, window_bounds = array<i64: 2, 1, 1000, 128>}, {transform_indices = @transform_1, window_bounds = array<i64: 1000, 128>}, {transform_indices = @transform_2, window_bounds = array<i64: 1000, 1>}, {transform_indices = @transform_3, window_bounds = array<i64: 128, 128>}, {transform_indices = @transform_4, window_bounds = array<i64: 128>}, {transform_indices = @transform_5, window_bounds = array<i64: 1, 1000, 128>}]} {
    %get3A = arith.constant 0 : index
    %get3A_0 = arith.constant 0 : index
    %get3A_1 = arith.constant 0 : index
    %get3A_2 = arith.constant 0 : index
    %get3A_3 = vector.load %arg2[%get3A, %get3A_0, %get3A_1, %get3A_2] : memref<2x1x1000x128xf32, #tpu.memory_space<vmem>>, vector<1x1x1000x128xf32>
    %get3A_4 = vector.shape_cast %get3A_3 : vector<1x1x1000x128xf32> to vector<1000x128xf32>
    %get3A_5 = arith.constant 1 : index
    %get3A_6 = arith.constant 0 : index
    %get3A_7 = arith.constant 0 : index
    %get3A_8 = arith.constant 0 : index
    %get3A_9 = vector.load %arg2[%get3A_5, %get3A_6, %get3A_7, %get3A_8] : memref<2x1x1000x128xf32, #tpu.memory_space<vmem>>, vector<1x1x1000x128xf32>
    %get3A_10 = vector.shape_cast %get3A_9 : vector<1x1x1000x128xf32> to vector<1000x128xf32>
    %add3A = arith.addf %get3A_4, %get3A_10 : vector<1000x128xf32>
    %get3A_11 = arith.constant 0 : index
    %get3A_12 = arith.constant 0 : index
    %get3A_13 = vector.load %arg3[%get3A_11, %get3A_12] : memref<1000x128xf32, #tpu.memory_space<vmem>>, vector<1000x128xf32>
    %add3A_14 = arith.addf %add3A, %get3A_13 : vector<1000x128xf32>
    %get3A_15 = arith.constant 0 : index
    %get3A_16 = arith.constant 0 : index
    %get3A_17 = vector.load %arg4[%get3A_15, %get3A_16] : memref<1000x1xf32, #tpu.memory_space<vmem>>, vector<1000x1xf32>
    %mul3A = vector.broadcast %get3A_17 : vector<1000x1xf32> to vector<1000x128xf32>
    %mul3A_18 = arith.mulf %add3A_14, %mul3A : vector<1000x128xf32>
    %get3A_19 = arith.constant 0 : index
    %get3A_20 = arith.constant 0 : index
    %get3A_21 = vector.load %arg5[%get3A_19, %get3A_20] : memref<128x128xf32, #tpu.memory_space<vmem>>, vector<128x128xf32>
    %dot_general3A = arith.constant dense<0.000000e+00> : vector<1000x128xf32>
    %dot_general3A_22 = tpu.matmul %mul3A_18, %get3A_21, %dot_general3A {dimension_numbers = #tpu.dot_dimension_numbers<[1], [0], [0], [1], [0, 0, 1, 1], [], []>, transpose_lhs_hint = false} : vector<1000x128xf32>, vector<128x128xf32>, vector<1000x128xf32> -> vector<1000x128xf32>
    %get3A_23 = arith.constant 0 : index
    %get3A_24 = vector.load %arg6[%get3A_23] : memref<128xf32, #tpu.memory_space<vmem>>, vector<128xf32>
    %broadcast_in_dim3A = vector.shape_cast %get3A_24 : vector<128xf32> to vector<1x128xf32>
    %add3A_25 = vector.broadcast %broadcast_in_dim3A : vector<1x128xf32> to vector<1000x128xf32>
    %add3A_26 = arith.addf %dot_general3A_22, %add3A_25 : vector<1000x128xf32>
    %max3A = arith.constant 0.000000e+00 : f32
    %max3A_27 = vector.broadcast %max3A : f32 to vector<1000x128xf32>
    %max3A_28 = arith.maximumf %add3A_26, %max3A_27 : vector<1000x128xf32>
    %get3A_29 = arith.constant 0 : index
    %get3A_30 = arith.constant 0 : index
    %get3A_31 = vector.load %arg4[%get3A_29, %get3A_30] : memref<1000x1xf32, #tpu.memory_space<vmem>>, vector<1000x1xf32>
    %mul3A_32 = vector.broadcast %get3A_31 : vector<1000x1xf32> to vector<1000x128xf32>
    %mul3A_33 = arith.mulf %max3A_28, %mul3A_32 : vector<1000x128xf32>
    %swap3A = arith.constant 0 : index
    %swap3A_34 = arith.constant 0 : index
    %swap3A_35 = arith.constant 0 : index
    %swap3A_36 = vector.load %arg7[%swap3A, %swap3A_34, %swap3A_35] : memref<1x1000x128xf32, #tpu.memory_space<vmem>>, vector<1x1000x128xf32>
    %swap3A_37 = vector.shape_cast %swap3A_36 : vector<1x1000x128xf32> to vector<1000x128xf32>
    %swap3A_38 = vector.shape_cast %mul3A_33 : vector<1000x128xf32> to vector<1x1000x128xf32>
    tpu.vector_store %arg7[%swap3A, %swap3A_34, %swap3A_35], %swap3A_38 {strides = array<i32>} : memref<1x1000x128xf32, #tpu.memory_space<vmem>>, vector<1x1000x128xf32>,
    return
  }
  func.func @transform_0(%arg0: i32, %arg1: i32) -> (i32, i32, i32, i32) {
    %c0_i32 = arith.constant 0 : i32
    %c0_i32_0 = arith.constant 0 : i32
    %c0_i32_1 = arith.constant 0 : i32
    %c0_i32_2 = arith.constant 0 : i32
    return %c0_i32, %c0_i32_0, %arg0, %c0_i32_1 : i32, i32, i32, i32
  }
  func.func @transform_1(%arg0: i32, %arg1: i32) -> (i32, i32) {
    %c0_i32 = arith.constant 0 : i32
    %c0_i32_0 = arith.constant 0 : i32
    return %arg0, %c0_i32 : i32, i32
  }
  func.func @transform_2(%arg0: i32, %arg1: i32) -> (i32, i32) {
    %c0_i32 = arith.constant 0 : i32
    %c0_i32_0 = arith.constant 0 : i32
    return %arg0, %c0_i32 : i32, i32
  }
  func.func @transform_3(%arg0: i32, %arg1: i32) -> (i32, i32) {
    %c0_i32 = arith.constant 0 : i32
    %c0_i32_0 = arith.constant 0 : i32
    return %c0_i32, %arg1 : i32, i32
  }
  func.func @transform_4(%arg0: i32, %arg1: i32) -> i32 {
    %c0_i32 = arith.constant 0 : i32
    return %arg1 : i32
  }
  func.func @transform_5(%arg0: i32, %arg1: i32) -> (i32, i32, i32) {
    %c0_i32 = arith.constant 0 : i32
    %c0_i32_0 = arith.constant 0 : i32
    return %arg1, %arg0, %c0_i32 : i32, i32, i32
  }
}

module attributes {stable_mosaic.version = 14 : i64} {
  func.func @body(%arg0: i32, %arg1: memref<2x4x1000x128xf32, #tpu.memory_space<vmem>>, %arg2: memref<4x1000x128xf32, #tpu.memory_space<vmem>>, %arg3: memref<1000x1xf32, #tpu.memory_space<vmem>>, %arg4: memref<512x512xf32, #tpu.memory_space<vmem>>, %arg5: memref<512xf32, #tpu.memory_space<vmem>>, %arg6: memref<512x256xf32, #tpu.memory_space<vmem>>, %arg7: memref<2x1000x128xf32, #tpu.memory_space<vmem>>) attributes {dimension_semantics = [#tpu.dimension_semantics<arbitrary>], iteration_bounds = array<i64: 10>, scalar_prefetch = 0 : i64, scratch_operands = 0 : i64, tpu.core_type = #tpu.core_type<tc>, window_params = [{transform_indices = @transform_0, window_bounds = array<i64: 2, 4, 1000, 128>}, {transform_indices = @transform_1, window_bounds = array<i64: 4, 1000, 128>}, {transform_indices = @transform_2, window_bounds = array<i64: 1000, 1>}, {pipeline_mode = #tpu.pipeline_mode<synchronous>, transform_indices = @transform_3, window_bounds = array<i64: 512, 512>}, {pipeline_mode = #tpu.pipeline_mode<synchronous>, transform_indices = @transform_4, window_bounds = array<i64: 512>}, {pipeline_mode = #tpu.pipeline_mode<synchronous>, transform_indices = @transform_5, window_bounds = array<i64: 512, 256>}, {transform_indices = @transform_6, window_bounds = array<i64: 2, 1000, 128>}]} {
    %get3A = arith.constant 0 : index
    %get3A_0 = arith.constant 0 : index
    %get3A_1 = vector.load %arg3[%get3A, %get3A_0] : memref<1000x1xf32, #tpu.memory_space<vmem>>, vector<1000x1xf32>
    %get3A_2 = arith.constant 0 : index
    %get3A_3 = arith.constant 0 : index
    %get3A_4 = vector.load %arg4[%get3A_2, %get3A_3] : memref<512x512xf32, #tpu.memory_space<vmem>>, vector<512x512xf32>
    %broadcast_in_dim3A = arith.constant 0.000000e+00 : f32
    %broadcast_in_dim3A_5 = vector.broadcast %broadcast_in_dim3A : f32 to vector<1000x512xf32>
    %get3A_6 = arith.constant 0 : index
    %get3A_7 = arith.constant 0 : index
    %get3A_8 = arith.constant 0 : index
    %get3A_9 = arith.constant 0 : index
    %get3A_10 = vector.load %arg1[%get3A_6, %get3A_7, %get3A_8, %get3A_9] : memref<2x4x1000x128xf32, #tpu.memory_space<vmem>>, vector<1x1x1000x128xf32>
    %get3A_11 = vector.shape_cast %get3A_10 : vector<1x1x1000x128xf32> to vector<1000x128xf32>
    %get3A_12 = arith.constant 1 : index
    %get3A_13 = arith.constant 0 : index
    %get3A_14 = arith.constant 0 : index
    %get3A_15 = arith.constant 0 : index
    %get3A_16 = vector.load %arg1[%get3A_12, %get3A_13, %get3A_14, %get3A_15] : memref<2x4x1000x128xf32, #tpu.memory_space<vmem>>, vector<1x1x1000x128xf32>
    %get3A_17 = vector.shape_cast %get3A_16 : vector<1x1x1000x128xf32> to vector<1000x128xf32>
    %add3A = arith.addf %get3A_11, %get3A_17 : vector<1000x128xf32>
    %get3A_18 = arith.constant 0 : index
    %get3A_19 = arith.constant 0 : index
    %get3A_20 = arith.constant 0 : index
    %get3A_21 = vector.load %arg2[%get3A_18, %get3A_19, %get3A_20] : memref<4x1000x128xf32, #tpu.memory_space<vmem>>, vector<1x1000x128xf32>
    %get3A_22 = vector.shape_cast %get3A_21 : vector<1x1000x128xf32> to vector<1000x128xf32>
    %add3A_23 = arith.addf %add3A, %get3A_22 : vector<1000x128xf32>
    %mul3A = vector.broadcast %get3A_1 : vector<1000x1xf32> to vector<1000x128xf32>
    %mul3A_24 = arith.mulf %add3A_23, %mul3A : vector<1000x128xf32>
    %slice3A = vector.extract_strided_slice %get3A_4 {offsets = [0, 0], sizes = [128, 512], strides = [1, 1]} : vector<512x512xf32> to vector<128x512xf32>
    %dot_general3A = arith.constant dense<0.000000e+00> : vector<1000x512xf32>
    %dot_general3A_25 = tpu.matmul %mul3A_24, %slice3A, %dot_general3A {dimension_numbers = #tpu.dot_dimension_numbers<[1], [0], [0], [1], [0, 0, 1, 1], [], []>, transpose_lhs_hint = false} : vector<1000x128xf32>, vector<128x512xf32>, vector<1000x512xf32> -> vector<1000x512xf32>
    %add3A_26 = arith.addf %broadcast_in_dim3A_5, %dot_general3A_25 : vector<1000x512xf32>
    %get3A_27 = arith.constant 0 : index
    %get3A_28 = arith.constant 1 : index
    %get3A_29 = arith.constant 0 : index
    %get3A_30 = arith.constant 0 : index
    %get3A_31 = vector.load %arg1[%get3A_27, %get3A_28, %get3A_29, %get3A_30] : memref<2x4x1000x128xf32, #tpu.memory_space<vmem>>, vector<1x1x1000x128xf32>
    %get3A_32 = vector.shape_cast %get3A_31 : vector<1x1x1000x128xf32> to vector<1000x128xf32>
    %get3A_33 = arith.constant 1 : index
    %get3A_34 = arith.constant 1 : index
    %get3A_35 = arith.constant 0 : index
    %get3A_36 = arith.constant 0 : index
    %get3A_37 = vector.load %arg1[%get3A_33, %get3A_34, %get3A_35, %get3A_36] : memref<2x4x1000x128xf32, #tpu.memory_space<vmem>>, vector<1x1x1000x128xf32>
    %get3A_38 = vector.shape_cast %get3A_37 : vector<1x1x1000x128xf32> to vector<1000x128xf32>
    %add3A_39 = arith.addf %get3A_32, %get3A_38 : vector<1000x128xf32>
    %get3A_40 = arith.constant 1 : index
    %get3A_41 = arith.constant 0 : index
    %get3A_42 = arith.constant 0 : index
    %get3A_43 = vector.load %arg2[%get3A_40, %get3A_41, %get3A_42] : memref<4x1000x128xf32, #tpu.memory_space<vmem>>, vector<1x1000x128xf32>
    %get3A_44 = vector.shape_cast %get3A_43 : vector<1x1000x128xf32> to vector<1000x128xf32>
    %add3A_45 = arith.addf %add3A_39, %get3A_44 : vector<1000x128xf32>
    %mul3A_46 = vector.broadcast %get3A_1 : vector<1000x1xf32> to vector<1000x128xf32>
    %mul3A_47 = arith.mulf %add3A_45, %mul3A_46 : vector<1000x128xf32>
    %slice3A_48 = vector.extract_strided_slice %get3A_4 {offsets = [128, 0], sizes = [128, 512], strides = [1, 1]} : vector<512x512xf32> to vector<128x512xf32>
    %dot_general3A_49 = arith.constant dense<0.000000e+00> : vector<1000x512xf32>
    %dot_general3A_50 = tpu.matmul %mul3A_47, %slice3A_48, %dot_general3A_49 {dimension_numbers = #tpu.dot_dimension_numbers<[1], [0], [0], [1], [0, 0, 1, 1], [], []>, transpose_lhs_hint = false} : vector<1000x128xf32>, vector<128x512xf32>, vector<1000x512xf32> -> vector<1000x512xf32>
    %add3A_51 = arith.addf %add3A_26, %dot_general3A_50 : vector<1000x512xf32>
    %get3A_52 = arith.constant 0 : index
    %get3A_53 = arith.constant 2 : index
    %get3A_54 = arith.constant 0 : index
    %get3A_55 = arith.constant 0 : index
    %get3A_56 = vector.load %arg1[%get3A_52, %get3A_53, %get3A_54, %get3A_55] : memref<2x4x1000x128xf32, #tpu.memory_space<vmem>>, vector<1x1x1000x128xf32>
    %get3A_57 = vector.shape_cast %get3A_56 : vector<1x1x1000x128xf32> to vector<1000x128xf32>
    %get3A_58 = arith.constant 1 : index
    %get3A_59 = arith.constant 2 : index
    %get3A_60 = arith.constant 0 : index
    %get3A_61 = arith.constant 0 : index
    %get3A_62 = vector.load %arg1[%get3A_58, %get3A_59, %get3A_60, %get3A_61] : memref<2x4x1000x128xf32, #tpu.memory_space<vmem>>, vector<1x1x1000x128xf32>
    %get3A_63 = vector.shape_cast %get3A_62 : vector<1x1x1000x128xf32> to vector<1000x128xf32>
    %add3A_64 = arith.addf %get3A_57, %get3A_63 : vector<1000x128xf32>
    %get3A_65 = arith.constant 2 : index
    %get3A_66 = arith.constant 0 : index
    %get3A_67 = arith.constant 0 : index
    %get3A_68 = vector.load %arg2[%get3A_65, %get3A_66, %get3A_67] : memref<4x1000x128xf32, #tpu.memory_space<vmem>>, vector<1x1000x128xf32>
    %get3A_69 = vector.shape_cast %get3A_68 : vector<1x1000x128xf32> to vector<1000x128xf32>
    %add3A_70 = arith.addf %add3A_64, %get3A_69 : vector<1000x128xf32>
    %mul3A_71 = vector.broadcast %get3A_1 : vector<1000x1xf32> to vector<1000x128xf32>
    %mul3A_72 = arith.mulf %add3A_70, %mul3A_71 : vector<1000x128xf32>
    %slice3A_73 = vector.extract_strided_slice %get3A_4 {offsets = [256, 0], sizes = [128, 512], strides = [1, 1]} : vector<512x512xf32> to vector<128x512xf32>
    %dot_general3A_74 = arith.constant dense<0.000000e+00> : vector<1000x512xf32>
    %dot_general3A_75 = tpu.matmul %mul3A_72, %slice3A_73, %dot_general3A_74 {dimension_numbers = #tpu.dot_dimension_numbers<[1], [0], [0], [1], [0, 0, 1, 1], [], []>, transpose_lhs_hint = false} : vector<1000x128xf32>, vector<128x512xf32>, vector<1000x512xf32> -> vector<1000x512xf32>
    %add3A_76 = arith.addf %add3A_51, %dot_general3A_75 : vector<1000x512xf32>
    %get3A_77 = arith.constant 0 : index
    %get3A_78 = arith.constant 3 : index
    %get3A_79 = arith.constant 0 : index
    %get3A_80 = arith.constant 0 : index
    %get3A_81 = vector.load %arg1[%get3A_77, %get3A_78, %get3A_79, %get3A_80] : memref<2x4x1000x128xf32, #tpu.memory_space<vmem>>, vector<1x1x1000x128xf32>
    %get3A_82 = vector.shape_cast %get3A_81 : vector<1x1x1000x128xf32> to vector<1000x128xf32>
    %get3A_83 = arith.constant 1 : index
    %get3A_84 = arith.constant 3 : index
    %get3A_85 = arith.constant 0 : index
    %get3A_86 = arith.constant 0 : index
    %get3A_87 = vector.load %arg1[%get3A_83, %get3A_84, %get3A_85, %get3A_86] : memref<2x4x1000x128xf32, #tpu.memory_space<vmem>>, vector<1x1x1000x128xf32>
    %get3A_88 = vector.shape_cast %get3A_87 : vector<1x1x1000x128xf32> to vector<1000x128xf32>
    %add3A_89 = arith.addf %get3A_82, %get3A_88 : vector<1000x128xf32>
    %get3A_90 = arith.constant 3 : index
    %get3A_91 = arith.constant 0 : index
    %get3A_92 = arith.constant 0 : index
    %get3A_93 = vector.load %arg2[%get3A_90, %get3A_91, %get3A_92] : memref<4x1000x128xf32, #tpu.memory_space<vmem>>, vector<1x1000x128xf32>
    %get3A_94 = vector.shape_cast %get3A_93 : vector<1x1000x128xf32> to vector<1000x128xf32>
    %add3A_95 = arith.addf %add3A_89, %get3A_94 : vector<1000x128xf32>
    %mul3A_96 = vector.broadcast %get3A_1 : vector<1000x1xf32> to vector<1000x128xf32>
    %mul3A_97 = arith.mulf %add3A_95, %mul3A_96 : vector<1000x128xf32>
    %slice3A_98 = vector.extract_strided_slice %get3A_4 {offsets = [384, 0], sizes = [128, 512], strides = [1, 1]} : vector<512x512xf32> to vector<128x512xf32>
    %dot_general3A_99 = arith.constant dense<0.000000e+00> : vector<1000x512xf32>
    %dot_general3A_100 = tpu.matmul %mul3A_97, %slice3A_98, %dot_general3A_99 {dimension_numbers = #tpu.dot_dimension_numbers<[1], [0], [0], [1], [0, 0, 1, 1], [], []>, transpose_lhs_hint = false} : vector<1000x128xf32>, vector<128x512xf32>, vector<1000x512xf32> -> vector<1000x512xf32>
    %add3A_101 = arith.addf %add3A_76, %dot_general3A_100 : vector<1000x512xf32>
    %get3A_102 = arith.constant 0 : index
    %get3A_103 = vector.load %arg5[%get3A_102] : memref<512xf32, #tpu.memory_space<vmem>>, vector<512xf32>
    %broadcast_in_dim3A_104 = vector.shape_cast %get3A_103 : vector<512xf32> to vector<1x512xf32>
    %add3A_105 = vector.broadcast %broadcast_in_dim3A_104 : vector<1x512xf32> to vector<1000x512xf32>
    %add3A_106 = arith.addf %add3A_101, %add3A_105 : vector<1000x512xf32>
    %max3A = arith.constant 0.000000e+00 : f32
    %max3A_107 = vector.broadcast %max3A : f32 to vector<1000x512xf32>
    %max3A_108 = arith.maximumf %add3A_106, %max3A_107 : vector<1000x512xf32>
    %get3A_109 = arith.constant 0 : index
    %get3A_110 = arith.constant 0 : index
    %get3A_111 = vector.load %arg6[%get3A_109, %get3A_110] : memref<512x256xf32, #tpu.memory_space<vmem>>, vector<512x256xf32>
    %dot_general3A_112 = arith.constant dense<0.000000e+00> : vector<1000x256xf32>
    %dot_general3A_113 = tpu.matmul %max3A_108, %get3A_111, %dot_general3A_112 {dimension_numbers = #tpu.dot_dimension_numbers<[1], [0], [0], [1], [0, 0, 1, 1], [], []>, transpose_lhs_hint = false} : vector<1000x512xf32>, vector<512x256xf32>, vector<1000x256xf32> -> vector<1000x256xf32>
    %mul3A_114 = vector.broadcast %get3A_1 : vector<1000x1xf32> to vector<1000x256xf32>
    %mul3A_115 = arith.mulf %dot_general3A_113, %mul3A_114 : vector<1000x256xf32>
    %slice3A_116 = vector.extract_strided_slice %mul3A_115 {offsets = [0, 0], sizes = [1000, 128], strides = [1, 1]} : vector<1000x256xf32> to vector<1000x128xf32>
    %swap3A = arith.constant 0 : index
    %swap3A_117 = arith.constant 0 : index
    %swap3A_118 = arith.constant 0 : index
    %swap3A_119 = vector.load %arg7[%swap3A, %swap3A_117, %swap3A_118] : memref<2x1000x128xf32, #tpu.memory_space<vmem>>, vector<1x1000x128xf32>
    %swap3A_120 = vector.shape_cast %swap3A_119 : vector<1x1000x128xf32> to vector<1000x128xf32>
    %swap3A_121 = vector.shape_cast %slice3A_116 : vector<1000x128xf32> to vector<1x1000x128xf32>
    tpu.vector_store %arg7[%swap3A, %swap3A_117, %swap3A_118], %swap3A_121 {strides = array<i32>} : memref<2x1000x128xf32, #tpu.memory_space<vmem>>, vector<1x1000x128xf32>,
    %slice3A_122 = vector.extract_strided_slice %mul3A_115 {offsets = [0, 128], sizes = [1000, 128], strides = [1, 1]} : vector<1000x256xf32> to vector<1000x128xf32>
    %swap3A_123 = arith.constant 1 : index
    %swap3A_124 = arith.constant 0 : index
    %swap3A_125 = arith.constant 0 : index
    %swap3A_126 = vector.load %arg7[%swap3A_123, %swap3A_124, %swap3A_125] : memref<2x1000x128xf32, #tpu.memory_space<vmem>>, vector<1x1000x128xf32>
    %swap3A_127 = vector.shape_cast %swap3A_126 : vector<1x1000x128xf32> to vector<1000x128xf32>
    %swap3A_128 = vector.shape_cast %slice3A_122 : vector<1000x128xf32> to vector<1x1000x128xf32>
    tpu.vector_store %arg7[%swap3A_123, %swap3A_124, %swap3A_125], %swap3A_128 {strides = array<i32>} : memref<2x1000x128xf32, #tpu.memory_space<vmem>>, vector<1x1000x128xf32>,
    return
  }
  func.func @transform_0(%arg0: i32) -> (i32, i32, i32, i32) {
    %c0_i32 = arith.constant 0 : i32
    %c0_i32_0 = arith.constant 0 : i32
    %c0_i32_1 = arith.constant 0 : i32
    %c0_i32_2 = arith.constant 0 : i32
    return %c0_i32, %c0_i32_0, %arg0, %c0_i32_1 : i32, i32, i32, i32
  }
  func.func @transform_1(%arg0: i32) -> (i32, i32, i32) {
    %c0_i32 = arith.constant 0 : i32
    %c0_i32_0 = arith.constant 0 : i32
    %c0_i32_1 = arith.constant 0 : i32
    return %c0_i32, %arg0, %c0_i32_0 : i32, i32, i32
  }
  func.func @transform_2(%arg0: i32) -> (i32, i32) {
    %c0_i32 = arith.constant 0 : i32
    %c0_i32_0 = arith.constant 0 : i32
    return %arg0, %c0_i32 : i32, i32
  }
  func.func @transform_3(%arg0: i32) -> (i32, i32) {
    %c0_i32 = arith.constant 0 : i32
    %c0_i32_0 = arith.constant 0 : i32
    %c0_i32_1 = arith.constant 0 : i32
    return %c0_i32, %c0_i32_0 : i32, i32
  }
  func.func @transform_4(%arg0: i32) -> i32 {
    %c0_i32 = arith.constant 0 : i32
    %c0_i32_0 = arith.constant 0 : i32
    return %c0_i32 : i32
  }
  func.func @transform_5(%arg0: i32) -> (i32, i32) {
    %c0_i32 = arith.constant 0 : i32
    %c0_i32_0 = arith.constant 0 : i32
    %c0_i32_1 = arith.constant 0 : i32
    return %c0_i32, %c0_i32_0 : i32, i32
  }
  func.func @transform_6(%arg0: i32) -> (i32, i32, i32) {
    %c0_i32 = arith.constant 0 : i32
    %c0_i32_0 = arith.constant 0 : i32
    %c0_i32_1 = arith.constant 0 : i32
    return %c0_i32, %arg0, %c0_i32_0 : i32, i32, i32
  }
}

module attributes {stable_mosaic.version = 14 : i64} {
  func.func @body(%arg0: i32, %arg1: memref<2x2x1000x128xf32, #tpu.memory_space<vmem>>, %arg2: memref<2x1000x128xf32, #tpu.memory_space<vmem>>, %arg3: memref<1000x1xf32, #tpu.memory_space<vmem>>, %arg4: memref<256xf32, #tpu.memory_space<vmem>>, %arg5: memref<256x64xf32, #tpu.memory_space<vmem>>, %arg6: memref<1000x64xf32, #tpu.memory_space<vmem>>) attributes {dimension_semantics = [#tpu.dimension_semantics<arbitrary>], iteration_bounds = array<i64: 10>, scalar_prefetch = 0 : i64, scratch_operands = 0 : i64, tpu.core_type = #tpu.core_type<tc>, window_params = [{transform_indices = @transform_0, window_bounds = array<i64: 2, 2, 1000, 128>}, {transform_indices = @transform_1, window_bounds = array<i64: 2, 1000, 128>}, {transform_indices = @transform_2, window_bounds = array<i64: 1000, 1>}, {pipeline_mode = #tpu.pipeline_mode<synchronous>, transform_indices = @transform_3, window_bounds = array<i64: 256>}, {pipeline_mode = #tpu.pipeline_mode<synchronous>, transform_indices = @transform_4, window_bounds = array<i64: 256, 64>}, {transform_indices = @transform_5, window_bounds = array<i64: 1000, 64>}]} {
    %get3A = arith.constant 0 : index
    %get3A_0 = arith.constant 0 : index
    %get3A_1 = vector.load %arg3[%get3A, %get3A_0] : memref<1000x1xf32, #tpu.memory_space<vmem>>, vector<1000x1xf32>
    %get3A_2 = arith.constant 0 : index
    %get3A_3 = vector.load %arg4[%get3A_2] : memref<256xf32, #tpu.memory_space<vmem>>, vector<256xf32>
    %get3A_4 = arith.constant 0 : index
    %get3A_5 = arith.constant 0 : index
    %get3A_6 = vector.load %arg5[%get3A_4, %get3A_5] : memref<256x64xf32, #tpu.memory_space<vmem>>, vector<256x64xf32>
    %broadcast_in_dim3A = arith.constant 0.000000e+00 : f32
    %broadcast_in_dim3A_7 = vector.broadcast %broadcast_in_dim3A : f32 to vector<1000x64xf32>
    %get3A_8 = arith.constant 0 : index
    %get3A_9 = arith.constant 0 : index
    %get3A_10 = arith.constant 0 : index
    %get3A_11 = arith.constant 0 : index
    %get3A_12 = vector.load %arg1[%get3A_8, %get3A_9, %get3A_10, %get3A_11] : memref<2x2x1000x128xf32, #tpu.memory_space<vmem>>, vector<1x1x1000x128xf32>
    %get3A_13 = vector.shape_cast %get3A_12 : vector<1x1x1000x128xf32> to vector<1000x128xf32>
    %get3A_14 = arith.constant 1 : index
    %get3A_15 = arith.constant 0 : index
    %get3A_16 = arith.constant 0 : index
    %get3A_17 = arith.constant 0 : index
    %get3A_18 = vector.load %arg1[%get3A_14, %get3A_15, %get3A_16, %get3A_17] : memref<2x2x1000x128xf32, #tpu.memory_space<vmem>>, vector<1x1x1000x128xf32>
    %get3A_19 = vector.shape_cast %get3A_18 : vector<1x1x1000x128xf32> to vector<1000x128xf32>
    %add3A = arith.addf %get3A_13, %get3A_19 : vector<1000x128xf32>
    %get3A_20 = arith.constant 0 : index
    %get3A_21 = arith.constant 0 : index
    %get3A_22 = arith.constant 0 : index
    %get3A_23 = vector.load %arg2[%get3A_20, %get3A_21, %get3A_22] : memref<2x1000x128xf32, #tpu.memory_space<vmem>>, vector<1x1000x128xf32>
    %get3A_24 = vector.shape_cast %get3A_23 : vector<1x1000x128xf32> to vector<1000x128xf32>
    %add3A_25 = arith.addf %add3A, %get3A_24 : vector<1000x128xf32>
    %mul3A = vector.broadcast %get3A_1 : vector<1000x1xf32> to vector<1000x128xf32>
    %mul3A_26 = arith.mulf %add3A_25, %mul3A : vector<1000x128xf32>
    %slice3A = vector.extract_strided_slice %get3A_3 {offsets = [0], sizes = [128], strides = [1]} : vector<256xf32> to vector<128xf32>
    %broadcast_in_dim3A_27 = vector.shape_cast %slice3A : vector<128xf32> to vector<1x128xf32>
    %add3A_28 = vector.broadcast %broadcast_in_dim3A_27 : vector<1x128xf32> to vector<1000x128xf32>
    %add3A_29 = arith.addf %mul3A_26, %add3A_28 : vector<1000x128xf32>
    %max3A = arith.constant 0.000000e+00 : f32
    %max3A_30 = vector.broadcast %max3A : f32 to vector<1000x128xf32>
    %max3A_31 = arith.maximumf %add3A_29, %max3A_30 : vector<1000x128xf32>
    %slice3A_32 = vector.extract_strided_slice %get3A_6 {offsets = [0, 0], sizes = [128, 64], strides = [1, 1]} : vector<256x64xf32> to vector<128x64xf32>
    %dot_general3A = arith.constant dense<0.000000e+00> : vector<1000x64xf32>
    %dot_general3A_33 = tpu.matmul %max3A_31, %slice3A_32, %dot_general3A {dimension_numbers = #tpu.dot_dimension_numbers<[1], [0], [0], [1], [0, 0, 1, 1], [], []>, transpose_lhs_hint = false} : vector<1000x128xf32>, vector<128x64xf32>, vector<1000x64xf32> -> vector<1000x64xf32>
    %add3A_34 = arith.addf %broadcast_in_dim3A_7, %dot_general3A_33 : vector<1000x64xf32>
    %get3A_35 = arith.constant 0 : index
    %get3A_36 = arith.constant 1 : index
    %get3A_37 = arith.constant 0 : index
    %get3A_38 = arith.constant 0 : index
    %get3A_39 = vector.load %arg1[%get3A_35, %get3A_36, %get3A_37, %get3A_38] : memref<2x2x1000x128xf32, #tpu.memory_space<vmem>>, vector<1x1x1000x128xf32>
    %get3A_40 = vector.shape_cast %get3A_39 : vector<1x1x1000x128xf32> to vector<1000x128xf32>
    %get3A_41 = arith.constant 1 : index
    %get3A_42 = arith.constant 1 : index
    %get3A_43 = arith.constant 0 : index
    %get3A_44 = arith.constant 0 : index
    %get3A_45 = vector.load %arg1[%get3A_41, %get3A_42, %get3A_43, %get3A_44] : memref<2x2x1000x128xf32, #tpu.memory_space<vmem>>, vector<1x1x1000x128xf32>
    %get3A_46 = vector.shape_cast %get3A_45 : vector<1x1x1000x128xf32> to vector<1000x128xf32>
    %add3A_47 = arith.addf %get3A_40, %get3A_46 : vector<1000x128xf32>
    %get3A_48 = arith.constant 1 : index
    %get3A_49 = arith.constant 0 : index
    %get3A_50 = arith.constant 0 : index
    %get3A_51 = vector.load %arg2[%get3A_48, %get3A_49, %get3A_50] : memref<2x1000x128xf32, #tpu.memory_space<vmem>>, vector<1x1000x128xf32>
    %get3A_52 = vector.shape_cast %get3A_51 : vector<1x1000x128xf32> to vector<1000x128xf32>
    %add3A_53 = arith.addf %add3A_47, %get3A_52 : vector<1000x128xf32>
    %mul3A_54 = vector.broadcast %get3A_1 : vector<1000x1xf32> to vector<1000x128xf32>
    %mul3A_55 = arith.mulf %add3A_53, %mul3A_54 : vector<1000x128xf32>
    %slice3A_56 = vector.extract_strided_slice %get3A_3 {offsets = [128], sizes = [128], strides = [1]} : vector<256xf32> to vector<128xf32>
    %broadcast_in_dim3A_57 = vector.shape_cast %slice3A_56 : vector<128xf32> to vector<1x128xf32>
    %add3A_58 = vector.broadcast %broadcast_in_dim3A_57 : vector<1x128xf32> to vector<1000x128xf32>
    %add3A_59 = arith.addf %mul3A_55, %add3A_58 : vector<1000x128xf32>
    %max3A_60 = arith.constant 0.000000e+00 : f32
    %max3A_61 = vector.broadcast %max3A_60 : f32 to vector<1000x128xf32>
    %max3A_62 = arith.maximumf %add3A_59, %max3A_61 : vector<1000x128xf32>
    %slice3A_63 = vector.extract_strided_slice %get3A_6 {offsets = [128, 0], sizes = [128, 64], strides = [1, 1]} : vector<256x64xf32> to vector<128x64xf32>
    %dot_general3A_64 = arith.constant dense<0.000000e+00> : vector<1000x64xf32>
    %dot_general3A_65 = tpu.matmul %max3A_62, %slice3A_63, %dot_general3A_64 {dimension_numbers = #tpu.dot_dimension_numbers<[1], [0], [0], [1], [0, 0, 1, 1], [], []>, transpose_lhs_hint = false} : vector<1000x128xf32>, vector<128x64xf32>, vector<1000x64xf32> -> vector<1000x64xf32>
    %add3A_66 = arith.addf %add3A_34, %dot_general3A_65 : vector<1000x64xf32>
    %mul3A_67 = vector.broadcast %get3A_1 : vector<1000x1xf32> to vector<1000x64xf32>
    %mul3A_68 = arith.mulf %add3A_66, %mul3A_67 : vector<1000x64xf32>
    %swap3A = arith.constant 0 : index
    %swap3A_69 = arith.constant 0 : index
    %swap3A_70 = vector.load %arg6[%swap3A, %swap3A_69] : memref<1000x64xf32, #tpu.memory_space<vmem>>, vector<1000x64xf32>
    tpu.vector_store %arg6[%swap3A, %swap3A_69], %mul3A_68 {strides = array<i32>} : memref<1000x64xf32, #tpu.memory_space<vmem>>, vector<1000x64xf32>,
    return
  }
  func.func @transform_0(%arg0: i32) -> (i32, i32, i32, i32) {
    %c0_i32 = arith.constant 0 : i32
    %c0_i32_0 = arith.constant 0 : i32
    %c0_i32_1 = arith.constant 0 : i32
    %c0_i32_2 = arith.constant 0 : i32
    return %c0_i32, %c0_i32_0, %arg0, %c0_i32_1 : i32, i32, i32, i32
  }
  func.func @transform_1(%arg0: i32) -> (i32, i32, i32) {
    %c0_i32 = arith.constant 0 : i32
    %c0_i32_0 = arith.constant 0 : i32
    %c0_i32_1 = arith.constant 0 : i32
    return %c0_i32, %arg0, %c0_i32_0 : i32, i32, i32
  }
  func.func @transform_2(%arg0: i32) -> (i32, i32) {
    %c0_i32 = arith.constant 0 : i32
    %c0_i32_0 = arith.constant 0 : i32
    return %arg0, %c0_i32 : i32, i32
  }
  func.func @transform_3(%arg0: i32) -> i32 {
    %c0_i32 = arith.constant 0 : i32
    %c0_i32_0 = arith.constant 0 : i32
    return %c0_i32 : i32
  }
  func.func @transform_4(%arg0: i32) -> (i32, i32) {
    %c0_i32 = arith.constant 0 : i32
    %c0_i32_0 = arith.constant 0 : i32
    %c0_i32_1 = arith.constant 0 : i32
    return %c0_i32, %c0_i32_0 : i32, i32
  }
  func.func @transform_5(%arg0: i32) -> (i32, i32) {
    %c0_i32 = arith.constant 0 : i32
    %c0_i32_0 = arith.constant 0 : i32
    return %arg0, %c0_i32 : i32, i32
  }
}

module attributes {stable_mosaic.version = 14 : i64} {
  func.func @body(%arg0: i32, %arg1: memref<2x1x1000x64xf32, #tpu.memory_space<vmem>>, %arg2: memref<1000x64xf32, #tpu.memory_space<vmem>>, %arg3: memref<1000x1xf32, #tpu.memory_space<vmem>>, %arg4: memref<64xf32, #tpu.memory_space<vmem>>, %arg5: memref<1000x64xf32, #tpu.memory_space<vmem>>) attributes {dimension_semantics = [#tpu.dimension_semantics<arbitrary>], iteration_bounds = array<i64: 10>, scalar_prefetch = 0 : i64, scratch_operands = 0 : i64, tpu.core_type = #tpu.core_type<tc>, window_params = [{transform_indices = @transform_0, window_bounds = array<i64: 2, 1, 1000, 64>}, {transform_indices = @transform_1, window_bounds = array<i64: 1000, 64>}, {transform_indices = @transform_2, window_bounds = array<i64: 1000, 1>}, {pipeline_mode = #tpu.pipeline_mode<synchronous>, transform_indices = @transform_3, window_bounds = array<i64: 64>}, {transform_indices = @transform_4, window_bounds = array<i64: 1000, 64>}]} {
    %get3A = arith.constant 0 : index
    %get3A_0 = arith.constant 0 : index
    %get3A_1 = arith.constant 0 : index
    %get3A_2 = arith.constant 0 : index
    %get3A_3 = vector.load %arg1[%get3A, %get3A_0, %get3A_1, %get3A_2] : memref<2x1x1000x64xf32, #tpu.memory_space<vmem>>, vector<1x1x1000x64xf32>
    %get3A_4 = vector.shape_cast %get3A_3 : vector<1x1x1000x64xf32> to vector<1000x64xf32>
    %get3A_5 = arith.constant 1 : index
    %get3A_6 = arith.constant 0 : index
    %get3A_7 = arith.constant 0 : index
    %get3A_8 = arith.constant 0 : index
    %get3A_9 = vector.load %arg1[%get3A_5, %get3A_6, %get3A_7, %get3A_8] : memref<2x1x1000x64xf32, #tpu.memory_space<vmem>>, vector<1x1x1000x64xf32>
    %get3A_10 = vector.shape_cast %get3A_9 : vector<1x1x1000x64xf32> to vector<1000x64xf32>
    %add3A = arith.addf %get3A_4, %get3A_10 : vector<1000x64xf32>
    %get3A_11 = arith.constant 0 : index
    %get3A_12 = arith.constant 0 : index
    %get3A_13 = vector.load %arg2[%get3A_11, %get3A_12] : memref<1000x64xf32, #tpu.memory_space<vmem>>, vector<1000x64xf32>
    %add3A_14 = arith.addf %add3A, %get3A_13 : vector<1000x64xf32>
    %get3A_15 = arith.constant 0 : index
    %get3A_16 = arith.constant 0 : index
    %get3A_17 = vector.load %arg3[%get3A_15, %get3A_16] : memref<1000x1xf32, #tpu.memory_space<vmem>>, vector<1000x1xf32>
    %mul3A = vector.broadcast %get3A_17 : vector<1000x1xf32> to vector<1000x64xf32>
    %mul3A_18 = arith.mulf %add3A_14, %mul3A : vector<1000x64xf32>
    %get3A_19 = arith.constant 0 : index
    %get3A_20 = vector.load %arg4[%get3A_19] : memref<64xf32, #tpu.memory_space<vmem>>, vector<64xf32>
    %broadcast_in_dim3A = vector.shape_cast %get3A_20 : vector<64xf32> to vector<1x64xf32>
    %add3A_21 = vector.broadcast %broadcast_in_dim3A : vector<1x64xf32> to vector<1000x64xf32>
    %add3A_22 = arith.addf %mul3A_18, %add3A_21 : vector<1000x64xf32>
    %max3A = arith.constant 0.000000e+00 : f32
    %max3A_23 = vector.broadcast %max3A : f32 to vector<1000x64xf32>
    %max3A_24 = arith.maximumf %add3A_22, %max3A_23 : vector<1000x64xf32>
    %swap3A = arith.constant 0 : index
    %swap3A_25 = arith.constant 0 : index
    %swap3A_26 = vector.load %arg5[%swap3A, %swap3A_25] : memref<1000x64xf32, #tpu.memory_space<vmem>>, vector<1000x64xf32>
    tpu.vector_store %arg5[%swap3A, %swap3A_25], %max3A_24 {strides = array<i32>} : memref<1000x64xf32, #tpu.memory_space<vmem>>, vector<1000x64xf32>,
    return
  }
  func.func @transform_0(%arg0: i32) -> (i32, i32, i32, i32) {
    %c0_i32 = arith.constant 0 : i32
    %c0_i32_0 = arith.constant 0 : i32
    %c0_i32_1 = arith.constant 0 : i32
    %c0_i32_2 = arith.constant 0 : i32
    return %c0_i32, %c0_i32_0, %arg0, %c0_i32_1 : i32, i32, i32, i32
  }
  func.func @transform_1(%arg0: i32) -> (i32, i32) {
    %c0_i32 = arith.constant 0 : i32
    %c0_i32_0 = arith.constant 0 : i32
    return %arg0, %c0_i32 : i32, i32
  }
  func.func @transform_2(%arg0: i32) -> (i32, i32) {
    %c0_i32 = arith.constant 0 : i32
    %c0_i32_0 = arith.constant 0 : i32
    return %arg0, %c0_i32 : i32, i32
  }
  func.func @transform_3(%arg0: i32) -> i32 {
    %c0_i32 = arith.constant 0 : i32
    %c0_i32_0 = arith.constant 0 : i32
    return %c0_i32 : i32
  }
  func.func @transform_4(%arg0: i32) -> (i32, i32) {
    %c0_i32 = arith.constant 0 : i32
    %c0_i32_0 = arith.constant 0 : i32
    return %arg0, %c0_i32 : i32, i32
  }
}

</mosaic_0001>

<sc_bundles>
// kernel: kernel.12.cloned.1.call-start
scs
__scs_entry_jumppad:
0x0: {  	(pc) =	sbr.rel $0x88, $3  }
0x1: {  	(tag) =	ssettag $0x0;
	lr =	simm.s32 $0x1  }
0x2: {  	[smem:$0x3F97] =	sst lr;
	_ =	strace $0xD0000000  }
0x3: {  	_ = 	snop  }
0x4: {  	_ = 	snop  }
0x5: {  	_ = 	snop  }
0x6: {  	_ = 	snop  }
0x7: {  	_ = 	snop  }
__scs_overlays_trampoline_lowered:
0x8: {  	[smem:$0x3FA6] =	sst s0  }
0x9: {  	[smem:$0x3FA7] =	sst s1  }
0xa: {  	[smem:$0x3FA8] =	sst s2  }
0xb: {  	[smem:$0x3FA9] =	sst s3  }
0xc: {  	[smem:$0x3FAA] =	sst s4  }
0xd: {  	[smem:$0x3FAB] =	sst s5  }
0xe: {  	[smem:$0x3FAC] =	sst s6  }
0xf: {  	[smem:$0x3FAD] =	sst s7  }
0x10: {  	[smem:$0x3FAE] =	sst s8  }
0x11: {  	[smem:$0x3FAF] =	sst s9;
	s0 =	simm.s32 @!p0 $0x0  }
0x12: {  	s1 =	sld [smem:$0x3F95];
	s0 =	simm.s32 @p0 $0x1  }
0x13: {  	[smem:$0x3FB0] =	sst s0;
	s0 =	simm.s32 @!p1 $0x0  }
0x14: {  	s2 =	sld [smem:$0x3F94];
	s0 =	simm.s32 @p1 $0x1  }
0x15: {  	[smem:$0x3FB1] =	sst s0;
	s0 =	simm.s32 @!p2 $0x0  }
0x16: {  	s3 =	sld [smem:$0x3FDB];
	s0 =	simm.s32 @p2 $0x1  }
0x17: {  	s4 =	simm.s32 $0x1BF5;
	[smem:$0x3FB3] =	sst s0  }
0x18: {  	s0 =	sld [smem:$0x3F96];
	_ =	swait.ge [sflag:s4], $0x0  }
0x19: {  	s7 =	sld [smem:$0x3F97]  }
0x1a: {  	s8 =	sadd.s32 $0xFFFFE003, lr  }
0x1b: {  	s9 =	sadd.s32 $0xFFFFFEF7, lr;
	s5 =	simm.s32 $0xFFFFFFFF;
	p2 =	slt.u32 s8, $0xFFFFF086  }
0x1c: {  	p1 =	slt.u32 s9, $0xF7A;
	s5 =	simm.s32 @!p2 $0x0  }
0x1d: {  	s5 =	simm.s32 @p1 $0x1;
	p0 =	seq.s32 s7, s2  }
0x1e: {  	s7 =	smul.u32 @!p0 $0xF7A, s2;
	p2 =	seq.s32 @!p0 s5, $0x0  }
0x1f: {  	s9 =	smul.u32 $0xF7A, s1;
	s8 =	simm.s32 @!p0 $0x1BF5;
	p2 =	por !p2, p0  }
0x20: {  	[sflag:s8] =	ssyncset.s32 @!p0 $0xFFFFF086;
	s6 =	sadd.s32 @!p0 s3, s7;
	s7 =	simm.s32 @!p0 $0x108  }
0x21: {  	s3 =	sadd.s32 s3, s9;
	s6 =	sadd.s32 @!p0 $0x88, s6;
	s7 =	simm.s32 @p2 $0x1082  }
0x22: {  	[simem:s7], [sflag:s8] =	dma.local @!p0 [hbm:s6], $0xF7A  }
0x23: {  	s9 =	sor.u32 $0xD0000000, s2;
	s6 =	simm.s32 $0x108;
	_ =	swait.ge @!p0 [sflag:s8], $0x0  }
0x24: {  	s3 =	sadd.s32 $0x88, s3;
	s6 =	simm.s32 @!p1 $0x1082;
	[sflag:s4] =	ssyncset.s32 $0xFFFFF086  }
0x25: {  	[simem:s6], [sflag:s4] =	dma.local [hbm:s3], $0xF7A  }
0x26: {  	[smem:$0x3F97] =	sst s1;
	(tag) =	ssettag s2;
	_ =	strace s9  }
0x27: {  	s1 =	sld [smem:$0x3FA7]  }
0x28: {  	s2 =	sld [smem:$0x3FA8]  }
0x29: {  	s4 =	sld [smem:$0x3FAA]  }
0x2a: {  	p0 =	seq.s32 s5, $0x0;
	s5 =	sld [smem:$0x3FAB]  }
0x2b: {  	s6 =	sld [smem:$0x3FAC]  }
0x2c: {  	s7 =	sld [smem:$0x3FAD]  }
0x2d: {  	s3 =	simm.s32 $0x108;
	s8 =	sld [smem:$0x3FAE]  }
0x2e: {  	s3 =	simm.s32 @!p0 $0x1082;
	s9 =	sld [smem:$0x3FAF]  }
0x2f: {  	lr =	sadd.s32 s0, s3;
	s0 =	sld [smem:$0x3FA6]  }
0x30: {  	s3 =	sld [smem:$0x3FA9]  }
0x31: {  	[smem:$0x3FB2] =	sst s10  }
0x32: {  	s10 =	sld [smem:$0x3FB0];
	_ =	sdelay $0x3  }
0x33: {  	p0 =	seq.s32 s10, $0x1;
	s10 =	sld [smem:$0x3FB2];
	_ =	sdelay $0x3  }
0x34: {  	[smem:$0x3FB2] =	sst s10  }
0x35: {  	s10 =	sld [smem:$0x3FB1];
	_ =	sdelay $0x3  }
0x36: {  	p1 =	seq.s32 s10, $0x1;
	s10 =	sld [smem:$0x3FB2];
	_ =	sdelay $0x3  }
0x37: {  	[smem:$0x3FB2] =	sst s10  }
0x38: {  	s10 =	sld [smem:$0x3FB3]  }
0x39: {  	_ = 	snop;
	(pc) =	sbr.ind lr, $3  }
0x3a: {  	_ = 	snop  }
0x3b: {  	_ = 	snop  }
0x3c: {  	p2 =	seq.s32 s10, $0x1;
	s10 =	sld [smem:$0x3FB2]  }
0x3d: {  	_ =	shalt  }
0x3e: {  	_ =	shalt  }
0x3f: {  	_ =	shalt  }
0x40: {  	_ =	shalt  }
0x41: {  	_ =	shalt  }
0x42: {  	_ =	shalt  }
0x43: {  	_ =	shalt  }
0x44: {  	_ =	shalt  }
0x45: {  	_ =	shalt  }
0x46: {  	_ =	shalt  }
0x47: {  	_ =	shalt  }
0x48: {  	_ =	shalt  }
0x49: {  	_ =	shalt  }
0x4a: {  	_ =	shalt  }
0x4b: {  	_ =	shalt  }
0x4c: {  	_ =	shalt  }
0x4d: {  	_ =	shalt  }
0x4e: {  	_ =	shalt  }
0x4f: {  	_ =	shalt  }
0x50: {  	_ =	shalt  }
0x51: {  	_ =	shalt  }
0x52: {  	_ =	shalt  }
0x53: {  	_ =	shalt  }
0x54: {  	_ =	shalt  }
0x55: {  	_ =	shalt  }
0x56: {  	_ =	shalt  }
0x57: {  	_ =	shalt  }
0x58: {  	_ =	shalt  }
0x59: {  	_ =	shalt  }
0x5a: {  	_ =	shalt  }
0x5b: {  	_ =	shalt  }
0x5c: {  	_ =	shalt  }
0x5d: {  	_ =	shalt  }
0x5e: {  	_ =	shalt  }
0x5f: {  	_ =	shalt  }
0x60: {  	_ =	shalt  }
0x61: {  	_ =	shalt  }
0x62: {  	_ =	shalt  }
0x63: {  	_ =	shalt  }
0x64: {  	_ =	shalt  }
0x65: {  	_ =	shalt  }
0x66: {  	_ =	shalt  }
0x67: {  	_ =	shalt  }
0x68: {  	_ =	shalt  }
0x69: {  	_ =	shalt  }
0x6a: {  	_ =	shalt  }
0x6b: {  	_ =	shalt  }
0x6c: {  	_ =	shalt  }
0x6d: {  	_ =	shalt  }
0x6e: {  	_ =	shalt  }
0x6f: {  	_ =	shalt  }
0x70: {  	_ =	shalt  }
0x71: {  	_ =	shalt  }
0x72: {  	_ =	shalt  }
0x73: {  	_ =	shalt  }
0x74: {  	_ =	shalt  }
0x75: {  	_ =	shalt  }
0x76: {  	_ =	shalt  }
0x77: {  	_ =	shalt  }
0x78: {  	_ =	shalt  }
0x79: {  	_ =	shalt  }
0x7a: {  	_ =	shalt  }
0x7b: {  	_ =	shalt  }
0x7c: {  	_ =	shalt  }
0x7d: {  	_ =	shalt  }
0x7e: {  	_ =	shalt  }
0x7f: {  	_ =	shalt  }
0x80: {  	_ =	shalt  }
0x81: {  	_ =	shalt  }
0x82: {  	_ =	shalt  }
0x83: {  	_ =	shalt  }
0x84: {  	_ =	shalt  }
0x85: {  	_ =	shalt  }
0x86: {  	_ =	shalt  }
0x87: {  	_ =	shalt  }
.Lfunc_end0:
.L_simem_size_0:
called_computation_lowered:
.L_overlay_start_0:
0x88: {  	s2 =	sld [smem:$0x3FD9]  }
0x89: {  	s3 =	sld [smem:$0x3FFE];
	_ =	sdelay $0x1  }
0x8a: {  	s1 =	srdreg.scid  }
0x8b: {  	s0 =	sand.u32 $0x1, s1  }
0x8c: {  	s17 =	sshll.u32 s0, $0xA;
	s2 =	sadd.s32 s3, s2  }
0x8d: {  	s2 =	sadd.s32 s2, s17  }
0x8e: {  	[smem:$0x3FBE] =	sst s2  }
0x8f: {  	_ = 	snop  }
0x90: {  	s2 =	sld [smem:$0x3FD0];
	(tm) =	ssettm $0x1  }
0x91: {  	s18 =	sld [smem:$0x3FFB];
	_ =	sdelay $0x3  }
0x92: {  	_ =	strace s18  }
0x93: {  	s3 =	sld [smem:$0x3FFC];
	_ =	sdelay $0x3  }
0x94: {  	_ =	strace s3  }
0x95: {  	s3 =	sld [smem:$0x3FFD];
	_ =	sdelay $0x3  }
0x96: {  	_ =	strace s3  }
0x97: {  	_ =	strace $0x8FFFFFFF  }
0x98: {  	s19 =	sld [smem:$0x3FDB];
	_ =	sdelay $0x1  }
0x99: {  	s4 =	simm.s32 $_scs_section_size  }
0x9a: {  	s5 =	simm.s32 $_size__tile_overlayer_lowered;
	s6 =	simm.s32 $_tile_overlayer_lowered  }
0x9b: {  	s22 =	simm.s32 $0x1BFF;
	s21 =	sshll.u32 s6, $0x1;
	s3 =	sadd.s32 s4, s19  }
0x9c: {  	s7 =	simm.s32 $0x0;
	s20 =	sshll.u32 s5, $0x1;
	s5 =	sadd.s32 s21, s3  }
0x9d: {  	[timem:s7], [sflag:s22] =	dma.local [hbm:s5], s20  }
0x9e: {  	_ =	swait.ge [sflag:s22], s20  }
0x9f: {  	s4 =	ssub.s32 $0x0, s20;
	[sflag:s22] =	ssyncset.done $0x0  }
0xa0: {  	[sflag:s22] =	ssyncadd.s32 s4;
	_ =	sdelay $0x1  }
0xa1: {  	s23 =	simm.s32 $0x1B8B  }
0xa2: {  	_ =	swait.ge [sflag:s23], $0x1  }
0xa3: {  	[sflag:s23] =	ssyncset.done $0x0  }
0xa4: {  	s25 =	simm.s32 $0x1B8E;
	s24 =	sld [smem:$0x3FFE];
	[sflag:s23] =	ssyncadd.s32 $0xFFFFFFFF  }
0xa5: {  	s26 =	simm.s32 $execute0_lowered;
	[smem:$0x3FD2] =	sst s25  }
0xa6: {  	s5 =	sshll.u32 s26, $0x1;
	_ =	strace $0x80000046;
	[dreg:$0x1] =	wrdreg $0xFFFFFFFF  }
0xa7: {  	s28 =	simm.s32 $_size_execute0_lowered;
	s3 =	sadd.s32 s3, s5;
	[dreg:$0x0] =	wrdreg $0x0  }
0xa8: {  	s5 =	sshll.u32 s28, $0x1;
	[dreg:$0x2] =	wrdreg s3  }
0xa9: {  	[dreg:$0x3] =	wrdreg s5  }
0xaa: {  	[dreg:$0x4] =	wrdreg $0xC0  }
0xab: {  	_ =	task [dreg:s7], $0x5FFFF  }
0xac: {  	[dreg:$0x1] =	wrdreg $0xFFFFFFFF  }
0xad: {  	[dreg:$0x0] =	wrdreg $0x60  }
0xae: {  	[dreg:$0x2] =	wrdreg s2  }
0xaf: {  	[dreg:$0x3] =	wrdreg s24  }
0xb0: {  	[dreg:$0x4] =	wrdreg $0x9  }
0xb1: {  	_ =	task.clear_ibuf [dreg:s7], $0x5FFFF;
	_ =	strace $0x90000046  }
0xb2: {  	s29 =	simm.s32 $0x9;
	_ =	strace $0x80000048  }
0xb3: {  	_ =	swait.ge [sflag:s29], $0x1  }
0xb4: {  	[sflag:s29] =	ssyncadd.s32 $0xFFFFFFFF  }
0xb5: {  	_ =	strace $0x90000048  }
0xb6: {  	_ =	sfence  }
0xb7: {  	s30 =	sld [smem:$0x0];
	_ =	sdelay $0x2  }
0xb8: {  	s31 =	sshll.u32 s1, $0xD;
	s1 =	sshrl.u32 s1, $0x2  }
0xb9: {  	s3 =	sand.u32 $0x4000, s31;
	s1 =	sadd.s32 s1, s30  }
0xba: {  	s0 =	sor.u32 s3, s0;
	s1 =	sshll.u32 s1, $0x11  }
0xbb: {  	s0 =	sor.u32 s1, s0  }
0xbc: {  	s0 =	sadd.s32 $0x8F2B, s0  }
0xbd: {  	[sflag:s0] =	ssyncadd.remote.s32 $0x1  }
0xbe: {  	_ =	sfence.sel $0xFFFF  }
0xbf: {  	[dreg:$0x0] =	wrdreg $0xFFFFFFFF;
	(pc) =	sbr.abs _section_cstart, $3  }
0xc0: {  	[dreg:$0x1] =	wrdreg $0xFFFFFFFF  }
0xc1: {  	_ =	task.clear_ibuf [dreg:s7], $0x2FFFF;
	_ =	strace $0x9FFFFFFF  }
0xc2: {  	(tm) =	ssettm $0x7FFFFFFF  }
0xc3: {  	_ =	shalt  }
tec
execute0_lowered:
.L_overlay_start_1:
0x0: {  	(tag) =	ssettag $0x1  }
0x1: {  	s3 =	rddreg [dreg:$0x0];
	s1 =	srdreg.scid  }
0x2: {  	s0 =	stileid.u32;
	s6 =	rddreg [dreg:$0x1];
	s8 =	simm.s32 $0x1  }
0x3: {  	s9 =	simm.s32 $0x2780;
	s10 =	simm.s32 $0x0;
	s4 =	sand.u32 $0x1, s1  }
0x4: {  	s29 =	sshrl.u32 s0, $0x2;
	s2 =	sshll.u32 s0, $0x8;
	s1 =	rddreg [dreg:$0x2]  }
0x5: {  	s5 =	smul.u32 $0x13C00, s29;
	s30 =	sshll.u32 s4, $0x7;
	s2 =	sand.u32 $0x300, s2  }
0x6: {  	s4 =	ssub.s32 $0x2, s4;
	s7 =	sor.u32 s30, s2;
	s2 =	simm.s32 $0x0  }
0x7: {  	s31 =	sshrl.u32 s4, $0x1;
	s5 =	sor.u32 s5, s7;
	[smem:$0x7FF] =	sst s2  }
0x8: {  	s7 =	ssub.s32 s4, s31;
	s5 =	sshrl.u32 s5, $0x3;
	_ =	strace $0x80000047  }
0x9: {  	s6 =	sadd.s32 s5, s6;
	s3 =	sadd.s32 s3, s5;
	s5 =	smax.u32 s7, $0x1  }
0xa: {  	v0 =	vimm.f32 $0.0e+00;
	v1 =	vimm.f32 $1.000000000e+00;
	s7 =	simm.s32 $0x400;
	s4 =	sadd.s32 $0x3A00, s6;
	s6 =	simm.s32 $0x80  }
.LBB2_1:
0xb: {  	[tilespmem:s2], [sflag:$0x1] =	stream.strided.gather [hbm4b:s3+s6], $0x2780, s7, s6, $0x38;
	[tilespmem:$0x4F00] =	vst v63  }
0xc: {  	_ =	swait.ge [sflag:s8], $0x2780  }
0xd: {  	[sflag:s8] =	ssyncset.done $0x0  }
0xe: {  	s11 =	simm.s32 $0x0;
	[sflag:s8] =	ssyncadd.s32 $0xFFFFD880  }
.LBB2_2:
0xf: {  	p0 =	sne.s32 s11, $0x9C00  }
.Ltmp0:
0x10: {  	_ = 	snop;
	(pc) =	sbr.rel @p0 .LBB2_2-.Ltmp0, $3  }
0x11: {  	_ =	sdelay $0x1  }
0x12: {  	s12 =	sshra.s32 s11, $0x2  }
0x13: {  	s11 =	sadd.s32 $0x40, s11;
	[tilespmem:s12+$0x2780] =	vst v0  }
0x14: {  	s12 =	simm.s32 $0x0;
	s11 =	simm.s32 $0x40  }
.LBB2_4:
0x15: {  	p0 =	sne.s32 s11, $0x9C00;
	v2 =	vld [tilespmem:s12+$0x0];
	_ =	sdelay $0x3  }
.Ltmp1:
0x16: {  	(pc) =	sbr.rel @p0 .LBB2_4-.Ltmp1, $2  }
0x17: {  	_ =	sdelay $0x2  }
0x18: {  	s12 =	sshra.s32 s11, $0x2;
	s11 =	sadd.s32 $0x40, s11;
	[tilespmem:v2+s9+$0x0] =	vst.idx.add.f32.msk $0xffff, v1  }
0x19: {  	v2 =	vld [tilespmem:s12+$0x0];
	_ =	sdelay $0x5  }
0x1a: {  	s10 =	sadd.s32 $0x1, s10  }
0x1b: {  	p0 =	sne.s32 s10, s5  }
.Ltmp2:
0x1c: {  	[tilespmem:v2+s9+$0x0] =	vst.idx.add.f32.msk $0xffff, v1;
	(pc) =	sbr.rel @p0 .LBB2_1-.Ltmp2, $4  }
0x1d: {  	[hbm4b:s4+s6] =	stream.strided.scatter [tilespmem:s9], [sflag:$0x1], $0x2780, s7, s6, $0x38;
	[tilespmem:$0x4F00] =	vst v63  }
0x1e: {  	_ =	swait.ge [sflag:s8], $0x2780  }
0x1f: {  	[sflag:s8] =	ssyncset.done $0x0  }
0x20: {  	[sflag:s8] =	ssyncadd.s32 $0xFFFFD880  }
0x21: {  	_ =	sfence.sel $0x180000  }
0x22: {  	[bflag:$0x0] =	sbarrier.arrive $0xFFFF  }
0x23: {  	p0 =	sne.s32 s0, $0x0;
	_ =	strace $0x90000047  }
0x24: {  	s0 =	sadd.s32 @!p0 $0x100000, s1;
	[bflag:$0x2] =	sbarrier.arrive $0xFFFF  }
0x25: {  	[sflag:s0] =	ssyncadd.tile.s32 @!p0 $0x1;
	_ =	shalt  }
.Lfunc_end2:
_tile_overlayer_lowered:
.L_overlay_start_2:
0x26: {  	(tag) =	ssettag $0x2  }
0x27: {  	s0 =	rddreg [dreg:$0x0];
	s2 =	stileid.u32  }
0x28: {  	s1 =	rddreg [dreg:$0x1];
	p0 =	sne.s32 s2, $0x0  }
0x29: {  	s3 =	rddreg [dreg:$0x2];
	[bflag:$0x3] =	sbarrier.arrive $0xFFFF;
	s2 =	simm.s32 @!p0 $0x1C01  }
0x2a: {  	[timem:s3], [sflag:s2] =	dma.local @!p0 [hbm:s0], s1  }
0x2b: {  	s0 =	simm.s32 @!p0 $0x1  }
0x2c: {  	_ =	swait.ge @!p0 [sflag:s0], s1  }
0x2d: {  	s1 =	ssub.s32 @!p0 $0x0, s1;
	[sflag:s0] =	ssyncset.done @!p0 $0x0  }
0x2e: {  	[sflag:s0] =	ssyncadd.s32 @!p0 s1  }
0x2f: {  	[bflag:$0x3] =	sbarrier.arrive $0xFFFF  }
0x30: {  	_ =	shalt  }

// kernel: kernel.15.cloned.1.call-start
scs
__scs_entry_jumppad:
0x0: {  	(pc) =	sbr.rel $0x88, $3  }
0x1: {  	(tag) =	ssettag $0x0;
	lr =	simm.s32 $0x1  }
0x2: {  	[smem:$0x3F97] =	sst lr;
	_ =	strace $0xD0000000  }
0x3: {  	_ = 	snop  }
0x4: {  	_ = 	snop  }
0x5: {  	_ = 	snop  }
0x6: {  	_ = 	snop  }
0x7: {  	_ = 	snop  }
__scs_overlays_trampoline_lowered:
0x8: {  	[smem:$0x3FA6] =	sst s0  }
0x9: {  	[smem:$0x3FA7] =	sst s1  }
0xa: {  	[smem:$0x3FA8] =	sst s2  }
0xb: {  	[smem:$0x3FA9] =	sst s3  }
0xc: {  	[smem:$0x3FAA] =	sst s4  }
0xd: {  	[smem:$0x3FAB] =	sst s5  }
0xe: {  	[smem:$0x3FAC] =	sst s6  }
0xf: {  	[smem:$0x3FAD] =	sst s7  }
0x10: {  	[smem:$0x3FAE] =	sst s8  }
0x11: {  	[smem:$0x3FAF] =	sst s9;
	s0 =	simm.s32 @!p0 $0x0  }
0x12: {  	s1 =	sld [smem:$0x3F95];
	s0 =	simm.s32 @p0 $0x1  }
0x13: {  	[smem:$0x3FB0] =	sst s0;
	s0 =	simm.s32 @!p1 $0x0  }
0x14: {  	s2 =	sld [smem:$0x3F94];
	s0 =	simm.s32 @p1 $0x1  }
0x15: {  	[smem:$0x3FB1] =	sst s0;
	s0 =	simm.s32 @!p2 $0x0  }
0x16: {  	s3 =	sld [smem:$0x3FDB];
	s0 =	simm.s32 @p2 $0x1  }
0x17: {  	s4 =	simm.s32 $0x1BF5;
	[smem:$0x3FB3] =	sst s0  }
0x18: {  	s0 =	sld [smem:$0x3F96];
	_ =	swait.ge [sflag:s4], $0x0  }
0x19: {  	s7 =	sld [smem:$0x3F97]  }
0x1a: {  	s8 =	sadd.s32 $0xFFFFE003, lr  }
0x1b: {  	s9 =	sadd.s32 $0xFFFFFEF7, lr;
	s5 =	simm.s32 $0xFFFFFFFF;
	p2 =	slt.u32 s8, $0xFFFFF086  }
0x1c: {  	p1 =	slt.u32 s9, $0xF7A;
	s5 =	simm.s32 @!p2 $0x0  }
0x1d: {  	s5 =	simm.s32 @p1 $0x1;
	p0 =	seq.s32 s7, s2  }
0x1e: {  	s7 =	smul.u32 @!p0 $0xF7A, s2;
	p2 =	seq.s32 @!p0 s5, $0x0  }
0x1f: {  	s9 =	smul.u32 $0xF7A, s1;
	s8 =	simm.s32 @!p0 $0x1BF5;
	p2 =	por !p2, p0  }
0x20: {  	[sflag:s8] =	ssyncset.s32 @!p0 $0xFFFFF086;
	s6 =	sadd.s32 @!p0 s3, s7;
	s7 =	simm.s32 @!p0 $0x108  }
0x21: {  	s3 =	sadd.s32 s3, s9;
	s6 =	sadd.s32 @!p0 $0x88, s6;
	s7 =	simm.s32 @p2 $0x1082  }
0x22: {  	[simem:s7], [sflag:s8] =	dma.local @!p0 [hbm:s6], $0xF7A  }
0x23: {  	s9 =	sor.u32 $0xD0000000, s2;
	s6 =	simm.s32 $0x108;
	_ =	swait.ge @!p0 [sflag:s8], $0x0  }
0x24: {  	s3 =	sadd.s32 $0x88, s3;
	s6 =	simm.s32 @!p1 $0x1082;
	[sflag:s4] =	ssyncset.s32 $0xFFFFF086  }
0x25: {  	[simem:s6], [sflag:s4] =	dma.local [hbm:s3], $0xF7A  }
0x26: {  	[smem:$0x3F97] =	sst s1;
	(tag) =	ssettag s2;
	_ =	strace s9  }
0x27: {  	s1 =	sld [smem:$0x3FA7]  }
0x28: {  	s2 =	sld [smem:$0x3FA8]  }
0x29: {  	s4 =	sld [smem:$0x3FAA]  }
0x2a: {  	p0 =	seq.s32 s5, $0x0;
	s5 =	sld [smem:$0x3FAB]  }
0x2b: {  	s6 =	sld [smem:$0x3FAC]  }
0x2c: {  	s7 =	sld [smem:$0x3FAD]  }
0x2d: {  	s3 =	simm.s32 $0x108;
	s8 =	sld [smem:$0x3FAE]  }
0x2e: {  	s3 =	simm.s32 @!p0 $0x1082;
	s9 =	sld [smem:$0x3FAF]  }
0x2f: {  	lr =	sadd.s32 s0, s3;
	s0 =	sld [smem:$0x3FA6]  }
0x30: {  	s3 =	sld [smem:$0x3FA9]  }
0x31: {  	[smem:$0x3FB2] =	sst s10  }
0x32: {  	s10 =	sld [smem:$0x3FB0];
	_ =	sdelay $0x3  }
0x33: {  	p0 =	seq.s32 s10, $0x1;
	s10 =	sld [smem:$0x3FB2];
	_ =	sdelay $0x3  }
0x34: {  	[smem:$0x3FB2] =	sst s10  }
0x35: {  	s10 =	sld [smem:$0x3FB1];
	_ =	sdelay $0x3  }
0x36: {  	p1 =	seq.s32 s10, $0x1;
	s10 =	sld [smem:$0x3FB2];
	_ =	sdelay $0x3  }
0x37: {  	[smem:$0x3FB2] =	sst s10  }
0x38: {  	s10 =	sld [smem:$0x3FB3]  }
0x39: {  	_ = 	snop;
	(pc) =	sbr.ind lr, $3  }
0x3a: {  	_ = 	snop  }
0x3b: {  	_ = 	snop  }
0x3c: {  	p2 =	seq.s32 s10, $0x1;
	s10 =	sld [smem:$0x3FB2]  }
0x3d: {  	_ =	shalt  }
0x3e: {  	_ =	shalt  }
0x3f: {  	_ =	shalt  }
0x40: {  	_ =	shalt  }
0x41: {  	_ =	shalt  }
0x42: {  	_ =	shalt  }
0x43: {  	_ =	shalt  }
0x44: {  	_ =	shalt  }
0x45: {  	_ =	shalt  }
0x46: {  	_ =	shalt  }
0x47: {  	_ =	shalt  }
0x48: {  	_ =	shalt  }
0x49: {  	_ =	shalt  }
0x4a: {  	_ =	shalt  }
0x4b: {  	_ =	shalt  }
0x4c: {  	_ =	shalt  }
0x4d: {  	_ =	shalt  }
0x4e: {  	_ =	shalt  }
0x4f: {  	_ =	shalt  }
0x50: {  	_ =	shalt  }
0x51: {  	_ =	shalt  }
0x52: {  	_ =	shalt  }
0x53: {  	_ =	shalt  }
0x54: {  	_ =	shalt  }
0x55: {  	_ =	shalt  }
0x56: {  	_ =	shalt  }
0x57: {  	_ =	shalt  }
0x58: {  	_ =	shalt  }
0x59: {  	_ =	shalt  }
0x5a: {  	_ =	shalt  }
0x5b: {  	_ =	shalt  }
0x5c: {  	_ =	shalt  }
0x5d: {  	_ =	shalt  }
0x5e: {  	_ =	shalt  }
0x5f: {  	_ =	shalt  }
0x60: {  	_ =	shalt  }
0x61: {  	_ =	shalt  }
0x62: {  	_ =	shalt  }
0x63: {  	_ =	shalt  }
0x64: {  	_ =	shalt  }
0x65: {  	_ =	shalt  }
0x66: {  	_ =	shalt  }
0x67: {  	_ =	shalt  }
0x68: {  	_ =	shalt  }
0x69: {  	_ =	shalt  }
0x6a: {  	_ =	shalt  }
0x6b: {  	_ =	shalt  }
0x6c: {  	_ =	shalt  }
0x6d: {  	_ =	shalt  }
0x6e: {  	_ =	shalt  }
0x6f: {  	_ =	shalt  }
0x70: {  	_ =	shalt  }
0x71: {  	_ =	shalt  }
0x72: {  	_ =	shalt  }
0x73: {  	_ =	shalt  }
0x74: {  	_ =	shalt  }
0x75: {  	_ =	shalt  }
0x76: {  	_ =	shalt  }
0x77: {  	_ =	shalt  }
0x78: {  	_ =	shalt  }
0x79: {  	_ =	shalt  }
0x7a: {  	_ =	shalt  }
0x7b: {  	_ =	shalt  }
0x7c: {  	_ =	shalt  }
0x7d: {  	_ =	shalt  }
0x7e: {  	_ =	shalt  }
0x7f: {  	_ =	shalt  }
0x80: {  	_ =	shalt  }
0x81: {  	_ =	shalt  }
0x82: {  	_ =	shalt  }
0x83: {  	_ =	shalt  }
0x84: {  	_ =	shalt  }
0x85: {  	_ =	shalt  }
0x86: {  	_ =	shalt  }
0x87: {  	_ =	shalt  }
.Lfunc_end0:
.L_simem_size_0:
called_computation.1_lowered:
.L_overlay_start_0:
0x88: {  	s2 =	sld [smem:$0x3FD9]  }
0x89: {  	s3 =	sld [smem:$0x3FFE];
	_ =	sdelay $0x1  }
0x8a: {  	s1 =	srdreg.scid  }
0x8b: {  	s0 =	sand.u32 $0x1, s1  }
0x8c: {  	s17 =	sshll.u32 s0, $0xA;
	s2 =	sadd.s32 s3, s2  }
0x8d: {  	s2 =	sadd.s32 s2, s17  }
0x8e: {  	[smem:$0x3FBE] =	sst s2  }
0x8f: {  	_ = 	snop  }
0x90: {  	s2 =	sld [smem:$0x3FD0];
	(tm) =	ssettm $0x1  }
0x91: {  	s18 =	sld [smem:$0x3FFB];
	_ =	sdelay $0x3  }
0x92: {  	_ =	strace s18  }
0x93: {  	s3 =	sld [smem:$0x3FFC];
	_ =	sdelay $0x3  }
0x94: {  	_ =	strace s3  }
0x95: {  	s3 =	sld [smem:$0x3FFD];
	_ =	sdelay $0x3  }
0x96: {  	_ =	strace s3  }
0x97: {  	_ =	strace $0x8FFFFFFF  }
0x98: {  	s19 =	sld [smem:$0x3FDB];
	_ =	sdelay $0x1  }
0x99: {  	s4 =	simm.s32 $_scs_section_size  }
0x9a: {  	s5 =	simm.s32 $_size__tile_overlayer_lowered;
	s6 =	simm.s32 $_tile_overlayer_lowered  }
0x9b: {  	s22 =	simm.s32 $0x1BFF;
	s21 =	sshll.u32 s6, $0x1;
	s3 =	sadd.s32 s4, s19  }
0x9c: {  	s7 =	simm.s32 $0x0;
	s20 =	sshll.u32 s5, $0x1;
	s5 =	sadd.s32 s21, s3  }
0x9d: {  	[timem:s7], [sflag:s22] =	dma.local [hbm:s5], s20  }
0x9e: {  	_ =	swait.ge [sflag:s22], s20  }
0x9f: {  	s4 =	ssub.s32 $0x0, s20;
	[sflag:s22] =	ssyncset.done $0x0  }
0xa0: {  	[sflag:s22] =	ssyncadd.s32 s4;
	_ =	sdelay $0x1  }
0xa1: {  	s23 =	simm.s32 $0x1B8B  }
0xa2: {  	_ =	swait.ge [sflag:s23], $0x1  }
0xa3: {  	[sflag:s23] =	ssyncset.done $0x0  }
0xa4: {  	s25 =	simm.s32 $0x1B8E;
	s24 =	sld [smem:$0x3FFE];
	[sflag:s23] =	ssyncadd.s32 $0xFFFFFFFF  }
0xa5: {  	s26 =	simm.s32 $execute0_lowered;
	[smem:$0x3FD2] =	sst s25  }
0xa6: {  	s5 =	sshll.u32 s26, $0x1;
	_ =	strace $0x80000049;
	[dreg:$0x1] =	wrdreg $0xFFFFFFFF  }
0xa7: {  	s28 =	simm.s32 $_size_execute0_lowered;
	s3 =	sadd.s32 s3, s5;
	[dreg:$0x0] =	wrdreg $0x0  }
0xa8: {  	s5 =	sshll.u32 s28, $0x1;
	[dreg:$0x2] =	wrdreg s3  }
0xa9: {  	[dreg:$0x3] =	wrdreg s5  }
0xaa: {  	[dreg:$0x4] =	wrdreg $0xC0  }
0xab: {  	_ =	task [dreg:s7], $0x5FFFF  }
0xac: {  	[dreg:$0x1] =	wrdreg $0xFFFFFFFF  }
0xad: {  	[dreg:$0x0] =	wrdreg $0x60  }
0xae: {  	[dreg:$0x2] =	wrdreg s24  }
0xaf: {  	[dreg:$0x3] =	wrdreg s2  }
0xb0: {  	[dreg:$0x4] =	wrdreg $0xB5400  }
0xb1: {  	[dreg:$0x5] =	wrdreg $0x9  }
0xb2: {  	_ =	task.clear_ibuf [dreg:s7], $0x6FFFF;
	_ =	strace $0x90000049  }
0xb3: {  	s29 =	simm.s32 $0x9;
	_ =	strace $0x8000004B  }
0xb4: {  	_ =	swait.ge [sflag:s29], $0x1  }
0xb5: {  	[sflag:s29] =	ssyncadd.s32 $0xFFFFFFFF  }
0xb6: {  	_ =	strace $0x9000004B  }
0xb7: {  	_ =	sfence  }
0xb8: {  	s30 =	sld [smem:$0x0];
	_ =	sdelay $0x2  }
0xb9: {  	s31 =	sshll.u32 s1, $0xD;
	s1 =	sshrl.u32 s1, $0x2  }
0xba: {  	s3 =	sand.u32 $0x4000, s31;
	s1 =	sadd.s32 s1, s30  }
0xbb: {  	s0 =	sor.u32 s3, s0;
	s1 =	sshll.u32 s1, $0x11  }
0xbc: {  	s0 =	sor.u32 s1, s0  }
0xbd: {  	s0 =	sadd.s32 $0x8F2B, s0  }
0xbe: {  	[sflag:s0] =	ssyncadd.remote.s32 $0x1  }
0xbf: {  	_ =	sfence.sel $0xFFFF  }
0xc0: {  	[dreg:$0x0] =	wrdreg $0xFFFFFFFF;
	(pc) =	sbr.abs _section_cstart, $3  }
0xc1: {  	[dreg:$0x1] =	wrdreg $0xFFFFFFFF  }
0xc2: {  	_ =	task.clear_ibuf [dreg:s7], $0x2FFFF;
	_ =	strace $0x9FFFFFFF  }
0xc3: {  	(tm) =	ssettm $0x7FFFFFFF  }
tec
execute0_lowered:
.L_overlay_start_1:
0x0: {  	(tag) =	ssettag $0x1  }
0x1: {  	s6 =	rddreg [dreg:$0x0]  }
0x2: {  	s1 =	rddreg [dreg:$0x1]  }
0x3: {  	s3 =	rddreg [dreg:$0x2]  }
0x4: {  	s0 =	rddreg [dreg:$0x3];
	s4 =	simm.s32 $0x0;
	s5 =	srdreg.scid  }
0x5: {  	s2 =	stileid.u32;
	s14 =	simm.s32 $0x64;
	s15 =	simm.s32 $0x5140  }
0x6: {  	s16 =	simm.s32 $0x8340;
	s17 =	simm.s32 $0x1;
	s18 =	simm.s32 $0x2  }
0x7: {  	s19 =	simm.s32 $0x2838;
	s20 =	simm.s32 $0x5070;
	s21 =	simm.s32 $0x50D8  }
0x8: {  	s22 =	simm.s32 $0x0;
	s7 =	sand.u32 $0x1, s5;
	s31 =	sshll.u32 s2, $0x1  }
0x9: {  	s8 =	smul.u32 $0x13880, s2;
	[smem:$0x7FF] =	sst s4;
	s12 =	sshll.u32 s2, $0x6  }
0xa: {  	s5 =	sor.u32 s7, s31;
	s9 =	smul.u32 $0x138800, s7;
	_ =	strace $0x8000004A  }
0xb: {  	s7 =	ssub.s32 $0x2, s7;
	s12 =	sor.u32 $0x1C03, s12;
	s10 =	smul.u32 $0x514, s5  }
0xc: {  	s5 =	sadd.s32 $0x22000, s6;
	s11 =	sshrl.u32 s7, $0x1;
	s9 =	sadd.s32 s8, s9  }
0xd: {  	s13 =	sadd.s32 s8, s3;
	s11 =	ssub.s32 s7, s11;
	s9 =	sshrl.u32 s9, $0x3  }
0xe: {  	s13 =	sshrl.u32 s13, $0x3;
	s10 =	sadd.s32 s10, s6;
	s9 =	sadd.s32 s9, s6  }
0xf: {  	s6 =	sadd.s32 $0x17C00, s10;
	s7 =	sadd.s32 $0xD800, s10;
	s10 =	simm.s32 $0x3  }
0x10: {  	s8 =	sadd.s32 $0x70400, s9;
	s9 =	smax.u32 s11, $0x1;
	s11 =	simm.s32 $0x28A0  }
.LBB2_1:
0x11: {  	[tilespmem:s4], [sflag:$0x3] =	stream.linear.gather [hbm4b:s6+s4], $0x28A0, $0x38;
	[tilespmem:$0x1EDC0] =	vst v63  }
0x12: {  	_ =	swait.ge [sflag:s10], $0x28A0  }
0x13: {  	[sflag:s10] =	ssyncset.done $0x0  }
0x14: {  	[sflag:s10] =	ssyncadd.s32 $0xFFFFD760  }
0x15: {  	[tilespmem:s11], [sflag:$0x3] =	stream.linear.gather [hbm4b:s7+s4], $0x28A0, $0x38;
	[tilespmem:$0x1EDC0] =	vst v63  }
0x16: {  	_ =	swait.ge [sflag:s10], $0x28A0  }
0x17: {  	[sflag:s10] =	ssyncset.done $0x0  }
0x18: {  	[sflag:s10] =	ssyncadd.s32 $0xFFFFD760  }
0x19: {  	[spmem:s13], [sflag:s12] =	dma.local [hbm:s1], $0x2710  }
0x1a: {  	_ =	swait.ge [sflag:s10], $0x2710  }
0x1b: {  	[sflag:s10] =	ssyncset.done $0x0  }
0x1c: {  	[sflag:s10] =	ssyncadd.s32 $0xFFFFD8F0  }
0x1d: {  	[bflag:$0x0] =	sbarrier.arrive $0xFFFF  }
0x1e: {  	[tilespmem:s15], [sflag:$0x1] =	stream.indirect.gather [hbm4b:s5+s14], $0x80, s4, s14, $0xb8;
	[tilespmem:$0x1EDC0] =	vst v63  }
0x1f: {  	s23 =	simm.s32 $0x68  }
0x20: {  	[tilespmem:s16], [sflag:$0x2] =	stream.indirect.gather [hbm4b:s5+s14], $0x80, s23, s14, $0xb8;
	[tilespmem:$0x1EDC0] =	vst v63  }
0x21: {  	_ =	swait.ge [sflag:s17], $0x3200  }
0x22: {  	[sflag:s17] =	ssyncset.done $0x0  }
0x23: {  	s29 =	simm.s32 $0x28A0;
	[sflag:s17] =	ssyncadd.s32 $0xFFFFCE00  }
0x24: {  	[spmem:s3] =	stream.indirect.scatter.add.f32 [tilespmem:s15], [sflag:$0x3], $0x80, s29, s14, $0xb8;
	[tilespmem:$0x1EDC0] =	vst v63  }
0x25: {  	_ =	swait.ge [sflag:s10], $0x3200  }
0x26: {  	[sflag:s10] =	ssyncset.done $0x0  }
0x27: {  	s30 =	simm.s32 $0xD0;
	[sflag:s10] =	ssyncadd.s32 $0xFFFFCE00  }
0x28: {  	[tilespmem:s15], [sflag:$0x1] =	stream.indirect.gather [hbm4b:s5+s14], $0x80, s30, s14, $0xb8;
	[tilespmem:$0x1EDC0] =	vst v63  }
0x29: {  	_ =	swait.ge [sflag:s18], $0x3200  }
0x2a: {  	[sflag:s18] =	ssyncset.done $0x0  }
0x2b: {  	s31 =	simm.s32 $0x2908;
	[sflag:s18] =	ssyncadd.s32 $0xFFFFCE00  }
0x2c: {  	[spmem:s3] =	stream.indirect.scatter.add.f32 [tilespmem:s16], [sflag:$0x3], $0x80, s31, s14, $0xb8;
	[tilespmem:$0x1EDC0] =	vst v63  }
0x2d: {  	_ =	swait.ge [sflag:s10], $0x3200  }
0x2e: {  	s24 =	simm.s32 $0x680;
	s23 =	simm.s32 $0xD0;
	[sflag:s10] =	ssyncset.done $0x0  }
.LBB2_2:
0x2f: {  	s25 =	sadd.s32 $0x68, s23  }
0x30: {  	[sflag:s10] =	ssyncadd.s32 $0xFFFFCE00;
	s26 =	smov.u32 s24;
	s28 =	sadd.s32 $0x340, s24  }
0x31: {  	[tilespmem:s16], [sflag:$0x2] =	stream.indirect.gather [hbm4b:s5+s14], $0x80, s25, s14, $0xb8;
	[tilespmem:$0x1EDC0] =	vst v63  }
0x32: {  	p0 =	sne.s32 s24, $0x9C00;
	_ =	swait.ge [sflag:s17], $0x3200  }
0x33: {  	[sflag:s17] =	ssyncset.done $0x0  }
0x34: {  	s24 =	sadd.s32 $0x28A0, s23;
	[sflag:s17] =	ssyncadd.s32 $0xFFFFCE00  }
0x35: {  	[spmem:s3] =	stream.indirect.scatter.add.f32 [tilespmem:s15], [sflag:$0x3], $0x80, s24, s14, $0xb8;
	[tilespmem:$0x1EDC0] =	vst v63  }
0x36: {  	_ =	swait.ge [sflag:s10], $0x3200  }
0x37: {  	[sflag:s10] =	ssyncset.done $0x0  }
0x38: {  	s24 =	sadd.s32 $0xD0, s23;
	[sflag:s10] =	ssyncadd.s32 $0xFFFFCE00  }
0x39: {  	[tilespmem:s15], [sflag:$0x1] =	stream.indirect.gather [hbm4b:s5+s14], $0x80, s24, s14, $0xb8;
	[tilespmem:$0x1EDC0] =	vst v63  }
0x3a: {  	_ =	swait.ge [sflag:s18], $0x3200  }
.Ltmp0:
0x3b: {  	[sflag:s18] =	ssyncset.done $0x0;
	(pc) =	sbr.rel @p0 .LBB2_2-.Ltmp0, $4  }
0x3c: {  	s23 =	sadd.s32 $0x2908, s23;
	[sflag:s18] =	ssyncadd.s32 $0xFFFFCE00  }
0x3d: {  	[spmem:s3] =	stream.indirect.scatter.add.f32 [tilespmem:s16], [sflag:$0x3], $0x80, s23, s14, $0xb8;
	[tilespmem:$0x1EDC0] =	vst v63  }
0x3e: {  	_ =	swait.ge [sflag:s10], $0x3200  }
0x3f: {  	s24 =	smov.u32 s28;
	s23 =	sshra.s32 s26, $0x2;
	[sflag:s10] =	ssyncset.done $0x0  }
0x40: {  	s24 =	sadd.s32 $0x68, s23;
	[sflag:s10] =	ssyncadd.s32 $0xFFFFCE00  }
0x41: {  	[tilespmem:s16], [sflag:$0x2] =	stream.indirect.gather [hbm4b:s5+s14], $0x80, s24, s14, $0xb8;
	[tilespmem:$0x1EDC0] =	vst v63  }
0x42: {  	_ =	swait.ge [sflag:s17], $0x3200  }
0x43: {  	[sflag:s17] =	ssyncset.done $0x0  }
0x44: {  	s29 =	sadd.s32 $0x28A0, s23;
	[sflag:s17] =	ssyncadd.s32 $0xFFFFCE00  }
0x45: {  	[spmem:s3] =	stream.indirect.scatter.add.f32 [tilespmem:s15], [sflag:$0x3], $0x80, s29, s14, $0xb8;
	[tilespmem:$0x1EDC0] =	vst v63  }
0x46: {  	_ =	swait.ge [sflag:s10], $0x3200  }
0x47: {  	[sflag:s10] =	ssyncset.done $0x0  }
0x48: {  	s30 =	sadd.s32 $0xD0, s23;
	[sflag:s10] =	ssyncadd.s32 $0xFFFFCE00  }
0x49: {  	[tilespmem:s15], [sflag:$0x1] =	stream.indirect.gather [hbm4b:s5+s14], $0x80, s30, s14, $0xb8;
	[tilespmem:$0x1EDC0] =	vst v63  }
0x4a: {  	_ =	swait.ge [sflag:s18], $0x3200  }
0x4b: {  	[sflag:s18] =	ssyncset.done $0x0  }
0x4c: {  	s31 =	sadd.s32 $0x2908, s23;
	[sflag:s18] =	ssyncadd.s32 $0xFFFFCE00  }
0x4d: {  	[spmem:s3] =	stream.indirect.scatter.add.f32 [tilespmem:s16], [sflag:$0x3], $0x80, s31, s14, $0xb8;
	[tilespmem:$0x1EDC0] =	vst v63  }
0x4e: {  	_ =	swait.ge [sflag:s10], $0x3200  }
0x4f: {  	[sflag:s10] =	ssyncset.done $0x0  }
0x50: {  	[sflag:s10] =	ssyncadd.s32 $0xFFFFCE00  }
0x51: {  	[tilespmem:s16], [sflag:$0x2] =	stream.indirect.gather [hbm4b:s5+s14], $0x80, s19, s14, $0xb8;
	[tilespmem:$0x1EDC0] =	vst v63  }
0x52: {  	_ =	swait.ge [sflag:s17], $0x3200  }
0x53: {  	[sflag:s17] =	ssyncset.done $0x0  }
0x54: {  	[sflag:s17] =	ssyncadd.s32 $0xFFFFCE00  }
0x55: {  	[spmem:s3] =	stream.indirect.scatter.add.f32 [tilespmem:s15], [sflag:$0x3], $0x80, s20, s14, $0xb8;
	[tilespmem:$0x1EDC0] =	vst v63  }
0x56: {  	_ =	swait.ge [sflag:s10], $0x3200  }
0x57: {  	[sflag:s10] =	ssyncset.done $0x0  }
0x58: {  	[sflag:s10] =	ssyncadd.s32 $0xFFFFCE00  }
0x59: {  	_ =	swait.ge [sflag:s18], $0x3200  }
0x5a: {  	[sflag:s18] =	ssyncset.done $0x0  }
0x5b: {  	[sflag:s18] =	ssyncadd.s32 $0xFFFFCE00  }
0x5c: {  	[spmem:s3] =	stream.indirect.scatter.add.f32 [tilespmem:s16], [sflag:$0x3], $0x80, s21, s14, $0xb8;
	[tilespmem:$0x1EDC0] =	vst v63  }
0x5d: {  	_ =	swait.ge [sflag:s10], $0x3200  }
0x5e: {  	s22 =	sadd.s32 $0x1, s22;
	[sflag:s10] =	ssyncset.done $0x0  }
0x5f: {  	p0 =	sne.s32 s22, s9;
	[sflag:s10] =	ssyncadd.s32 $0xFFFFCE00  }
.Ltmp1:
0x60: {  	[bflag:$0x0] =	sbarrier.arrive $0xFFFF;
	(pc) =	sbr.rel @p0 .LBB2_1-.Ltmp1, $4  }
0x61: {  	[hbm:s8], [sflag:s12] =	dma.local [spmem:s13], $0x2710  }
0x62: {  	_ =	swait.ge [sflag:s10], $0x2710  }
0x63: {  	[sflag:s10] =	ssyncset.done $0x0  }
0x64: {  	[sflag:s10] =	ssyncadd.s32 $0xFFFFD8F0  }
0x65: {  	_ =	sfence.sel $0x180000  }
0x66: {  	[bflag:$0x0] =	sbarrier.arrive $0xFFFF  }
0x67: {  	p0 =	sne.s32 s2, $0x0;
	_ =	strace $0x9000004A  }
0x68: {  	s0 =	sadd.s32 @!p0 $0x100000, s0;
	[bflag:$0x2] =	sbarrier.arrive $0xFFFF  }
0x69: {  	[sflag:s0] =	ssyncadd.tile.s32 @!p0 $0x1;
	_ =	shalt  }
.Lfunc_end2:
_tile_overlayer_lowered:
.L_overlay_start_2:
0x6a: {  	(tag) =	ssettag $0x2  }
0x6b: {  	s0 =	rddreg [dreg:$0x0];
	s2 =	stileid.u32  }
0x6c: {  	s1 =	rddreg [dreg:$0x1];
	p0 =	sne.s32 s2, $0x0  }
0x6d: {  	s3 =	rddreg [dreg:$0x2];
	[bflag:$0x3] =	sbarrier.arrive $0xFFFF;
	s2 =	simm.s32 @!p0 $0x1C03  }
0x6e: {  	[timem:s3], [sflag:s2] =	dma.local @!p0 [hbm:s0], s1  }
0x6f: {  	s0 =	simm.s32 @!p0 $0x3  }
0x70: {  	_ =	swait.ge @!p0 [sflag:s0], s1  }
0x71: {  	s1 =	ssub.s32 @!p0 $0x0, s1;
	[sflag:s0] =	ssyncset.done @!p0 $0x0  }
0x72: {  	[sflag:s0] =	ssyncadd.s32 @!p0 s1  }
0x73: {  	[bflag:$0x3] =	sbarrier.arrive $0xFFFF  }
0x74: {  	_ =	shalt  }

// kernel: kernel.18.cloned.1.call-start
scs
__scs_entry_jumppad:
0x0: {  	(pc) =	sbr.rel $0x88, $3  }
0x1: {  	(tag) =	ssettag $0x0;
	lr =	simm.s32 $0x1  }
0x2: {  	[smem:$0x3F97] =	sst lr;
	_ =	strace $0xD0000000  }
0x3: {  	_ = 	snop  }
0x4: {  	_ = 	snop  }
0x5: {  	_ = 	snop  }
0x6: {  	_ = 	snop  }
0x7: {  	_ = 	snop  }
__scs_overlays_trampoline_lowered:
0x8: {  	[smem:$0x3FA6] =	sst s0  }
0x9: {  	[smem:$0x3FA7] =	sst s1  }
0xa: {  	[smem:$0x3FA8] =	sst s2  }
0xb: {  	[smem:$0x3FA9] =	sst s3  }
0xc: {  	[smem:$0x3FAA] =	sst s4  }
0xd: {  	[smem:$0x3FAB] =	sst s5  }
0xe: {  	[smem:$0x3FAC] =	sst s6  }
0xf: {  	[smem:$0x3FAD] =	sst s7  }
0x10: {  	[smem:$0x3FAE] =	sst s8  }
0x11: {  	[smem:$0x3FAF] =	sst s9;
	s0 =	simm.s32 @!p0 $0x0  }
0x12: {  	s1 =	sld [smem:$0x3F95];
	s0 =	simm.s32 @p0 $0x1  }
0x13: {  	[smem:$0x3FB0] =	sst s0;
	s0 =	simm.s32 @!p1 $0x0  }
0x14: {  	s2 =	sld [smem:$0x3F94];
	s0 =	simm.s32 @p1 $0x1  }
0x15: {  	[smem:$0x3FB1] =	sst s0;
	s0 =	simm.s32 @!p2 $0x0  }
0x16: {  	s3 =	sld [smem:$0x3FDB];
	s0 =	simm.s32 @p2 $0x1  }
0x17: {  	s4 =	simm.s32 $0x1BF5;
	[smem:$0x3FB3] =	sst s0  }
0x18: {  	s0 =	sld [smem:$0x3F96];
	_ =	swait.ge [sflag:s4], $0x0  }
0x19: {  	s7 =	sld [smem:$0x3F97]  }
0x1a: {  	s8 =	sadd.s32 $0xFFFFE003, lr  }
0x1b: {  	s9 =	sadd.s32 $0xFFFFFEF7, lr;
	s5 =	simm.s32 $0xFFFFFFFF;
	p2 =	slt.u32 s8, $0xFFFFF086  }
0x1c: {  	p1 =	slt.u32 s9, $0xF7A;
	s5 =	simm.s32 @!p2 $0x0  }
0x1d: {  	s5 =	simm.s32 @p1 $0x1;
	p0 =	seq.s32 s7, s2  }
0x1e: {  	s7 =	smul.u32 @!p0 $0xF7A, s2;
	p2 =	seq.s32 @!p0 s5, $0x0  }
0x1f: {  	s9 =	smul.u32 $0xF7A, s1;
	s8 =	simm.s32 @!p0 $0x1BF5;
	p2 =	por !p2, p0  }
0x20: {  	[sflag:s8] =	ssyncset.s32 @!p0 $0xFFFFF086;
	s6 =	sadd.s32 @!p0 s3, s7;
	s7 =	simm.s32 @!p0 $0x108  }
0x21: {  	s3 =	sadd.s32 s3, s9;
	s6 =	sadd.s32 @!p0 $0x88, s6;
	s7 =	simm.s32 @p2 $0x1082  }
0x22: {  	[simem:s7], [sflag:s8] =	dma.local @!p0 [hbm:s6], $0xF7A  }
0x23: {  	s9 =	sor.u32 $0xD0000000, s2;
	s6 =	simm.s32 $0x108;
	_ =	swait.ge @!p0 [sflag:s8], $0x0  }
0x24: {  	s3 =	sadd.s32 $0x88, s3;
	s6 =	simm.s32 @!p1 $0x1082;
	[sflag:s4] =	ssyncset.s32 $0xFFFFF086  }
0x25: {  	[simem:s6], [sflag:s4] =	dma.local [hbm:s3], $0xF7A  }
0x26: {  	[smem:$0x3F97] =	sst s1;
	(tag) =	ssettag s2;
	_ =	strace s9  }
0x27: {  	s1 =	sld [smem:$0x3FA7]  }
0x28: {  	s2 =	sld [smem:$0x3FA8]  }
0x29: {  	s4 =	sld [smem:$0x3FAA]  }
0x2a: {  	p0 =	seq.s32 s5, $0x0;
	s5 =	sld [smem:$0x3FAB]  }
0x2b: {  	s6 =	sld [smem:$0x3FAC]  }
0x2c: {  	s7 =	sld [smem:$0x3FAD]  }
0x2d: {  	s3 =	simm.s32 $0x108;
	s8 =	sld [smem:$0x3FAE]  }
0x2e: {  	s3 =	simm.s32 @!p0 $0x1082;
	s9 =	sld [smem:$0x3FAF]  }
0x2f: {  	lr =	sadd.s32 s0, s3;
	s0 =	sld [smem:$0x3FA6]  }
0x30: {  	s3 =	sld [smem:$0x3FA9]  }
0x31: {  	[smem:$0x3FB2] =	sst s10  }
0x32: {  	s10 =	sld [smem:$0x3FB0];
	_ =	sdelay $0x3  }
0x33: {  	p0 =	seq.s32 s10, $0x1;
	s10 =	sld [smem:$0x3FB2];
	_ =	sdelay $0x3  }
0x34: {  	[smem:$0x3FB2] =	sst s10  }
0x35: {  	s10 =	sld [smem:$0x3FB1];
	_ =	sdelay $0x3  }
0x36: {  	p1 =	seq.s32 s10, $0x1;
	s10 =	sld [smem:$0x3FB2];
	_ =	sdelay $0x3  }
0x37: {  	[smem:$0x3FB2] =	sst s10  }
0x38: {  	s10 =	sld [smem:$0x3FB3]  }
0x39: {  	_ = 	snop;
	(pc) =	sbr.ind lr, $3  }
0x3a: {  	_ = 	snop  }
0x3b: {  	_ = 	snop  }
0x3c: {  	p2 =	seq.s32 s10, $0x1;
	s10 =	sld [smem:$0x3FB2]  }
0x3d: {  	_ =	shalt  }
0x3e: {  	_ =	shalt  }
0x3f: {  	_ =	shalt  }
0x40: {  	_ =	shalt  }
0x41: {  	_ =	shalt  }
0x42: {  	_ =	shalt  }
0x43: {  	_ =	shalt  }
0x44: {  	_ =	shalt  }
0x45: {  	_ =	shalt  }
0x46: {  	_ =	shalt  }
0x47: {  	_ =	shalt  }
0x48: {  	_ =	shalt  }
0x49: {  	_ =	shalt  }
0x4a: {  	_ =	shalt  }
0x4b: {  	_ =	shalt  }
0x4c: {  	_ =	shalt  }
0x4d: {  	_ =	shalt  }
0x4e: {  	_ =	shalt  }
0x4f: {  	_ =	shalt  }
0x50: {  	_ =	shalt  }
0x51: {  	_ =	shalt  }
0x52: {  	_ =	shalt  }
0x53: {  	_ =	shalt  }
0x54: {  	_ =	shalt  }
0x55: {  	_ =	shalt  }
0x56: {  	_ =	shalt  }
0x57: {  	_ =	shalt  }
0x58: {  	_ =	shalt  }
0x59: {  	_ =	shalt  }
0x5a: {  	_ =	shalt  }
0x5b: {  	_ =	shalt  }
0x5c: {  	_ =	shalt  }
0x5d: {  	_ =	shalt  }
0x5e: {  	_ =	shalt  }
0x5f: {  	_ =	shalt  }
0x60: {  	_ =	shalt  }
0x61: {  	_ =	shalt  }
0x62: {  	_ =	shalt  }
0x63: {  	_ =	shalt  }
0x64: {  	_ =	shalt  }
0x65: {  	_ =	shalt  }
0x66: {  	_ =	shalt  }
0x67: {  	_ =	shalt  }
0x68: {  	_ =	shalt  }
0x69: {  	_ =	shalt  }
0x6a: {  	_ =	shalt  }
0x6b: {  	_ =	shalt  }
0x6c: {  	_ =	shalt  }
0x6d: {  	_ =	shalt  }
0x6e: {  	_ =	shalt  }
0x6f: {  	_ =	shalt  }
0x70: {  	_ =	shalt  }
0x71: {  	_ =	shalt  }
0x72: {  	_ =	shalt  }
0x73: {  	_ =	shalt  }
0x74: {  	_ =	shalt  }
0x75: {  	_ =	shalt  }
0x76: {  	_ =	shalt  }
0x77: {  	_ =	shalt  }
0x78: {  	_ =	shalt  }
0x79: {  	_ =	shalt  }
0x7a: {  	_ =	shalt  }
0x7b: {  	_ =	shalt  }
0x7c: {  	_ =	shalt  }
0x7d: {  	_ =	shalt  }
0x7e: {  	_ =	shalt  }
0x7f: {  	_ =	shalt  }
0x80: {  	_ =	shalt  }
0x81: {  	_ =	shalt  }
0x82: {  	_ =	shalt  }
0x83: {  	_ =	shalt  }
0x84: {  	_ =	shalt  }
0x85: {  	_ =	shalt  }
0x86: {  	_ =	shalt  }
0x87: {  	_ =	shalt  }
.Lfunc_end0:
.L_simem_size_0:
called_computation.2_lowered:
.L_overlay_start_0:
0x88: {  	s2 =	sld [smem:$0x3FD9]  }
0x89: {  	s3 =	sld [smem:$0x3FFE];
	_ =	sdelay $0x1  }
0x8a: {  	s1 =	srdreg.scid  }
0x8b: {  	s0 =	sand.u32 $0x1, s1  }
0x8c: {  	s17 =	sshll.u32 s0, $0xA;
	s2 =	sadd.s32 s3, s2  }
0x8d: {  	s2 =	sadd.s32 s2, s17  }
0x8e: {  	[smem:$0x3FBE] =	sst s2  }
0x8f: {  	_ = 	snop  }
0x90: {  	s2 =	sld [smem:$0x3FD0];
	(tm) =	ssettm $0x1  }
0x91: {  	s18 =	sld [smem:$0x3FFB];
	_ =	sdelay $0x3  }
0x92: {  	_ =	strace s18  }
0x93: {  	s3 =	sld [smem:$0x3FFC];
	_ =	sdelay $0x3  }
0x94: {  	_ =	strace s3  }
0x95: {  	s3 =	sld [smem:$0x3FFD];
	_ =	sdelay $0x3  }
0x96: {  	_ =	strace s3  }
0x97: {  	_ =	strace $0x8FFFFFFF  }
0x98: {  	s19 =	sld [smem:$0x3FDB];
	_ =	sdelay $0x1  }
0x99: {  	s4 =	simm.s32 $_scs_section_size  }
0x9a: {  	s5 =	simm.s32 $_size__tile_overlayer_lowered;
	s6 =	simm.s32 $_tile_overlayer_lowered  }
0x9b: {  	s22 =	simm.s32 $0x1BFF;
	s21 =	sshll.u32 s6, $0x1;
	s3 =	sadd.s32 s4, s19  }
0x9c: {  	s7 =	simm.s32 $0x0;
	s20 =	sshll.u32 s5, $0x1;
	s5 =	sadd.s32 s21, s3  }
0x9d: {  	[timem:s7], [sflag:s22] =	dma.local [hbm:s5], s20  }
0x9e: {  	_ =	swait.ge [sflag:s22], s20  }
0x9f: {  	s4 =	ssub.s32 $0x0, s20;
	[sflag:s22] =	ssyncset.done $0x0  }
0xa0: {  	[sflag:s22] =	ssyncadd.s32 s4;
	_ =	sdelay $0x1  }
0xa1: {  	s23 =	simm.s32 $0x1B8B  }
0xa2: {  	_ =	swait.ge [sflag:s23], $0x1  }
0xa3: {  	[sflag:s23] =	ssyncset.done $0x0  }
0xa4: {  	s25 =	simm.s32 $0x1B8E;
	s24 =	sld [smem:$0x3FFE];
	[sflag:s23] =	ssyncadd.s32 $0xFFFFFFFF  }
0xa5: {  	s26 =	simm.s32 $execute0_lowered;
	[smem:$0x3FD2] =	sst s25  }
0xa6: {  	s5 =	sshll.u32 s26, $0x1;
	_ =	strace $0x8000004C;
	[dreg:$0x1] =	wrdreg $0xFFFFFFFF  }
0xa7: {  	s28 =	simm.s32 $_size_execute0_lowered;
	s3 =	sadd.s32 s3, s5;
	[dreg:$0x0] =	wrdreg $0x0  }
0xa8: {  	s5 =	sshll.u32 s28, $0x1;
	[dreg:$0x2] =	wrdreg s3  }
0xa9: {  	[dreg:$0x3] =	wrdreg s5  }
0xaa: {  	[dreg:$0x4] =	wrdreg $0xC0  }
0xab: {  	_ =	task [dreg:s7], $0x5FFFF  }
0xac: {  	[dreg:$0x1] =	wrdreg $0xFFFFFFFF  }
0xad: {  	[dreg:$0x0] =	wrdreg $0x60  }
0xae: {  	[dreg:$0x2] =	wrdreg s24  }
0xaf: {  	[dreg:$0x3] =	wrdreg s2  }
0xb0: {  	[dreg:$0x4] =	wrdreg $0xB5400  }
0xb1: {  	[dreg:$0x5] =	wrdreg $0x9  }
0xb2: {  	_ =	task.clear_ibuf [dreg:s7], $0x6FFFF;
	_ =	strace $0x9000004C  }
0xb3: {  	s29 =	simm.s32 $0x9;
	_ =	strace $0x8000004E  }
0xb4: {  	_ =	swait.ge [sflag:s29], $0x1  }
0xb5: {  	[sflag:s29] =	ssyncadd.s32 $0xFFFFFFFF  }
0xb6: {  	_ =	strace $0x9000004E  }
0xb7: {  	_ =	sfence  }
0xb8: {  	s30 =	sld [smem:$0x0];
	_ =	sdelay $0x2  }
0xb9: {  	s31 =	sshll.u32 s1, $0xD;
	s1 =	sshrl.u32 s1, $0x2  }
0xba: {  	s3 =	sand.u32 $0x4000, s31;
	s1 =	sadd.s32 s1, s30  }
0xbb: {  	s0 =	sor.u32 s3, s0;
	s1 =	sshll.u32 s1, $0x11  }
0xbc: {  	s0 =	sor.u32 s1, s0  }
0xbd: {  	s0 =	sadd.s32 $0x8F2B, s0  }
0xbe: {  	[sflag:s0] =	ssyncadd.remote.s32 $0x1  }
0xbf: {  	_ =	sfence.sel $0xFFFF  }
0xc0: {  	[dreg:$0x0] =	wrdreg $0xFFFFFFFF;
	(pc) =	sbr.abs _section_cstart, $3  }
0xc1: {  	[dreg:$0x1] =	wrdreg $0xFFFFFFFF  }
0xc2: {  	_ =	task.clear_ibuf [dreg:s7], $0x2FFFF;
	_ =	strace $0x9FFFFFFF  }
0xc3: {  	(tm) =	ssettm $0x7FFFFFFF  }
tec
execute0_lowered:
.L_overlay_start_1:
0x0: {  	(tag) =	ssettag $0x1  }
0x1: {  	s9 =	rddreg [dreg:$0x0]  }
0x2: {  	s2 =	rddreg [dreg:$0x1]  }
0x3: {  	s3 =	rddreg [dreg:$0x2];
	s5 =	srdreg.scid  }
0x4: {  	s0 =	stileid.u32;
	s4 =	simm.s32 $0x0;
	s16 =	simm.s32 $0x3  }
0x5: {  	s20 =	simm.s32 $0x64;
	s21 =	simm.s32 $0x5140;
	s22 =	simm.s32 $0x8340  }
0x6: {  	s23 =	simm.s32 $0x1;
	s24 =	simm.s32 $0x2;
	s25 =	simm.s32 $0x2838  }
0x7: {  	s26 =	simm.s32 $0x5070;
	s28 =	simm.s32 $0x50D8;
	s29 =	simm.s32 $0x0  }
0x8: {  	s10 =	sand.u32 $0x1, s5;
	s13 =	smul.u32 $0x13880, s0;
	[smem:$0x7FF] =	sst s4  }
0x9: {  	s6 =	sshll.u32 s0, $0x1;
	s5 =	sadd.s32 $0x15AC00, s9;
	s18 =	sshll.u32 s0, $0x6  }
0xa: {  	s7 =	smul.u32 $0x4E2000, s10;
	_ =	strace $0x8000004D;
	s8 =	sor.u32 s10, s6  }
0xb: {  	s6 =	sadd.s32 $0x133A00, s9;
	s31 =	ssub.s32 $0x2, s10;
	s18 =	sor.u32 $0x1C03, s18  }
0xc: {  	s11 =	smul.u32 $0x514, s8;
	s8 =	sadd.s32 $0x22000, s9;
	s15 =	sshrl.u32 s31, $0x1  }
0xd: {  	s19 =	sadd.s32 s13, s3;
	s12 =	sadd.s32 s13, s7;
	s7 =	sadd.s32 $0x10C800, s9  }
0xe: {  	s15 =	ssub.s32 s31, s15;
	s12 =	sshrl.u32 s12, $0x3;
	s11 =	sadd.s32 s11, s9  }
0xf: {  	s14 =	sadd.s32 s12, s9;
	s9 =	sadd.s32 $0x17C00, s11;
	s10 =	sadd.s32 $0xD800, s11  }
0x10: {  	s19 =	sshrl.u32 s19, $0x3;
	s11 =	sadd.s32 $0x181E00, s14;
	s12 =	sadd.s32 $0x1A8F00, s14  }
0x11: {  	s15 =	smax.u32 s15, $0x1;
	s13 =	sadd.s32 $0x1D0000, s14;
	s14 =	sadd.s32 $0x1F7100, s14  }
.LBB2_1:
0x12: {  	[tilespmem:s4], [sflag:$0x3] =	stream.linear.gather [hbm4b:s9+s4], $0x28A0, $0x38;
	[tilespmem:$0x1EDC0] =	vst v63  }
0x13: {  	_ =	swait.ge [sflag:s16], $0x28A0  }
0x14: {  	[sflag:s16] =	ssyncset.done $0x0  }
0x15: {  	s0 =	simm.s32 $0x28A0;
	[sflag:s16] =	ssyncadd.s32 $0xFFFFD760  }
0x16: {  	[tilespmem:s0], [sflag:$0x3] =	stream.linear.gather [hbm4b:s10+s4], $0x28A0, $0x38;
	[tilespmem:$0x1EDC0] =	vst v63  }
0x17: {  	_ =	swait.ge [sflag:s16], $0x28A0  }
0x18: {  	[sflag:s16] =	ssyncset.done $0x0  }
0x19: {  	[sflag:s16] =	ssyncadd.s32 $0xFFFFD760  }
0x1a: {  	[spmem:s19], [sflag:s18] =	dma.local [hbm:s2], $0x2710  }
0x1b: {  	_ =	swait.ge [sflag:s16], $0x2710  }
0x1c: {  	[sflag:s16] =	ssyncset.done $0x0  }
0x1d: {  	[sflag:s16] =	ssyncadd.s32 $0xFFFFD8F0  }
0x1e: {  	[bflag:$0x0] =	sbarrier.arrive $0xFFFF  }
0x1f: {  	[tilespmem:s21], [sflag:$0x1] =	stream.indirect.gather [hbm4b:s5+s20], $0x80, s4, s20, $0xb8;
	[tilespmem:$0x1EDC0] =	vst v63  }
0x20: {  	s30 =	simm.s32 $0x68  }
0x21: {  	[tilespmem:s22], [sflag:$0x2] =	stream.indirect.gather [hbm4b:s5+s20], $0x80, s30, s20, $0xb8;
	[tilespmem:$0x1EDC0] =	vst v63  }
0x22: {  	_ =	swait.ge [sflag:s23], $0x3200  }
0x23: {  	[sflag:s23] =	ssyncset.done $0x0  }
0x24: {  	s30 =	simm.s32 $0x28A0;
	[sflag:s23] =	ssyncadd.s32 $0xFFFFCE00  }
0x25: {  	[spmem:s3] =	stream.indirect.scatter.add.f32 [tilespmem:s21], [sflag:$0x3], $0x80, s30, s20, $0xb8;
	[tilespmem:$0x1EDC0] =	vst v63  }
0x26: {  	_ =	swait.ge [sflag:s16], $0x3200  }
0x27: {  	[sflag:s16] =	ssyncset.done $0x0  }
0x28: {  	s30 =	simm.s32 $0xD0;
	[sflag:s16] =	ssyncadd.s32 $0xFFFFCE00  }
0x29: {  	[tilespmem:s21], [sflag:$0x1] =	stream.indirect.gather [hbm4b:s5+s20], $0x80, s30, s20, $0xb8;
	[tilespmem:$0x1EDC0] =	vst v63  }
0x2a: {  	_ =	swait.ge [sflag:s24], $0x3200  }
0x2b: {  	[sflag:s24] =	ssyncset.done $0x0  }
0x2c: {  	s30 =	simm.s32 $0x2908;
	[sflag:s24] =	ssyncadd.s32 $0xFFFFCE00  }
0x2d: {  	[spmem:s3] =	stream.indirect.scatter.add.f32 [tilespmem:s22], [sflag:$0x3], $0x80, s30, s20, $0xb8;
	[tilespmem:$0x1EDC0] =	vst v63  }
0x2e: {  	_ =	swait.ge [sflag:s16], $0x3200  }
0x2f: {  	s31 =	simm.s32 $0x680;
	s30 =	simm.s32 $0xD0;
	[sflag:s16] =	ssyncset.done $0x0  }
.LBB2_2:
0x30: {  	s0 =	sadd.s32 $0x68, s30  }
0x31: {  	[sflag:s16] =	ssyncadd.s32 $0xFFFFCE00;
	s1 =	smov.u32 s31;
	s17 =	sadd.s32 $0x340, s31  }
0x32: {  	[tilespmem:s22], [sflag:$0x2] =	stream.indirect.gather [hbm4b:s5+s20], $0x80, s0, s20, $0xb8;
	[tilespmem:$0x1EDC0] =	vst v63  }
0x33: {  	p0 =	sne.s32 s31, $0x9C00;
	_ =	swait.ge [sflag:s23], $0x3200  }
0x34: {  	[sflag:s23] =	ssyncset.done $0x0  }
0x35: {  	s0 =	sadd.s32 $0x28A0, s30;
	[sflag:s23] =	ssyncadd.s32 $0xFFFFCE00  }
0x36: {  	[spmem:s3] =	stream.indirect.scatter.add.f32 [tilespmem:s21], [sflag:$0x3], $0x80, s0, s20, $0xb8;
	[tilespmem:$0x1EDC0] =	vst v63  }
0x37: {  	_ =	swait.ge [sflag:s16], $0x3200  }
0x38: {  	[sflag:s16] =	ssyncset.done $0x0  }
0x39: {  	s0 =	sadd.s32 $0xD0, s30;
	[sflag:s16] =	ssyncadd.s32 $0xFFFFCE00  }
0x3a: {  	[tilespmem:s21], [sflag:$0x1] =	stream.indirect.gather [hbm4b:s5+s20], $0x80, s0, s20, $0xb8;
	[tilespmem:$0x1EDC0] =	vst v63  }
0x3b: {  	_ =	swait.ge [sflag:s24], $0x3200  }
.Ltmp0:
0x3c: {  	[sflag:s24] =	ssyncset.done $0x0;
	(pc) =	sbr.rel @p0 .LBB2_2-.Ltmp0, $4  }
0x3d: {  	s0 =	sadd.s32 $0x2908, s30;
	[sflag:s24] =	ssyncadd.s32 $0xFFFFCE00  }
0x3e: {  	[spmem:s3] =	stream.indirect.scatter.add.f32 [tilespmem:s22], [sflag:$0x3], $0x80, s0, s20, $0xb8;
	[tilespmem:$0x1EDC0] =	vst v63  }
0x3f: {  	_ =	swait.ge [sflag:s16], $0x3200  }
0x40: {  	s31 =	smov.u32 s17;
	s30 =	sshra.s32 s1, $0x2;
	[sflag:s16] =	ssyncset.done $0x0  }
0x41: {  	s0 =	sadd.s32 $0x68, s30;
	[sflag:s16] =	ssyncadd.s32 $0xFFFFCE00  }
0x42: {  	[tilespmem:s22], [sflag:$0x2] =	stream.indirect.gather [hbm4b:s5+s20], $0x80, s0, s20, $0xb8;
	[tilespmem:$0x1EDC0] =	vst v63  }
0x43: {  	_ =	swait.ge [sflag:s23], $0x3200  }
0x44: {  	[sflag:s23] =	ssyncset.done $0x0  }
0x45: {  	s1 =	sadd.s32 $0x28A0, s30;
	[sflag:s23] =	ssyncadd.s32 $0xFFFFCE00  }
0x46: {  	[spmem:s3] =	stream.indirect.scatter.add.f32 [tilespmem:s21], [sflag:$0x3], $0x80, s1, s20, $0xb8;
	[tilespmem:$0x1EDC0] =	vst v63  }
0x47: {  	_ =	swait.ge [sflag:s16], $0x3200  }
0x48: {  	[sflag:s16] =	ssyncset.done $0x0  }
0x49: {  	s17 =	sadd.s32 $0xD0, s30;
	[sflag:s16] =	ssyncadd.s32 $0xFFFFCE00  }
0x4a: {  	[tilespmem:s21], [sflag:$0x1] =	stream.indirect.gather [hbm4b:s5+s20], $0x80, s17, s20, $0xb8;
	[tilespmem:$0x1EDC0] =	vst v63  }
0x4b: {  	_ =	swait.ge [sflag:s24], $0x3200  }
0x4c: {  	[sflag:s24] =	ssyncset.done $0x0  }
0x4d: {  	s1 =	sadd.s32 $0x2908, s30;
	[sflag:s24] =	ssyncadd.s32 $0xFFFFCE00  }
0x4e: {  	[spmem:s3] =	stream.indirect.scatter.add.f32 [tilespmem:s22], [sflag:$0x3], $0x80, s1, s20, $0xb8;
	[tilespmem:$0x1EDC0] =	vst v63  }
0x4f: {  	_ =	swait.ge [sflag:s16], $0x3200  }
0x50: {  	[sflag:s16] =	ssyncset.done $0x0  }
0x51: {  	[sflag:s16] =	ssyncadd.s32 $0xFFFFCE00  }
0x52: {  	[tilespmem:s22], [sflag:$0x2] =	stream.indirect.gather [hbm4b:s5+s20], $0x80, s25, s20, $0xb8;
	[tilespmem:$0x1EDC0] =	vst v63  }
0x53: {  	_ =	swait.ge [sflag:s23], $0x3200  }
0x54: {  	[sflag:s23] =	ssyncset.done $0x0  }
0x55: {  	[sflag:s23] =	ssyncadd.s32 $0xFFFFCE00  }
0x56: {  	[spmem:s3] =	stream.indirect.scatter.add.f32 [tilespmem:s21], [sflag:$0x3], $0x80, s26, s20, $0xb8;
	[tilespmem:$0x1EDC0] =	vst v63  }
0x57: {  	_ =	swait.ge [sflag:s16], $0x3200  }
0x58: {  	[sflag:s16] =	ssyncset.done $0x0  }
0x59: {  	[sflag:s16] =	ssyncadd.s32 $0xFFFFCE00  }
0x5a: {  	_ =	swait.ge [sflag:s24], $0x3200  }
0x5b: {  	[sflag:s24] =	ssyncset.done $0x0  }
0x5c: {  	[sflag:s24] =	ssyncadd.s32 $0xFFFFCE00  }
0x5d: {  	[spmem:s3] =	stream.indirect.scatter.add.f32 [tilespmem:s22], [sflag:$0x3], $0x80, s28, s20, $0xb8;
	[tilespmem:$0x1EDC0] =	vst v63  }
0x5e: {  	_ =	swait.ge [sflag:s16], $0x3200  }
0x5f: {  	[sflag:s16] =	ssyncset.done $0x0  }
0x60: {  	[sflag:s16] =	ssyncadd.s32 $0xFFFFCE00  }
0x61: {  	[bflag:$0x0] =	sbarrier.arrive $0xFFFF  }
0x62: {  	[hbm:s11], [sflag:s18] =	dma.local [spmem:s19], $0x2710  }
0x63: {  	_ =	swait.ge [sflag:s16], $0x2710  }
0x64: {  	[sflag:s16] =	ssyncset.done $0x0  }
0x65: {  	[sflag:s16] =	ssyncadd.s32 $0xFFFFD8F0  }
0x66: {  	[spmem:s19], [sflag:s18] =	dma.local [hbm:s2], $0x2710  }
0x67: {  	_ =	swait.ge [sflag:s16], $0x2710  }
0x68: {  	[sflag:s16] =	ssyncset.done $0x0  }
0x69: {  	[sflag:s16] =	ssyncadd.s32 $0xFFFFD8F0  }
0x6a: {  	s17 =	simm.s32 $0x0;
	[bflag:$0x0] =	sbarrier.arrive $0xFFFF  }
0x6b: {  	[tilespmem:s21], [sflag:$0x1] =	stream.indirect.gather [hbm4b:s6+s20], $0x80, s17, s20, $0xb8;
	[tilespmem:$0x1EDC0] =	vst v63  }
0x6c: {  	s1 =	simm.s32 $0x68  }
0x6d: {  	[tilespmem:s22], [sflag:$0x2] =	stream.indirect.gather [hbm4b:s6+s20], $0x80, s1, s20, $0xb8;
	[tilespmem:$0x1EDC0] =	vst v63  }
0x6e: {  	_ =	swait.ge [sflag:s23], $0x3200  }
0x6f: {  	[sflag:s23] =	ssyncset.done $0x0  }
0x70: {  	s17 =	simm.s32 $0x28A0;
	[sflag:s23] =	ssyncadd.s32 $0xFFFFCE00  }
0x71: {  	[spmem:s3] =	stream.indirect.scatter.add.f32 [tilespmem:s21], [sflag:$0x3], $0x80, s17, s20, $0xb8;
	[tilespmem:$0x1EDC0] =	vst v63  }
0x72: {  	_ =	swait.ge [sflag:s16], $0x3200  }
0x73: {  	[sflag:s16] =	ssyncset.done $0x0  }
0x74: {  	s1 =	simm.s32 $0xD0;
	[sflag:s16] =	ssyncadd.s32 $0xFFFFCE00  }
0x75: {  	[tilespmem:s21], [sflag:$0x1] =	stream.indirect.gather [hbm4b:s6+s20], $0x80, s1, s20, $0xb8;
	[tilespmem:$0x1EDC0] =	vst v63  }
0x76: {  	_ =	swait.ge [sflag:s24], $0x3200  }
0x77: {  	[sflag:s24] =	ssyncset.done $0x0  }
0x78: {  	s17 =	simm.s32 $0x2908;
	[sflag:s24] =	ssyncadd.s32 $0xFFFFCE00  }
0x79: {  	[spmem:s3] =	stream.indirect.scatter.add.f32 [tilespmem:s22], [sflag:$0x3], $0x80, s17, s20, $0xb8;
	[tilespmem:$0x1EDC0] =	vst v63  }
0x7a: {  	_ =	swait.ge [sflag:s16], $0x3200  }
0x7b: {  	s31 =	simm.s32 $0x680;
	s30 =	simm.s32 $0xD0;
	[sflag:s16] =	ssyncset.done $0x0  }
.LBB2_4:
0x7c: {  	s0 =	sadd.s32 $0x68, s30  }
0x7d: {  	[sflag:s16] =	ssyncadd.s32 $0xFFFFCE00;
	s1 =	smov.u32 s31;
	s17 =	sadd.s32 $0x340, s31  }
0x7e: {  	[tilespmem:s22], [sflag:$0x2] =	stream.indirect.gather [hbm4b:s6+s20], $0x80, s0, s20, $0xb8;
	[tilespmem:$0x1EDC0] =	vst v63  }
0x7f: {  	p0 =	sne.s32 s31, $0x9C00;
	_ =	swait.ge [sflag:s23], $0x3200  }
0x80: {  	[sflag:s23] =	ssyncset.done $0x0  }
0x81: {  	s0 =	sadd.s32 $0x28A0, s30;
	[sflag:s23] =	ssyncadd.s32 $0xFFFFCE00  }
0x82: {  	[spmem:s3] =	stream.indirect.scatter.add.f32 [tilespmem:s21], [sflag:$0x3], $0x80, s0, s20, $0xb8;
	[tilespmem:$0x1EDC0] =	vst v63  }
0x83: {  	_ =	swait.ge [sflag:s16], $0x3200  }
0x84: {  	[sflag:s16] =	ssyncset.done $0x0  }
0x85: {  	s0 =	sadd.s32 $0xD0, s30;
	[sflag:s16] =	ssyncadd.s32 $0xFFFFCE00  }
0x86: {  	[tilespmem:s21], [sflag:$0x1] =	stream.indirect.gather [hbm4b:s6+s20], $0x80, s0, s20, $0xb8;
	[tilespmem:$0x1EDC0] =	vst v63  }
0x87: {  	_ =	swait.ge [sflag:s24], $0x3200  }
.Ltmp1:
0x88: {  	[sflag:s24] =	ssyncset.done $0x0;
	(pc) =	sbr.rel @p0 .LBB2_4-.Ltmp1, $4  }
0x89: {  	s0 =	sadd.s32 $0x2908, s30;
	[sflag:s24] =	ssyncadd.s32 $0xFFFFCE00  }
0x8a: {  	[spmem:s3] =	stream.indirect.scatter.add.f32 [tilespmem:s22], [sflag:$0x3], $0x80, s0, s20, $0xb8;
	[tilespmem:$0x1EDC0] =	vst v63  }
0x8b: {  	_ =	swait.ge [sflag:s16], $0x3200  }
0x8c: {  	s31 =	smov.u32 s17;
	s30 =	sshra.s32 s1, $0x2;
	[sflag:s16] =	ssyncset.done $0x0  }
0x8d: {  	s0 =	sadd.s32 $0x68, s30;
	[sflag:s16] =	ssyncadd.s32 $0xFFFFCE00  }
0x8e: {  	[tilespmem:s22], [sflag:$0x2] =	stream.indirect.gather [hbm4b:s6+s20], $0x80, s0, s20, $0xb8;
	[tilespmem:$0x1EDC0] =	vst v63  }
0x8f: {  	_ =	swait.ge [sflag:s23], $0x3200  }
0x90: {  	[sflag:s23] =	ssyncset.done $0x0  }
0x91: {  	s1 =	sadd.s32 $0x28A0, s30;
	[sflag:s23] =	ssyncadd.s32 $0xFFFFCE00  }
0x92: {  	[spmem:s3] =	stream.indirect.scatter.add.f32 [tilespmem:s21], [sflag:$0x3], $0x80, s1, s20, $0xb8;
	[tilespmem:$0x1EDC0] =	vst v63  }
0x93: {  	_ =	swait.ge [sflag:s16], $0x3200  }
0x94: {  	[sflag:s16] =	ssyncset.done $0x0  }
0x95: {  	s17 =	sadd.s32 $0xD0, s30;
	[sflag:s16] =	ssyncadd.s32 $0xFFFFCE00  }
0x96: {  	[tilespmem:s21], [sflag:$0x1] =	stream.indirect.gather [hbm4b:s6+s20], $0x80, s17, s20, $0xb8;
	[tilespmem:$0x1EDC0] =	vst v63  }
0x97: {  	_ =	swait.ge [sflag:s24], $0x3200  }
0x98: {  	[sflag:s24] =	ssyncset.done $0x0  }
0x99: {  	s1 =	sadd.s32 $0x2908, s30;
	[sflag:s24] =	ssyncadd.s32 $0xFFFFCE00  }
0x9a: {  	[spmem:s3] =	stream.indirect.scatter.add.f32 [tilespmem:s22], [sflag:$0x3], $0x80, s1, s20, $0xb8;
	[tilespmem:$0x1EDC0] =	vst v63  }
0x9b: {  	_ =	swait.ge [sflag:s16], $0x3200  }
0x9c: {  	[sflag:s16] =	ssyncset.done $0x0  }
0x9d: {  	[sflag:s16] =	ssyncadd.s32 $0xFFFFCE00  }
0x9e: {  	[tilespmem:s22], [sflag:$0x2] =	stream.indirect.gather [hbm4b:s6+s20], $0x80, s25, s20, $0xb8;
	[tilespmem:$0x1EDC0] =	vst v63  }
0x9f: {  	_ =	swait.ge [sflag:s23], $0x3200  }
0xa0: {  	[sflag:s23] =	ssyncset.done $0x0  }
0xa1: {  	[sflag:s23] =	ssyncadd.s32 $0xFFFFCE00  }
0xa2: {  	[spmem:s3] =	stream.indirect.scatter.add.f32 [tilespmem:s21], [sflag:$0x3], $0x80, s26, s20, $0xb8;
	[tilespmem:$0x1EDC0] =	vst v63  }
0xa3: {  	_ =	swait.ge [sflag:s16], $0x3200  }
0xa4: {  	[sflag:s16] =	ssyncset.done $0x0  }
0xa5: {  	[sflag:s16] =	ssyncadd.s32 $0xFFFFCE00  }
0xa6: {  	_ =	swait.ge [sflag:s24], $0x3200  }
0xa7: {  	[sflag:s24] =	ssyncset.done $0x0  }
0xa8: {  	[sflag:s24] =	ssyncadd.s32 $0xFFFFCE00  }
0xa9: {  	[spmem:s3] =	stream.indirect.scatter.add.f32 [tilespmem:s22], [sflag:$0x3], $0x80, s28, s20, $0xb8;
	[tilespmem:$0x1EDC0] =	vst v63  }
0xaa: {  	_ =	swait.ge [sflag:s16], $0x3200  }
0xab: {  	[sflag:s16] =	ssyncset.done $0x0  }
0xac: {  	[sflag:s16] =	ssyncadd.s32 $0xFFFFCE00  }
0xad: {  	[bflag:$0x0] =	sbarrier.arrive $0xFFFF  }
0xae: {  	[hbm:s12], [sflag:s18] =	dma.local [spmem:s19], $0x2710  }
0xaf: {  	_ =	swait.ge [sflag:s16], $0x2710  }
0xb0: {  	[sflag:s16] =	ssyncset.done $0x0  }
0xb1: {  	[sflag:s16] =	ssyncadd.s32 $0xFFFFD8F0  }
0xb2: {  	[spmem:s19], [sflag:s18] =	dma.local [hbm:s2], $0x2710  }
0xb3: {  	_ =	swait.ge [sflag:s16], $0x2710  }
0xb4: {  	[sflag:s16] =	ssyncset.done $0x0  }
0xb5: {  	[sflag:s16] =	ssyncadd.s32 $0xFFFFD8F0  }
0xb6: {  	s17 =	simm.s32 $0x0;
	[bflag:$0x0] =	sbarrier.arrive $0xFFFF  }
0xb7: {  	[tilespmem:s21], [sflag:$0x1] =	stream.indirect.gather [hbm4b:s7+s20], $0x80, s17, s20, $0xb8;
	[tilespmem:$0x1EDC0] =	vst v63  }
0xb8: {  	s1 =	simm.s32 $0x68  }
0xb9: {  	[tilespmem:s22], [sflag:$0x2] =	stream.indirect.gather [hbm4b:s7+s20], $0x80, s1, s20, $0xb8;
	[tilespmem:$0x1EDC0] =	vst v63  }
0xba: {  	_ =	swait.ge [sflag:s23], $0x3200  }
0xbb: {  	[sflag:s23] =	ssyncset.done $0x0  }
0xbc: {  	s17 =	simm.s32 $0x28A0;
	[sflag:s23] =	ssyncadd.s32 $0xFFFFCE00  }
0xbd: {  	[spmem:s3] =	stream.indirect.scatter.add.f32 [tilespmem:s21], [sflag:$0x3], $0x80, s17, s20, $0xb8;
	[tilespmem:$0x1EDC0] =	vst v63  }
0xbe: {  	_ =	swait.ge [sflag:s16], $0x3200  }
0xbf: {  	[sflag:s16] =	ssyncset.done $0x0  }
0xc0: {  	s1 =	simm.s32 $0xD0;
	[sflag:s16] =	ssyncadd.s32 $0xFFFFCE00  }
0xc1: {  	[tilespmem:s21], [sflag:$0x1] =	stream.indirect.gather [hbm4b:s7+s20], $0x80, s1, s20, $0xb8;
	[tilespmem:$0x1EDC0] =	vst v63  }
0xc2: {  	_ =	swait.ge [sflag:s24], $0x3200  }
0xc3: {  	[sflag:s24] =	ssyncset.done $0x0  }
0xc4: {  	s17 =	simm.s32 $0x2908;
	[sflag:s24] =	ssyncadd.s32 $0xFFFFCE00  }
0xc5: {  	[spmem:s3] =	stream.indirect.scatter.add.f32 [tilespmem:s22], [sflag:$0x3], $0x80, s17, s20, $0xb8;
	[tilespmem:$0x1EDC0] =	vst v63  }
0xc6: {  	_ =	swait.ge [sflag:s16], $0x3200  }
0xc7: {  	s31 =	simm.s32 $0x680;
	s30 =	simm.s32 $0xD0;
	[sflag:s16] =	ssyncset.done $0x0  }
.LBB2_6:
0xc8: {  	s0 =	sadd.s32 $0x68, s30  }
0xc9: {  	[sflag:s16] =	ssyncadd.s32 $0xFFFFCE00;
	s1 =	smov.u32 s31;
	s17 =	sadd.s32 $0x340, s31  }
0xca: {  	[tilespmem:s22], [sflag:$0x2] =	stream.indirect.gather [hbm4b:s7+s20], $0x80, s0, s20, $0xb8;
	[tilespmem:$0x1EDC0] =	vst v63  }
0xcb: {  	p0 =	sne.s32 s31, $0x9C00;
	_ =	swait.ge [sflag:s23], $0x3200  }
0xcc: {  	[sflag:s23] =	ssyncset.done $0x0  }
0xcd: {  	s0 =	sadd.s32 $0x28A0, s30;
	[sflag:s23] =	ssyncadd.s32 $0xFFFFCE00  }
0xce: {  	[spmem:s3] =	stream.indirect.scatter.add.f32 [tilespmem:s21], [sflag:$0x3], $0x80, s0, s20, $0xb8;
	[tilespmem:$0x1EDC0] =	vst v63  }
0xcf: {  	_ =	swait.ge [sflag:s16], $0x3200  }
0xd0: {  	[sflag:s16] =	ssyncset.done $0x0  }
0xd1: {  	s0 =	sadd.s32 $0xD0, s30;
	[sflag:s16] =	ssyncadd.s32 $0xFFFFCE00  }
0xd2: {  	[tilespmem:s21], [sflag:$0x1] =	stream.indirect.gather [hbm4b:s7+s20], $0x80, s0, s20, $0xb8;
	[tilespmem:$0x1EDC0] =	vst v63  }
0xd3: {  	_ =	swait.ge [sflag:s24], $0x3200  }
.Ltmp2:
0xd4: {  	[sflag:s24] =	ssyncset.done $0x0;
	(pc) =	sbr.rel @p0 .LBB2_6-.Ltmp2, $4  }
0xd5: {  	s0 =	sadd.s32 $0x2908, s30;
	[sflag:s24] =	ssyncadd.s32 $0xFFFFCE00  }
0xd6: {  	[spmem:s3] =	stream.indirect.scatter.add.f32 [tilespmem:s22], [sflag:$0x3], $0x80, s0, s20, $0xb8;
	[tilespmem:$0x1EDC0] =	vst v63  }
0xd7: {  	_ =	swait.ge [sflag:s16], $0x3200  }
0xd8: {  	s31 =	smov.u32 s17;
	s30 =	sshra.s32 s1, $0x2;
	[sflag:s16] =	ssyncset.done $0x0  }
0xd9: {  	s0 =	sadd.s32 $0x68, s30;
	[sflag:s16] =	ssyncadd.s32 $0xFFFFCE00  }
0xda: {  	[tilespmem:s22], [sflag:$0x2] =	stream.indirect.gather [hbm4b:s7+s20], $0x80, s0, s20, $0xb8;
	[tilespmem:$0x1EDC0] =	vst v63  }
0xdb: {  	_ =	swait.ge [sflag:s23], $0x3200  }
0xdc: {  	[sflag:s23] =	ssyncset.done $0x0  }
0xdd: {  	s1 =	sadd.s32 $0x28A0, s30;
	[sflag:s23] =	ssyncadd.s32 $0xFFFFCE00  }
0xde: {  	[spmem:s3] =	stream.indirect.scatter.add.f32 [tilespmem:s21], [sflag:$0x3], $0x80, s1, s20, $0xb8;
	[tilespmem:$0x1EDC0] =	vst v63  }
0xdf: {  	_ =	swait.ge [sflag:s16], $0x3200  }
0xe0: {  	[sflag:s16] =	ssyncset.done $0x0  }
0xe1: {  	s17 =	sadd.s32 $0xD0, s30;
	[sflag:s16] =	ssyncadd.s32 $0xFFFFCE00  }
0xe2: {  	[tilespmem:s21], [sflag:$0x1] =	stream.indirect.gather [hbm4b:s7+s20], $0x80, s17, s20, $0xb8;
	[tilespmem:$0x1EDC0] =	vst v63  }
0xe3: {  	_ =	swait.ge [sflag:s24], $0x3200  }
0xe4: {  	[sflag:s24] =	ssyncset.done $0x0  }
0xe5: {  	s1 =	sadd.s32 $0x2908, s30;
	[sflag:s24] =	ssyncadd.s32 $0xFFFFCE00  }
0xe6: {  	[spmem:s3] =	stream.indirect.scatter.add.f32 [tilespmem:s22], [sflag:$0x3], $0x80, s1, s20, $0xb8;
	[tilespmem:$0x1EDC0] =	vst v63  }
0xe7: {  	_ =	swait.ge [sflag:s16], $0x3200  }
0xe8: {  	[sflag:s16] =	ssyncset.done $0x0  }
0xe9: {  	[sflag:s16] =	ssyncadd.s32 $0xFFFFCE00  }
0xea: {  	[tilespmem:s22], [sflag:$0x2] =	stream.indirect.gather [hbm4b:s7+s20], $0x80, s25, s20, $0xb8;
	[tilespmem:$0x1EDC0] =	vst v63  }
0xeb: {  	_ =	swait.ge [sflag:s23], $0x3200  }
0xec: {  	[sflag:s23] =	ssyncset.done $0x0  }
0xed: {  	[sflag:s23] =	ssyncadd.s32 $0xFFFFCE00  }
0xee: {  	[spmem:s3] =	stream.indirect.scatter.add.f32 [tilespmem:s21], [sflag:$0x3], $0x80, s26, s20, $0xb8;
	[tilespmem:$0x1EDC0] =	vst v63  }
0xef: {  	_ =	swait.ge [sflag:s16], $0x3200  }
0xf0: {  	[sflag:s16] =	ssyncset.done $0x0  }
0xf1: {  	[sflag:s16] =	ssyncadd.s32 $0xFFFFCE00  }
0xf2: {  	_ =	swait.ge [sflag:s24], $0x3200  }
0xf3: {  	[sflag:s24] =	ssyncset.done $0x0  }
0xf4: {  	[sflag:s24] =	ssyncadd.s32 $0xFFFFCE00  }
0xf5: {  	[spmem:s3] =	stream.indirect.scatter.add.f32 [tilespmem:s22], [sflag:$0x3], $0x80, s28, s20, $0xb8;
	[tilespmem:$0x1EDC0] =	vst v63  }
0xf6: {  	_ =	swait.ge [sflag:s16], $0x3200  }
0xf7: {  	[sflag:s16] =	ssyncset.done $0x0  }
0xf8: {  	[sflag:s16] =	ssyncadd.s32 $0xFFFFCE00  }
0xf9: {  	[bflag:$0x0] =	sbarrier.arrive $0xFFFF  }
0xfa: {  	[hbm:s13], [sflag:s18] =	dma.local [spmem:s19], $0x2710  }
0xfb: {  	_ =	swait.ge [sflag:s16], $0x2710  }
0xfc: {  	[sflag:s16] =	ssyncset.done $0x0  }
0xfd: {  	[sflag:s16] =	ssyncadd.s32 $0xFFFFD8F0  }
0xfe: {  	[spmem:s19], [sflag:s18] =	dma.local [hbm:s2], $0x2710  }
0xff: {  	_ =	swait.ge [sflag:s16], $0x2710  }
0x100: {  	[sflag:s16] =	ssyncset.done $0x0  }
0x101: {  	[sflag:s16] =	ssyncadd.s32 $0xFFFFD8F0  }
0x102: {  	s17 =	simm.s32 $0x0;
	[bflag:$0x0] =	sbarrier.arrive $0xFFFF  }
0x103: {  	[tilespmem:s21], [sflag:$0x1] =	stream.indirect.gather [hbm4b:s8+s20], $0x80, s17, s20, $0xb8;
	[tilespmem:$0x1EDC0] =	vst v63  }
0x104: {  	s1 =	simm.s32 $0x68  }
0x105: {  	[tilespmem:s22], [sflag:$0x2] =	stream.indirect.gather [hbm4b:s8+s20], $0x80, s1, s20, $0xb8;
	[tilespmem:$0x1EDC0] =	vst v63  }
0x106: {  	_ =	swait.ge [sflag:s23], $0x3200  }
0x107: {  	[sflag:s23] =	ssyncset.done $0x0  }
0x108: {  	s17 =	simm.s32 $0x28A0;
	[sflag:s23] =	ssyncadd.s32 $0xFFFFCE00  }
0x109: {  	[spmem:s3] =	stream.indirect.scatter.add.f32 [tilespmem:s21], [sflag:$0x3], $0x80, s17, s20, $0xb8;
	[tilespmem:$0x1EDC0] =	vst v63  }
0x10a: {  	_ =	swait.ge [sflag:s16], $0x3200  }
0x10b: {  	[sflag:s16] =	ssyncset.done $0x0  }
0x10c: {  	s1 =	simm.s32 $0xD0;
	[sflag:s16] =	ssyncadd.s32 $0xFFFFCE00  }
0x10d: {  	[tilespmem:s21], [sflag:$0x1] =	stream.indirect.gather [hbm4b:s8+s20], $0x80, s1, s20, $0xb8;
	[tilespmem:$0x1EDC0] =	vst v63  }
0x10e: {  	_ =	swait.ge [sflag:s24], $0x3200  }
0x10f: {  	[sflag:s24] =	ssyncset.done $0x0  }
0x110: {  	s17 =	simm.s32 $0x2908;
	[sflag:s24] =	ssyncadd.s32 $0xFFFFCE00  }
0x111: {  	[spmem:s3] =	stream.indirect.scatter.add.f32 [tilespmem:s22], [sflag:$0x3], $0x80, s17, s20, $0xb8;
	[tilespmem:$0x1EDC0] =	vst v63  }
0x112: {  	_ =	swait.ge [sflag:s16], $0x3200  }
0x113: {  	s31 =	simm.s32 $0x680;
	s30 =	simm.s32 $0xD0;
	[sflag:s16] =	ssyncset.done $0x0  }
.LBB2_8:
0x114: {  	s0 =	sadd.s32 $0x68, s30  }
0x115: {  	[sflag:s16] =	ssyncadd.s32 $0xFFFFCE00;
	s1 =	smov.u32 s31;
	s17 =	sadd.s32 $0x340, s31  }
0x116: {  	[tilespmem:s22], [sflag:$0x2] =	stream.indirect.gather [hbm4b:s8+s20], $0x80, s0, s20, $0xb8;
	[tilespmem:$0x1EDC0] =	vst v63  }
0x117: {  	p0 =	sne.s32 s31, $0x9C00;
	_ =	swait.ge [sflag:s23], $0x3200  }
0x118: {  	[sflag:s23] =	ssyncset.done $0x0  }
0x119: {  	s0 =	sadd.s32 $0x28A0, s30;
	[sflag:s23] =	ssyncadd.s32 $0xFFFFCE00  }
0x11a: {  	[spmem:s3] =	stream.indirect.scatter.add.f32 [tilespmem:s21], [sflag:$0x3], $0x80, s0, s20, $0xb8;
	[tilespmem:$0x1EDC0] =	vst v63  }
0x11b: {  	_ =	swait.ge [sflag:s16], $0x3200  }
0x11c: {  	[sflag:s16] =	ssyncset.done $0x0  }
0x11d: {  	s0 =	sadd.s32 $0xD0, s30;
	[sflag:s16] =	ssyncadd.s32 $0xFFFFCE00  }
0x11e: {  	[tilespmem:s21], [sflag:$0x1] =	stream.indirect.gather [hbm4b:s8+s20], $0x80, s0, s20, $0xb8;
	[tilespmem:$0x1EDC0] =	vst v63  }
0x11f: {  	_ =	swait.ge [sflag:s24], $0x3200  }
.Ltmp3:
0x120: {  	[sflag:s24] =	ssyncset.done $0x0;
	(pc) =	sbr.rel @p0 .LBB2_8-.Ltmp3, $4  }
0x121: {  	s0 =	sadd.s32 $0x2908, s30;
	[sflag:s24] =	ssyncadd.s32 $0xFFFFCE00  }
0x122: {  	[spmem:s3] =	stream.indirect.scatter.add.f32 [tilespmem:s22], [sflag:$0x3], $0x80, s0, s20, $0xb8;
	[tilespmem:$0x1EDC0] =	vst v63  }
0x123: {  	_ =	swait.ge [sflag:s16], $0x3200  }
0x124: {  	s31 =	smov.u32 s17;
	s30 =	sshra.s32 s1, $0x2;
	[sflag:s16] =	ssyncset.done $0x0  }
0x125: {  	s0 =	sadd.s32 $0x68, s30;
	[sflag:s16] =	ssyncadd.s32 $0xFFFFCE00  }
0x126: {  	[tilespmem:s22], [sflag:$0x2] =	stream.indirect.gather [hbm4b:s8+s20], $0x80, s0, s20, $0xb8;
	[tilespmem:$0x1EDC0] =	vst v63  }
0x127: {  	_ =	swait.ge [sflag:s23], $0x3200  }
0x128: {  	[sflag:s23] =	ssyncset.done $0x0  }
0x129: {  	s1 =	sadd.s32 $0x28A0, s30;
	[sflag:s23] =	ssyncadd.s32 $0xFFFFCE00  }
0x12a: {  	[spmem:s3] =	stream.indirect.scatter.add.f32 [tilespmem:s21], [sflag:$0x3], $0x80, s1, s20, $0xb8;
	[tilespmem:$0x1EDC0] =	vst v63  }
0x12b: {  	_ =	swait.ge [sflag:s16], $0x3200  }
0x12c: {  	[sflag:s16] =	ssyncset.done $0x0  }
0x12d: {  	s17 =	sadd.s32 $0xD0, s30;
	[sflag:s16] =	ssyncadd.s32 $0xFFFFCE00  }
0x12e: {  	[tilespmem:s21], [sflag:$0x1] =	stream.indirect.gather [hbm4b:s8+s20], $0x80, s17, s20, $0xb8;
	[tilespmem:$0x1EDC0] =	vst v63  }
0x12f: {  	_ =	swait.ge [sflag:s24], $0x3200  }
0x130: {  	[sflag:s24] =	ssyncset.done $0x0  }
0x131: {  	s31 =	sadd.s32 $0x2908, s30;
	[sflag:s24] =	ssyncadd.s32 $0xFFFFCE00  }
0x132: {  	[spmem:s3] =	stream.indirect.scatter.add.f32 [tilespmem:s22], [sflag:$0x3], $0x80, s31, s20, $0xb8;
	[tilespmem:$0x1EDC0] =	vst v63  }
0x133: {  	_ =	swait.ge [sflag:s16], $0x3200  }
0x134: {  	[sflag:s16] =	ssyncset.done $0x0  }
0x135: {  	[sflag:s16] =	ssyncadd.s32 $0xFFFFCE00  }
0x136: {  	[tilespmem:s22], [sflag:$0x2] =	stream.indirect.gather [hbm4b:s8+s20], $0x80, s25, s20, $0xb8;
	[tilespmem:$0x1EDC0] =	vst v63  }
0x137: {  	_ =	swait.ge [sflag:s23], $0x3200  }
0x138: {  	[sflag:s23] =	ssyncset.done $0x0  }
0x139: {  	[sflag:s23] =	ssyncadd.s32 $0xFFFFCE00  }
0x13a: {  	[spmem:s3] =	stream.indirect.scatter.add.f32 [tilespmem:s21], [sflag:$0x3], $0x80, s26, s20, $0xb8;
	[tilespmem:$0x1EDC0] =	vst v63  }
0x13b: {  	_ =	swait.ge [sflag:s16], $0x3200  }
0x13c: {  	[sflag:s16] =	ssyncset.done $0x0  }
0x13d: {  	[sflag:s16] =	ssyncadd.s32 $0xFFFFCE00  }
0x13e: {  	_ =	swait.ge [sflag:s24], $0x3200  }
0x13f: {  	[sflag:s24] =	ssyncset.done $0x0  }
0x140: {  	[sflag:s24] =	ssyncadd.s32 $0xFFFFCE00  }
0x141: {  	[spmem:s3] =	stream.indirect.scatter.add.f32 [tilespmem:s22], [sflag:$0x3], $0x80, s28, s20, $0xb8;
	[tilespmem:$0x1EDC0] =	vst v63  }
0x142: {  	_ =	swait.ge [sflag:s16], $0x3200  }
0x143: {  	s29 =	sadd.s32 $0x1, s29;
	[sflag:s16] =	ssyncset.done $0x0  }
0x144: {  	p0 =	sne.s32 s29, s15;
	[sflag:s16] =	ssyncadd.s32 $0xFFFFCE00  }
.Ltmp4:
0x145: {  	[bflag:$0x0] =	sbarrier.arrive $0xFFFF;
	(pc) =	sbr.rel @p0 .LBB2_1-.Ltmp4, $4  }
0x146: {  	[hbm:s14], [sflag:s18] =	dma.local [spmem:s19], $0x2710  }
0x147: {  	_ =	swait.ge [sflag:s16], $0x2710  }
0x148: {  	[sflag:s16] =	ssyncset.done $0x0  }
0x149: {  	[sflag:s16] =	ssyncadd.s32 $0xFFFFD8F0  }
0x14a: {  	_ =	sfence.sel $0x180000  }
0x14b: {  	[bflag:$0x0] =	sbarrier.arrive $0xFFFF  }
0x14c: {  	_ =	strace $0x9000004D  }
0x14d: {  	s0 =	stileid.u32;
	[bflag:$0x2] =	sbarrier.arrive $0xFFFF  }
0x14e: {  	p0 =	sne.s32 s0, $0x0;
	s0 =	rddreg [dreg:$0x3]  }
0x14f: {  	s0 =	sadd.s32 @!p0 $0x100000, s0  }
0x150: {  	[sflag:s0] =	ssyncadd.tile.s32 @!p0 $0x1;
	_ =	shalt  }
.Lfunc_end2:
_tile_overlayer_lowered:
.L_overlay_start_2:
0x151: {  	(tag) =	ssettag $0x2  }
0x152: {  	s0 =	rddreg [dreg:$0x0];
	s2 =	stileid.u32  }
0x153: {  	s1 =	rddreg [dreg:$0x1];
	p0 =	sne.s32 s2, $0x0  }
0x154: {  	s3 =	rddreg [dreg:$0x2];
	[bflag:$0x3] =	sbarrier.arrive $0xFFFF;
	s2 =	simm.s32 @!p0 $0x1C03  }
0x155: {  	[timem:s3], [sflag:s2] =	dma.local @!p0 [hbm:s0], s1  }
0x156: {  	s0 =	simm.s32 @!p0 $0x3  }
0x157: {  	_ =	swait.ge @!p0 [sflag:s0], s1  }
0x158: {  	s1 =	ssub.s32 @!p0 $0x0, s1;
	[sflag:s0] =	ssyncset.done @!p0 $0x0  }
0x159: {  	[sflag:s0] =	ssyncadd.s32 @!p0 s1  }
0x15a: {  	[bflag:$0x3] =	sbarrier.arrive $0xFFFF  }
0x15b: {  	_ =	shalt  }

// kernel: kernel.21.cloned.1.call-start
scs
__scs_entry_jumppad:
0x0: {  	(pc) =	sbr.rel $0x88, $3  }
0x1: {  	(tag) =	ssettag $0x0;
	lr =	simm.s32 $0x1  }
0x2: {  	[smem:$0x3F97] =	sst lr;
	_ =	strace $0xD0000000  }
0x3: {  	_ = 	snop  }
0x4: {  	_ = 	snop  }
0x5: {  	_ = 	snop  }
0x6: {  	_ = 	snop  }
0x7: {  	_ = 	snop  }
__scs_overlays_trampoline_lowered:
0x8: {  	[smem:$0x3FA6] =	sst s0  }
0x9: {  	[smem:$0x3FA7] =	sst s1  }
0xa: {  	[smem:$0x3FA8] =	sst s2  }
0xb: {  	[smem:$0x3FA9] =	sst s3  }
0xc: {  	[smem:$0x3FAA] =	sst s4  }
0xd: {  	[smem:$0x3FAB] =	sst s5  }
0xe: {  	[smem:$0x3FAC] =	sst s6  }
0xf: {  	[smem:$0x3FAD] =	sst s7  }
0x10: {  	[smem:$0x3FAE] =	sst s8  }
0x11: {  	[smem:$0x3FAF] =	sst s9;
	s0 =	simm.s32 @!p0 $0x0  }
0x12: {  	s1 =	sld [smem:$0x3F95];
	s0 =	simm.s32 @p0 $0x1  }
0x13: {  	[smem:$0x3FB0] =	sst s0;
	s0 =	simm.s32 @!p1 $0x0  }
0x14: {  	s2 =	sld [smem:$0x3F94];
	s0 =	simm.s32 @p1 $0x1  }
0x15: {  	[smem:$0x3FB1] =	sst s0;
	s0 =	simm.s32 @!p2 $0x0  }
0x16: {  	s3 =	sld [smem:$0x3FDB];
	s0 =	simm.s32 @p2 $0x1  }
0x17: {  	s4 =	simm.s32 $0x1BF5;
	[smem:$0x3FB3] =	sst s0  }
0x18: {  	s0 =	sld [smem:$0x3F96];
	_ =	swait.ge [sflag:s4], $0x0  }
0x19: {  	s7 =	sld [smem:$0x3F97]  }
0x1a: {  	s8 =	sadd.s32 $0xFFFFE003, lr  }
0x1b: {  	s9 =	sadd.s32 $0xFFFFFEF7, lr;
	s5 =	simm.s32 $0xFFFFFFFF;
	p2 =	slt.u32 s8, $0xFFFFF086  }
0x1c: {  	p1 =	slt.u32 s9, $0xF7A;
	s5 =	simm.s32 @!p2 $0x0  }
0x1d: {  	s5 =	simm.s32 @p1 $0x1;
	p0 =	seq.s32 s7, s2  }
0x1e: {  	s7 =	smul.u32 @!p0 $0xF7A, s2;
	p2 =	seq.s32 @!p0 s5, $0x0  }
0x1f: {  	s9 =	smul.u32 $0xF7A, s1;
	s8 =	simm.s32 @!p0 $0x1BF5;
	p2 =	por !p2, p0  }
0x20: {  	[sflag:s8] =	ssyncset.s32 @!p0 $0xFFFFF086;
	s6 =	sadd.s32 @!p0 s3, s7;
	s7 =	simm.s32 @!p0 $0x108  }
0x21: {  	s3 =	sadd.s32 s3, s9;
	s6 =	sadd.s32 @!p0 $0x88, s6;
	s7 =	simm.s32 @p2 $0x1082  }
0x22: {  	[simem:s7], [sflag:s8] =	dma.local @!p0 [hbm:s6], $0xF7A  }
0x23: {  	s9 =	sor.u32 $0xD0000000, s2;
	s6 =	simm.s32 $0x108;
	_ =	swait.ge @!p0 [sflag:s8], $0x0  }
0x24: {  	s3 =	sadd.s32 $0x88, s3;
	s6 =	simm.s32 @!p1 $0x1082;
	[sflag:s4] =	ssyncset.s32 $0xFFFFF086  }
0x25: {  	[simem:s6], [sflag:s4] =	dma.local [hbm:s3], $0xF7A  }
0x26: {  	[smem:$0x3F97] =	sst s1;
	(tag) =	ssettag s2;
	_ =	strace s9  }
0x27: {  	s1 =	sld [smem:$0x3FA7]  }
0x28: {  	s2 =	sld [smem:$0x3FA8]  }
0x29: {  	s4 =	sld [smem:$0x3FAA]  }
0x2a: {  	p0 =	seq.s32 s5, $0x0;
	s5 =	sld [smem:$0x3FAB]  }
0x2b: {  	s6 =	sld [smem:$0x3FAC]  }
0x2c: {  	s7 =	sld [smem:$0x3FAD]  }
0x2d: {  	s3 =	simm.s32 $0x108;
	s8 =	sld [smem:$0x3FAE]  }
0x2e: {  	s3 =	simm.s32 @!p0 $0x1082;
	s9 =	sld [smem:$0x3FAF]  }
0x2f: {  	lr =	sadd.s32 s0, s3;
	s0 =	sld [smem:$0x3FA6]  }
0x30: {  	s3 =	sld [smem:$0x3FA9]  }
0x31: {  	[smem:$0x3FB2] =	sst s10  }
0x32: {  	s10 =	sld [smem:$0x3FB0];
	_ =	sdelay $0x3  }
0x33: {  	p0 =	seq.s32 s10, $0x1;
	s10 =	sld [smem:$0x3FB2];
	_ =	sdelay $0x3  }
0x34: {  	[smem:$0x3FB2] =	sst s10  }
0x35: {  	s10 =	sld [smem:$0x3FB1];
	_ =	sdelay $0x3  }
0x36: {  	p1 =	seq.s32 s10, $0x1;
	s10 =	sld [smem:$0x3FB2];
	_ =	sdelay $0x3  }
0x37: {  	[smem:$0x3FB2] =	sst s10  }
0x38: {  	s10 =	sld [smem:$0x3FB3]  }
0x39: {  	_ = 	snop;
	(pc) =	sbr.ind lr, $3  }
0x3a: {  	_ = 	snop  }
0x3b: {  	_ = 	snop  }
0x3c: {  	p2 =	seq.s32 s10, $0x1;
	s10 =	sld [smem:$0x3FB2]  }
0x3d: {  	_ =	shalt  }
0x3e: {  	_ =	shalt  }
0x3f: {  	_ =	shalt  }
0x40: {  	_ =	shalt  }
0x41: {  	_ =	shalt  }
0x42: {  	_ =	shalt  }
0x43: {  	_ =	shalt  }
0x44: {  	_ =	shalt  }
0x45: {  	_ =	shalt  }
0x46: {  	_ =	shalt  }
0x47: {  	_ =	shalt  }
0x48: {  	_ =	shalt  }
0x49: {  	_ =	shalt  }
0x4a: {  	_ =	shalt  }
0x4b: {  	_ =	shalt  }
0x4c: {  	_ =	shalt  }
0x4d: {  	_ =	shalt  }
0x4e: {  	_ =	shalt  }
0x4f: {  	_ =	shalt  }
0x50: {  	_ =	shalt  }
0x51: {  	_ =	shalt  }
0x52: {  	_ =	shalt  }
0x53: {  	_ =	shalt  }
0x54: {  	_ =	shalt  }
0x55: {  	_ =	shalt  }
0x56: {  	_ =	shalt  }
0x57: {  	_ =	shalt  }
0x58: {  	_ =	shalt  }
0x59: {  	_ =	shalt  }
0x5a: {  	_ =	shalt  }
0x5b: {  	_ =	shalt  }
0x5c: {  	_ =	shalt  }
0x5d: {  	_ =	shalt  }
0x5e: {  	_ =	shalt  }
0x5f: {  	_ =	shalt  }
0x60: {  	_ =	shalt  }
0x61: {  	_ =	shalt  }
0x62: {  	_ =	shalt  }
0x63: {  	_ =	shalt  }
0x64: {  	_ =	shalt  }
0x65: {  	_ =	shalt  }
0x66: {  	_ =	shalt  }
0x67: {  	_ =	shalt  }
0x68: {  	_ =	shalt  }
0x69: {  	_ =	shalt  }
0x6a: {  	_ =	shalt  }
0x6b: {  	_ =	shalt  }
0x6c: {  	_ =	shalt  }
0x6d: {  	_ =	shalt  }
0x6e: {  	_ =	shalt  }
0x6f: {  	_ =	shalt  }
0x70: {  	_ =	shalt  }
0x71: {  	_ =	shalt  }
0x72: {  	_ =	shalt  }
0x73: {  	_ =	shalt  }
0x74: {  	_ =	shalt  }
0x75: {  	_ =	shalt  }
0x76: {  	_ =	shalt  }
0x77: {  	_ =	shalt  }
0x78: {  	_ =	shalt  }
0x79: {  	_ =	shalt  }
0x7a: {  	_ =	shalt  }
0x7b: {  	_ =	shalt  }
0x7c: {  	_ =	shalt  }
0x7d: {  	_ =	shalt  }
0x7e: {  	_ =	shalt  }
0x7f: {  	_ =	shalt  }
0x80: {  	_ =	shalt  }
0x81: {  	_ =	shalt  }
0x82: {  	_ =	shalt  }
0x83: {  	_ =	shalt  }
0x84: {  	_ =	shalt  }
0x85: {  	_ =	shalt  }
0x86: {  	_ =	shalt  }
0x87: {  	_ =	shalt  }
.Lfunc_end0:
.L_simem_size_0:
called_computation.3_lowered:
.L_overlay_start_0:
0x88: {  	s2 =	sld [smem:$0x3FD9]  }
0x89: {  	s3 =	sld [smem:$0x3FFE];
	_ =	sdelay $0x1  }
0x8a: {  	s1 =	srdreg.scid  }
0x8b: {  	s0 =	sand.u32 $0x1, s1  }
0x8c: {  	s17 =	sshll.u32 s0, $0xA;
	s2 =	sadd.s32 s3, s2  }
0x8d: {  	s2 =	sadd.s32 s2, s17  }
0x8e: {  	[smem:$0x3FBE] =	sst s2  }
0x8f: {  	_ = 	snop  }
0x90: {  	s2 =	sld [smem:$0x3FD0];
	(tm) =	ssettm $0x1  }
0x91: {  	s18 =	sld [smem:$0x3FFB];
	_ =	sdelay $0x3  }
0x92: {  	_ =	strace s18  }
0x93: {  	s3 =	sld [smem:$0x3FFC];
	_ =	sdelay $0x3  }
0x94: {  	_ =	strace s3  }
0x95: {  	s3 =	sld [smem:$0x3FFD];
	_ =	sdelay $0x3  }
0x96: {  	_ =	strace s3  }
0x97: {  	_ =	strace $0x8FFFFFFF  }
0x98: {  	s19 =	sld [smem:$0x3FDB];
	_ =	sdelay $0x1  }
0x99: {  	s4 =	simm.s32 $_scs_section_size  }
0x9a: {  	s5 =	simm.s32 $_size__tile_overlayer_lowered;
	s6 =	simm.s32 $_tile_overlayer_lowered  }
0x9b: {  	s22 =	simm.s32 $0x1BFF;
	s21 =	sshll.u32 s6, $0x1;
	s3 =	sadd.s32 s4, s19  }
0x9c: {  	s7 =	simm.s32 $0x0;
	s20 =	sshll.u32 s5, $0x1;
	s5 =	sadd.s32 s21, s3  }
0x9d: {  	[timem:s7], [sflag:s22] =	dma.local [hbm:s5], s20  }
0x9e: {  	_ =	swait.ge [sflag:s22], s20  }
0x9f: {  	s4 =	ssub.s32 $0x0, s20;
	[sflag:s22] =	ssyncset.done $0x0  }
0xa0: {  	[sflag:s22] =	ssyncadd.s32 s4;
	_ =	sdelay $0x1  }
0xa1: {  	s23 =	simm.s32 $0x1B8B  }
0xa2: {  	_ =	swait.ge [sflag:s23], $0x1  }
0xa3: {  	[sflag:s23] =	ssyncset.done $0x0  }
0xa4: {  	s25 =	simm.s32 $0x1B8E;
	s24 =	sld [smem:$0x3FFE];
	[sflag:s23] =	ssyncadd.s32 $0xFFFFFFFF  }
0xa5: {  	s26 =	simm.s32 $execute0_lowered;
	[smem:$0x3FD2] =	sst s25  }
0xa6: {  	s5 =	sshll.u32 s26, $0x1;
	_ =	strace $0x8000004F;
	[dreg:$0x1] =	wrdreg $0xFFFFFFFF  }
0xa7: {  	s28 =	simm.s32 $_size_execute0_lowered;
	s3 =	sadd.s32 s3, s5;
	[dreg:$0x0] =	wrdreg $0x0  }
0xa8: {  	s5 =	sshll.u32 s28, $0x1;
	[dreg:$0x2] =	wrdreg s3  }
0xa9: {  	[dreg:$0x3] =	wrdreg s5  }
0xaa: {  	[dreg:$0x4] =	wrdreg $0xC0  }
0xab: {  	_ =	task [dreg:s7], $0x5FFFF  }
0xac: {  	[dreg:$0x1] =	wrdreg $0xFFFFFFFF  }
0xad: {  	[dreg:$0x0] =	wrdreg $0x60  }
0xae: {  	[dreg:$0x2] =	wrdreg s24  }
0xaf: {  	[dreg:$0x3] =	wrdreg s2  }
0xb0: {  	[dreg:$0x4] =	wrdreg $0xB5400  }
0xb1: {  	[dreg:$0x5] =	wrdreg $0x9  }
0xb2: {  	_ =	task.clear_ibuf [dreg:s7], $0x6FFFF;
	_ =	strace $0x9000004F  }
0xb3: {  	s29 =	simm.s32 $0x9;
	_ =	strace $0x80000051  }
0xb4: {  	_ =	swait.ge [sflag:s29], $0x1  }
0xb5: {  	[sflag:s29] =	ssyncadd.s32 $0xFFFFFFFF  }
0xb6: {  	_ =	strace $0x90000051  }
0xb7: {  	_ =	sfence  }
0xb8: {  	s30 =	sld [smem:$0x0];
	_ =	sdelay $0x2  }
0xb9: {  	s31 =	sshll.u32 s1, $0xD;
	s1 =	sshrl.u32 s1, $0x2  }
0xba: {  	s3 =	sand.u32 $0x4000, s31;
	s1 =	sadd.s32 s1, s30  }
0xbb: {  	s0 =	sor.u32 s3, s0;
	s1 =	sshll.u32 s1, $0x11  }
0xbc: {  	s0 =	sor.u32 s1, s0  }
0xbd: {  	s0 =	sadd.s32 $0x8F2B, s0  }
0xbe: {  	[sflag:s0] =	ssyncadd.remote.s32 $0x1  }
0xbf: {  	_ =	sfence.sel $0xFFFF  }
0xc0: {  	[dreg:$0x0] =	wrdreg $0xFFFFFFFF;
	(pc) =	sbr.abs _section_cstart, $3  }
0xc1: {  	[dreg:$0x1] =	wrdreg $0xFFFFFFFF  }
0xc2: {  	_ =	task.clear_ibuf [dreg:s7], $0x2FFFF;
	_ =	strace $0x9FFFFFFF  }
0xc3: {  	(tm) =	ssettm $0x7FFFFFFF  }
tec
execute0_lowered:
.L_overlay_start_1:
0x0: {  	(tag) =	ssettag $0x1  }
0x1: {  	s7 =	rddreg [dreg:$0x0]  }
0x2: {  	s2 =	rddreg [dreg:$0x1]  }
0x3: {  	s3 =	rddreg [dreg:$0x2]  }
0x4: {  	s0 =	rddreg [dreg:$0x3];
	s5 =	srdreg.scid  }
0x5: {  	s1 =	stileid.u32;
	s4 =	simm.s32 $0x0;
	s13 =	simm.s32 $0x28A0  }
0x6: {  	s16 =	simm.s32 $0x64;
	s17 =	simm.s32 $0x5140;
	s18 =	simm.s32 $0x8340  }
0x7: {  	s19 =	simm.s32 $0x1;
	s20 =	simm.s32 $0x2;
	s21 =	simm.s32 $0x2838  }
0x8: {  	s22 =	simm.s32 $0x5070;
	s23 =	simm.s32 $0x50D8;
	s24 =	simm.s32 $0x0  }
0x9: {  	s8 =	sand.u32 $0x1, s5;
	s9 =	smul.u32 $0x13880, s1;
	[smem:$0x7FF] =	sst s4  }
0xa: {  	s30 =	sshll.u32 s1, $0x1;
	s5 =	sadd.s32 $0x70400, s7;
	s14 =	sshll.u32 s1, $0x6  }
0xb: {  	s6 =	smul.u32 $0x271000, s8;
	_ =	strace $0x80000050;
	s10 =	sor.u32 s8, s30  }
0xc: {  	s8 =	ssub.s32 $0x2, s8;
	s14 =	sor.u32 $0x1C03, s14;
	s10 =	smul.u32 $0x514, s10  }
0xd: {  	s31 =	sshrl.u32 s8, $0x1;
	s15 =	sadd.s32 s9, s3;
	s11 =	sadd.s32 s9, s6  }
0xe: {  	s6 =	sadd.s32 $0x22000, s7;
	s12 =	ssub.s32 s8, s31;
	s11 =	sshrl.u32 s11, $0x3  }
0xf: {  	s15 =	sshrl.u32 s15, $0x3;
	s10 =	sadd.s32 s10, s7;
	s11 =	sadd.s32 s11, s7  }
0x10: {  	s7 =	sadd.s32 $0x17C00, s10;
	s8 =	sadd.s32 $0xD800, s10;
	s9 =	sadd.s32 $0x97600, s11  }
0x11: {  	s10 =	sadd.s32 $0xBE700, s11;
	s11 =	smax.u32 s12, $0x1;
	s12 =	simm.s32 $0x3  }
.LBB2_1:
0x12: {  	[tilespmem:s4], [sflag:$0x3] =	stream.linear.gather [hbm4b:s7+s4], $0x28A0, $0x38;
	[tilespmem:$0x1EDC0] =	vst v63  }
0x13: {  	_ =	swait.ge [sflag:s12], $0x28A0  }
0x14: {  	[sflag:s12] =	ssyncset.done $0x0  }
0x15: {  	[sflag:s12] =	ssyncadd.s32 $0xFFFFD760  }
0x16: {  	[tilespmem:s13], [sflag:$0x3] =	stream.linear.gather [hbm4b:s8+s4], $0x28A0, $0x38;
	[tilespmem:$0x1EDC0] =	vst v63  }
0x17: {  	_ =	swait.ge [sflag:s12], $0x28A0  }
0x18: {  	[sflag:s12] =	ssyncset.done $0x0  }
0x19: {  	[sflag:s12] =	ssyncadd.s32 $0xFFFFD760  }
0x1a: {  	[spmem:s15], [sflag:s14] =	dma.local [hbm:s2], $0x2710  }
0x1b: {  	_ =	swait.ge [sflag:s12], $0x2710  }
0x1c: {  	[sflag:s12] =	ssyncset.done $0x0  }
0x1d: {  	[sflag:s12] =	ssyncadd.s32 $0xFFFFD8F0  }
0x1e: {  	[bflag:$0x0] =	sbarrier.arrive $0xFFFF  }
0x1f: {  	[tilespmem:s17], [sflag:$0x1] =	stream.indirect.gather [hbm4b:s5+s16], $0x80, s4, s16, $0xb8;
	[tilespmem:$0x1EDC0] =	vst v63  }
0x20: {  	s25 =	simm.s32 $0x68  }
0x21: {  	[tilespmem:s18], [sflag:$0x2] =	stream.indirect.gather [hbm4b:s5+s16], $0x80, s25, s16, $0xb8;
	[tilespmem:$0x1EDC0] =	vst v63  }
0x22: {  	_ =	swait.ge [sflag:s19], $0x3200  }
0x23: {  	[sflag:s19] =	ssyncset.done $0x0  }
0x24: {  	s29 =	simm.s32 $0x28A0;
	[sflag:s19] =	ssyncadd.s32 $0xFFFFCE00  }
0x25: {  	[spmem:s3] =	stream.indirect.scatter.add.f32 [tilespmem:s17], [sflag:$0x3], $0x80, s29, s16, $0xb8;
	[tilespmem:$0x1EDC0] =	vst v63  }
0x26: {  	_ =	swait.ge [sflag:s12], $0x3200  }
0x27: {  	[sflag:s12] =	ssyncset.done $0x0  }
0x28: {  	s30 =	simm.s32 $0xD0;
	[sflag:s12] =	ssyncadd.s32 $0xFFFFCE00  }
0x29: {  	[tilespmem:s17], [sflag:$0x1] =	stream.indirect.gather [hbm4b:s5+s16], $0x80, s30, s16, $0xb8;
	[tilespmem:$0x1EDC0] =	vst v63  }
0x2a: {  	_ =	swait.ge [sflag:s20], $0x3200  }
0x2b: {  	[sflag:s20] =	ssyncset.done $0x0  }
0x2c: {  	s31 =	simm.s32 $0x2908;
	[sflag:s20] =	ssyncadd.s32 $0xFFFFCE00  }
0x2d: {  	[spmem:s3] =	stream.indirect.scatter.add.f32 [tilespmem:s18], [sflag:$0x3], $0x80, s31, s16, $0xb8;
	[tilespmem:$0x1EDC0] =	vst v63  }
0x2e: {  	_ =	swait.ge [sflag:s12], $0x3200  }
0x2f: {  	s26 =	simm.s32 $0x680;
	s25 =	simm.s32 $0xD0;
	[sflag:s12] =	ssyncset.done $0x0  }
.LBB2_2:
0x30: {  	s28 =	sadd.s32 $0x68, s25  }
0x31: {  	[sflag:s12] =	ssyncadd.s32 $0xFFFFCE00;
	s29 =	smov.u32 s26;
	s30 =	sadd.s32 $0x340, s26  }
0x32: {  	[tilespmem:s18], [sflag:$0x2] =	stream.indirect.gather [hbm4b:s5+s16], $0x80, s28, s16, $0xb8;
	[tilespmem:$0x1EDC0] =	vst v63  }
0x33: {  	p0 =	sne.s32 s26, $0x9C00;
	_ =	swait.ge [sflag:s19], $0x3200  }
0x34: {  	[sflag:s19] =	ssyncset.done $0x0  }
0x35: {  	s26 =	sadd.s32 $0x28A0, s25;
	[sflag:s19] =	ssyncadd.s32 $0xFFFFCE00  }
0x36: {  	[spmem:s3] =	stream.indirect.scatter.add.f32 [tilespmem:s17], [sflag:$0x3], $0x80, s26, s16, $0xb8;
	[tilespmem:$0x1EDC0] =	vst v63  }
0x37: {  	_ =	swait.ge [sflag:s12], $0x3200  }
0x38: {  	[sflag:s12] =	ssyncset.done $0x0  }
0x39: {  	s26 =	sadd.s32 $0xD0, s25;
	[sflag:s12] =	ssyncadd.s32 $0xFFFFCE00  }
0x3a: {  	[tilespmem:s17], [sflag:$0x1] =	stream.indirect.gather [hbm4b:s5+s16], $0x80, s26, s16, $0xb8;
	[tilespmem:$0x1EDC0] =	vst v63  }
0x3b: {  	_ =	swait.ge [sflag:s20], $0x3200  }
.Ltmp0:
0x3c: {  	[sflag:s20] =	ssyncset.done $0x0;
	(pc) =	sbr.rel @p0 .LBB2_2-.Ltmp0, $4  }
0x3d: {  	s25 =	sadd.s32 $0x2908, s25;
	[sflag:s20] =	ssyncadd.s32 $0xFFFFCE00  }
0x3e: {  	[spmem:s3] =	stream.indirect.scatter.add.f32 [tilespmem:s18], [sflag:$0x3], $0x80, s25, s16, $0xb8;
	[tilespmem:$0x1EDC0] =	vst v63  }
0x3f: {  	_ =	swait.ge [sflag:s12], $0x3200  }
0x40: {  	s26 =	smov.u32 s30;
	s25 =	sshra.s32 s29, $0x2;
	[sflag:s12] =	ssyncset.done $0x0  }
0x41: {  	s26 =	sadd.s32 $0x68, s25;
	[sflag:s12] =	ssyncadd.s32 $0xFFFFCE00  }
0x42: {  	[tilespmem:s18], [sflag:$0x2] =	stream.indirect.gather [hbm4b:s5+s16], $0x80, s26, s16, $0xb8;
	[tilespmem:$0x1EDC0] =	vst v63  }
0x43: {  	_ =	swait.ge [sflag:s19], $0x3200  }
0x44: {  	[sflag:s19] =	ssyncset.done $0x0  }
0x45: {  	s29 =	sadd.s32 $0x28A0, s25;
	[sflag:s19] =	ssyncadd.s32 $0xFFFFCE00  }
0x46: {  	[spmem:s3] =	stream.indirect.scatter.add.f32 [tilespmem:s17], [sflag:$0x3], $0x80, s29, s16, $0xb8;
	[tilespmem:$0x1EDC0] =	vst v63  }
0x47: {  	_ =	swait.ge [sflag:s12], $0x3200  }
0x48: {  	[sflag:s12] =	ssyncset.done $0x0  }
0x49: {  	s30 =	sadd.s32 $0xD0, s25;
	[sflag:s12] =	ssyncadd.s32 $0xFFFFCE00  }
0x4a: {  	[tilespmem:s17], [sflag:$0x1] =	stream.indirect.gather [hbm4b:s5+s16], $0x80, s30, s16, $0xb8;
	[tilespmem:$0x1EDC0] =	vst v63  }
0x4b: {  	_ =	swait.ge [sflag:s20], $0x3200  }
0x4c: {  	[sflag:s20] =	ssyncset.done $0x0  }
0x4d: {  	s31 =	sadd.s32 $0x2908, s25;
	[sflag:s20] =	ssyncadd.s32 $0xFFFFCE00  }
0x4e: {  	[spmem:s3] =	stream.indirect.scatter.add.f32 [tilespmem:s18], [sflag:$0x3], $0x80, s31, s16, $0xb8;
	[tilespmem:$0x1EDC0] =	vst v63  }
0x4f: {  	_ =	swait.ge [sflag:s12], $0x3200  }
0x50: {  	[sflag:s12] =	ssyncset.done $0x0  }
0x51: {  	[sflag:s12] =	ssyncadd.s32 $0xFFFFCE00  }
0x52: {  	[tilespmem:s18], [sflag:$0x2] =	stream.indirect.gather [hbm4b:s5+s16], $0x80, s21, s16, $0xb8;
	[tilespmem:$0x1EDC0] =	vst v63  }
0x53: {  	_ =	swait.ge [sflag:s19], $0x3200  }
0x54: {  	[sflag:s19] =	ssyncset.done $0x0  }
0x55: {  	[sflag:s19] =	ssyncadd.s32 $0xFFFFCE00  }
0x56: {  	[spmem:s3] =	stream.indirect.scatter.add.f32 [tilespmem:s17], [sflag:$0x3], $0x80, s22, s16, $0xb8;
	[tilespmem:$0x1EDC0] =	vst v63  }
0x57: {  	_ =	swait.ge [sflag:s12], $0x3200  }
0x58: {  	[sflag:s12] =	ssyncset.done $0x0  }
0x59: {  	[sflag:s12] =	ssyncadd.s32 $0xFFFFCE00  }
0x5a: {  	_ =	swait.ge [sflag:s20], $0x3200  }
0x5b: {  	[sflag:s20] =	ssyncset.done $0x0  }
0x5c: {  	[sflag:s20] =	ssyncadd.s32 $0xFFFFCE00  }
0x5d: {  	[spmem:s3] =	stream.indirect.scatter.add.f32 [tilespmem:s18], [sflag:$0x3], $0x80, s23, s16, $0xb8;
	[tilespmem:$0x1EDC0] =	vst v63  }
0x5e: {  	_ =	swait.ge [sflag:s12], $0x3200  }
0x5f: {  	[sflag:s12] =	ssyncset.done $0x0  }
0x60: {  	[sflag:s12] =	ssyncadd.s32 $0xFFFFCE00  }
0x61: {  	[bflag:$0x0] =	sbarrier.arrive $0xFFFF  }
0x62: {  	[hbm:s9], [sflag:s14] =	dma.local [spmem:s15], $0x2710  }
0x63: {  	_ =	swait.ge [sflag:s12], $0x2710  }
0x64: {  	[sflag:s12] =	ssyncset.done $0x0  }
0x65: {  	[sflag:s12] =	ssyncadd.s32 $0xFFFFD8F0  }
0x66: {  	[spmem:s15], [sflag:s14] =	dma.local [hbm:s2], $0x2710  }
0x67: {  	_ =	swait.ge [sflag:s12], $0x2710  }
0x68: {  	[sflag:s12] =	ssyncset.done $0x0  }
0x69: {  	[sflag:s12] =	ssyncadd.s32 $0xFFFFD8F0  }
0x6a: {  	s26 =	simm.s32 $0x0;
	[bflag:$0x0] =	sbarrier.arrive $0xFFFF  }
0x6b: {  	[tilespmem:s17], [sflag:$0x1] =	stream.indirect.gather [hbm4b:s6+s16], $0x80, s26, s16, $0xb8;
	[tilespmem:$0x1EDC0] =	vst v63  }
0x6c: {  	s28 =	simm.s32 $0x68  }
0x6d: {  	[tilespmem:s18], [sflag:$0x2] =	stream.indirect.gather [hbm4b:s6+s16], $0x80, s28, s16, $0xb8;
	[tilespmem:$0x1EDC0] =	vst v63  }
0x6e: {  	_ =	swait.ge [sflag:s19], $0x3200  }
0x6f: {  	[sflag:s19] =	ssyncset.done $0x0  }
0x70: {  	s29 =	simm.s32 $0x28A0;
	[sflag:s19] =	ssyncadd.s32 $0xFFFFCE00  }
0x71: {  	[spmem:s3] =	stream.indirect.scatter.add.f32 [tilespmem:s17], [sflag:$0x3], $0x80, s29, s16, $0xb8;
	[tilespmem:$0x1EDC0] =	vst v63  }
0x72: {  	_ =	swait.ge [sflag:s12], $0x3200  }
0x73: {  	[sflag:s12] =	ssyncset.done $0x0  }
0x74: {  	s30 =	simm.s32 $0xD0;
	[sflag:s12] =	ssyncadd.s32 $0xFFFFCE00  }
0x75: {  	[tilespmem:s17], [sflag:$0x1] =	stream.indirect.gather [hbm4b:s6+s16], $0x80, s30, s16, $0xb8;
	[tilespmem:$0x1EDC0] =	vst v63  }
0x76: {  	_ =	swait.ge [sflag:s20], $0x3200  }
0x77: {  	[sflag:s20] =	ssyncset.done $0x0  }
0x78: {  	s31 =	simm.s32 $0x2908;
	[sflag:s20] =	ssyncadd.s32 $0xFFFFCE00  }
0x79: {  	[spmem:s3] =	stream.indirect.scatter.add.f32 [tilespmem:s18], [sflag:$0x3], $0x80, s31, s16, $0xb8;
	[tilespmem:$0x1EDC0] =	vst v63  }
0x7a: {  	_ =	swait.ge [sflag:s12], $0x3200  }
0x7b: {  	s25 =	simm.s32 $0xD0;
	s26 =	simm.s32 $0x680;
	[sflag:s12] =	ssyncset.done $0x0  }
.LBB2_4:
0x7c: {  	s28 =	sadd.s32 $0x68, s25  }
0x7d: {  	[sflag:s12] =	ssyncadd.s32 $0xFFFFCE00;
	s29 =	smov.u32 s26;
	s30 =	sadd.s32 $0x340, s26  }
0x7e: {  	[tilespmem:s18], [sflag:$0x2] =	stream.indirect.gather [hbm4b:s6+s16], $0x80, s28, s16, $0xb8;
	[tilespmem:$0x1EDC0] =	vst v63  }
0x7f: {  	p0 =	sne.s32 s26, $0x9C00;
	_ =	swait.ge [sflag:s19], $0x3200  }
0x80: {  	[sflag:s19] =	ssyncset.done $0x0  }
0x81: {  	s26 =	sadd.s32 $0x28A0, s25;
	[sflag:s19] =	ssyncadd.s32 $0xFFFFCE00  }
0x82: {  	[spmem:s3] =	stream.indirect.scatter.add.f32 [tilespmem:s17], [sflag:$0x3], $0x80, s26, s16, $0xb8;
	[tilespmem:$0x1EDC0] =	vst v63  }
0x83: {  	_ =	swait.ge [sflag:s12], $0x3200  }
0x84: {  	[sflag:s12] =	ssyncset.done $0x0  }
0x85: {  	s26 =	sadd.s32 $0xD0, s25;
	[sflag:s12] =	ssyncadd.s32 $0xFFFFCE00  }
0x86: {  	[tilespmem:s17], [sflag:$0x1] =	stream.indirect.gather [hbm4b:s6+s16], $0x80, s26, s16, $0xb8;
	[tilespmem:$0x1EDC0] =	vst v63  }
0x87: {  	_ =	swait.ge [sflag:s20], $0x3200  }
.Ltmp1:
0x88: {  	[sflag:s20] =	ssyncset.done $0x0;
	(pc) =	sbr.rel @p0 .LBB2_4-.Ltmp1, $4  }
0x89: {  	s25 =	sadd.s32 $0x2908, s25;
	[sflag:s20] =	ssyncadd.s32 $0xFFFFCE00  }
0x8a: {  	[spmem:s3] =	stream.indirect.scatter.add.f32 [tilespmem:s18], [sflag:$0x3], $0x80, s25, s16, $0xb8;
	[tilespmem:$0x1EDC0] =	vst v63  }
0x8b: {  	_ =	swait.ge [sflag:s12], $0x3200  }
0x8c: {  	s26 =	smov.u32 s30;
	s25 =	sshra.s32 s29, $0x2;
	[sflag:s12] =	ssyncset.done $0x0  }
0x8d: {  	s26 =	sadd.s32 $0x68, s25;
	[sflag:s12] =	ssyncadd.s32 $0xFFFFCE00  }
0x8e: {  	[tilespmem:s18], [sflag:$0x2] =	stream.indirect.gather [hbm4b:s6+s16], $0x80, s26, s16, $0xb8;
	[tilespmem:$0x1EDC0] =	vst v63  }
0x8f: {  	_ =	swait.ge [sflag:s19], $0x3200  }
0x90: {  	[sflag:s19] =	ssyncset.done $0x0  }
0x91: {  	s29 =	sadd.s32 $0x28A0, s25;
	[sflag:s19] =	ssyncadd.s32 $0xFFFFCE00  }
0x92: {  	[spmem:s3] =	stream.indirect.scatter.add.f32 [tilespmem:s17], [sflag:$0x3], $0x80, s29, s16, $0xb8;
	[tilespmem:$0x1EDC0] =	vst v63  }
0x93: {  	_ =	swait.ge [sflag:s12], $0x3200  }
0x94: {  	[sflag:s12] =	ssyncset.done $0x0  }
0x95: {  	s30 =	sadd.s32 $0xD0, s25;
	[sflag:s12] =	ssyncadd.s32 $0xFFFFCE00  }
0x96: {  	[tilespmem:s17], [sflag:$0x1] =	stream.indirect.gather [hbm4b:s6+s16], $0x80, s30, s16, $0xb8;
	[tilespmem:$0x1EDC0] =	vst v63  }
0x97: {  	_ =	swait.ge [sflag:s20], $0x3200  }
0x98: {  	[sflag:s20] =	ssyncset.done $0x0  }
0x99: {  	s31 =	sadd.s32 $0x2908, s25;
	[sflag:s20] =	ssyncadd.s32 $0xFFFFCE00  }
0x9a: {  	[spmem:s3] =	stream.indirect.scatter.add.f32 [tilespmem:s18], [sflag:$0x3], $0x80, s31, s16, $0xb8;
	[tilespmem:$0x1EDC0] =	vst v63  }
0x9b: {  	_ =	swait.ge [sflag:s12], $0x3200  }
0x9c: {  	[sflag:s12] =	ssyncset.done $0x0  }
0x9d: {  	[sflag:s12] =	ssyncadd.s32 $0xFFFFCE00  }
0x9e: {  	[tilespmem:s18], [sflag:$0x2] =	stream.indirect.gather [hbm4b:s6+s16], $0x80, s21, s16, $0xb8;
	[tilespmem:$0x1EDC0] =	vst v63  }
0x9f: {  	_ =	swait.ge [sflag:s19], $0x3200  }
0xa0: {  	[sflag:s19] =	ssyncset.done $0x0  }
0xa1: {  	[sflag:s19] =	ssyncadd.s32 $0xFFFFCE00  }
0xa2: {  	[spmem:s3] =	stream.indirect.scatter.add.f32 [tilespmem:s17], [sflag:$0x3], $0x80, s22, s16, $0xb8;
	[tilespmem:$0x1EDC0] =	vst v63  }
0xa3: {  	_ =	swait.ge [sflag:s12], $0x3200  }
0xa4: {  	[sflag:s12] =	ssyncset.done $0x0  }
0xa5: {  	[sflag:s12] =	ssyncadd.s32 $0xFFFFCE00  }
0xa6: {  	_ =	swait.ge [sflag:s20], $0x3200  }
0xa7: {  	[sflag:s20] =	ssyncset.done $0x0  }
0xa8: {  	[sflag:s20] =	ssyncadd.s32 $0xFFFFCE00  }
0xa9: {  	[spmem:s3] =	stream.indirect.scatter.add.f32 [tilespmem:s18], [sflag:$0x3], $0x80, s23, s16, $0xb8;
	[tilespmem:$0x1EDC0] =	vst v63  }
0xaa: {  	_ =	swait.ge [sflag:s12], $0x3200  }
0xab: {  	s24 =	sadd.s32 $0x1, s24;
	[sflag:s12] =	ssyncset.done $0x0  }
0xac: {  	p0 =	sne.s32 s24, s11;
	[sflag:s12] =	ssyncadd.s32 $0xFFFFCE00  }
.Ltmp2:
0xad: {  	[bflag:$0x0] =	sbarrier.arrive $0xFFFF;
	(pc) =	sbr.rel @p0 .LBB2_1-.Ltmp2, $4  }
0xae: {  	[hbm:s10], [sflag:s14] =	dma.local [spmem:s15], $0x2710  }
0xaf: {  	_ =	swait.ge [sflag:s12], $0x2710  }
0xb0: {  	[sflag:s12] =	ssyncset.done $0x0  }
0xb1: {  	[sflag:s12] =	ssyncadd.s32 $0xFFFFD8F0  }
0xb2: {  	_ =	sfence.sel $0x180000  }
0xb3: {  	[bflag:$0x0] =	sbarrier.arrive $0xFFFF  }
0xb4: {  	p0 =	sne.s32 s1, $0x0;
	_ =	strace $0x90000050  }
0xb5: {  	s0 =	sadd.s32 @!p0 $0x100000, s0;
	[bflag:$0x2] =	sbarrier.arrive $0xFFFF  }
0xb6: {  	[sflag:s0] =	ssyncadd.tile.s32 @!p0 $0x1;
	_ =	shalt  }
.Lfunc_end2:
_tile_overlayer_lowered:
.L_overlay_start_2:
0xb7: {  	(tag) =	ssettag $0x2  }
0xb8: {  	s0 =	rddreg [dreg:$0x0];
	s2 =	stileid.u32  }
0xb9: {  	s1 =	rddreg [dreg:$0x1];
	p0 =	sne.s32 s2, $0x0  }
0xba: {  	s3 =	rddreg [dreg:$0x2];
	[bflag:$0x3] =	sbarrier.arrive $0xFFFF;
	s2 =	simm.s32 @!p0 $0x1C03  }
0xbb: {  	[timem:s3], [sflag:s2] =	dma.local @!p0 [hbm:s0], s1  }
0xbc: {  	s0 =	simm.s32 @!p0 $0x3  }
0xbd: {  	_ =	swait.ge @!p0 [sflag:s0], s1  }
0xbe: {  	s1 =	ssub.s32 @!p0 $0x0, s1;
	[sflag:s0] =	ssyncset.done @!p0 $0x0  }
0xbf: {  	[sflag:s0] =	ssyncadd.s32 @!p0 s1  }
0xc0: {  	[bflag:$0x3] =	sbarrier.arrive $0xFFFF  }
0xc1: {  	_ =	shalt  }

// kernel: kernel.24.cloned.1.call-start
scs
__scs_entry_jumppad:
0x0: {  	(pc) =	sbr.rel $0x88, $3  }
0x1: {  	(tag) =	ssettag $0x0;
	lr =	simm.s32 $0x1  }
0x2: {  	[smem:$0x3F97] =	sst lr;
	_ =	strace $0xD0000000  }
0x3: {  	_ = 	snop  }
0x4: {  	_ = 	snop  }
0x5: {  	_ = 	snop  }
0x6: {  	_ = 	snop  }
0x7: {  	_ = 	snop  }
__scs_overlays_trampoline_lowered:
0x8: {  	[smem:$0x3FA6] =	sst s0  }
0x9: {  	[smem:$0x3FA7] =	sst s1  }
0xa: {  	[smem:$0x3FA8] =	sst s2  }
0xb: {  	[smem:$0x3FA9] =	sst s3  }
0xc: {  	[smem:$0x3FAA] =	sst s4  }
0xd: {  	[smem:$0x3FAB] =	sst s5  }
0xe: {  	[smem:$0x3FAC] =	sst s6  }
0xf: {  	[smem:$0x3FAD] =	sst s7  }
0x10: {  	[smem:$0x3FAE] =	sst s8  }
0x11: {  	[smem:$0x3FAF] =	sst s9;
	s0 =	simm.s32 @!p0 $0x0  }
0x12: {  	s1 =	sld [smem:$0x3F95];
	s0 =	simm.s32 @p0 $0x1  }
0x13: {  	[smem:$0x3FB0] =	sst s0;
	s0 =	simm.s32 @!p1 $0x0  }
0x14: {  	s2 =	sld [smem:$0x3F94];
	s0 =	simm.s32 @p1 $0x1  }
0x15: {  	[smem:$0x3FB1] =	sst s0;
	s0 =	simm.s32 @!p2 $0x0  }
0x16: {  	s3 =	sld [smem:$0x3FDB];
	s0 =	simm.s32 @p2 $0x1  }
0x17: {  	s4 =	simm.s32 $0x1BF5;
	[smem:$0x3FB3] =	sst s0  }
0x18: {  	s0 =	sld [smem:$0x3F96];
	_ =	swait.ge [sflag:s4], $0x0  }
0x19: {  	s7 =	sld [smem:$0x3F97]  }
0x1a: {  	s8 =	sadd.s32 $0xFFFFE003, lr  }
0x1b: {  	s9 =	sadd.s32 $0xFFFFFEF7, lr;
	s5 =	simm.s32 $0xFFFFFFFF;
	p2 =	slt.u32 s8, $0xFFFFF086  }
0x1c: {  	p1 =	slt.u32 s9, $0xF7A;
	s5 =	simm.s32 @!p2 $0x0  }
0x1d: {  	s5 =	simm.s32 @p1 $0x1;
	p0 =	seq.s32 s7, s2  }
0x1e: {  	s7 =	smul.u32 @!p0 $0xF7A, s2;
	p2 =	seq.s32 @!p0 s5, $0x0  }
0x1f: {  	s9 =	smul.u32 $0xF7A, s1;
	s8 =	simm.s32 @!p0 $0x1BF5;
	p2 =	por !p2, p0  }
0x20: {  	[sflag:s8] =	ssyncset.s32 @!p0 $0xFFFFF086;
	s6 =	sadd.s32 @!p0 s3, s7;
	s7 =	simm.s32 @!p0 $0x108  }
0x21: {  	s3 =	sadd.s32 s3, s9;
	s6 =	sadd.s32 @!p0 $0x88, s6;
	s7 =	simm.s32 @p2 $0x1082  }
0x22: {  	[simem:s7], [sflag:s8] =	dma.local @!p0 [hbm:s6], $0xF7A  }
0x23: {  	s9 =	sor.u32 $0xD0000000, s2;
	s6 =	simm.s32 $0x108;
	_ =	swait.ge @!p0 [sflag:s8], $0x0  }
0x24: {  	s3 =	sadd.s32 $0x88, s3;
	s6 =	simm.s32 @!p1 $0x1082;
	[sflag:s4] =	ssyncset.s32 $0xFFFFF086  }
0x25: {  	[simem:s6], [sflag:s4] =	dma.local [hbm:s3], $0xF7A  }
0x26: {  	[smem:$0x3F97] =	sst s1;
	(tag) =	ssettag s2;
	_ =	strace s9  }
0x27: {  	s1 =	sld [smem:$0x3FA7]  }
0x28: {  	s2 =	sld [smem:$0x3FA8]  }
0x29: {  	s4 =	sld [smem:$0x3FAA]  }
0x2a: {  	p0 =	seq.s32 s5, $0x0;
	s5 =	sld [smem:$0x3FAB]  }
0x2b: {  	s6 =	sld [smem:$0x3FAC]  }
0x2c: {  	s7 =	sld [smem:$0x3FAD]  }
0x2d: {  	s3 =	simm.s32 $0x108;
	s8 =	sld [smem:$0x3FAE]  }
0x2e: {  	s3 =	simm.s32 @!p0 $0x1082;
	s9 =	sld [smem:$0x3FAF]  }
0x2f: {  	lr =	sadd.s32 s0, s3;
	s0 =	sld [smem:$0x3FA6]  }
0x30: {  	s3 =	sld [smem:$0x3FA9]  }
0x31: {  	[smem:$0x3FB2] =	sst s10  }
0x32: {  	s10 =	sld [smem:$0x3FB0];
	_ =	sdelay $0x3  }
0x33: {  	p0 =	seq.s32 s10, $0x1;
	s10 =	sld [smem:$0x3FB2];
	_ =	sdelay $0x3  }
0x34: {  	[smem:$0x3FB2] =	sst s10  }
0x35: {  	s10 =	sld [smem:$0x3FB1];
	_ =	sdelay $0x3  }
0x36: {  	p1 =	seq.s32 s10, $0x1;
	s10 =	sld [smem:$0x3FB2];
	_ =	sdelay $0x3  }
0x37: {  	[smem:$0x3FB2] =	sst s10  }
0x38: {  	s10 =	sld [smem:$0x3FB3]  }
0x39: {  	_ = 	snop;
	(pc) =	sbr.ind lr, $3  }
0x3a: {  	_ = 	snop  }
0x3b: {  	_ = 	snop  }
0x3c: {  	p2 =	seq.s32 s10, $0x1;
	s10 =	sld [smem:$0x3FB2]  }
0x3d: {  	_ =	shalt  }
0x3e: {  	_ =	shalt  }
0x3f: {  	_ =	shalt  }
0x40: {  	_ =	shalt  }
0x41: {  	_ =	shalt  }
0x42: {  	_ =	shalt  }
0x43: {  	_ =	shalt  }
0x44: {  	_ =	shalt  }
0x45: {  	_ =	shalt  }
0x46: {  	_ =	shalt  }
0x47: {  	_ =	shalt  }
0x48: {  	_ =	shalt  }
0x49: {  	_ =	shalt  }
0x4a: {  	_ =	shalt  }
0x4b: {  	_ =	shalt  }
0x4c: {  	_ =	shalt  }
0x4d: {  	_ =	shalt  }
0x4e: {  	_ =	shalt  }
0x4f: {  	_ =	shalt  }
0x50: {  	_ =	shalt  }
0x51: {  	_ =	shalt  }
0x52: {  	_ =	shalt  }
0x53: {  	_ =	shalt  }
0x54: {  	_ =	shalt  }
0x55: {  	_ =	shalt  }
0x56: {  	_ =	shalt  }
0x57: {  	_ =	shalt  }
0x58: {  	_ =	shalt  }
0x59: {  	_ =	shalt  }
0x5a: {  	_ =	shalt  }
0x5b: {  	_ =	shalt  }
0x5c: {  	_ =	shalt  }
0x5d: {  	_ =	shalt  }
0x5e: {  	_ =	shalt  }
0x5f: {  	_ =	shalt  }
0x60: {  	_ =	shalt  }
0x61: {  	_ =	shalt  }
0x62: {  	_ =	shalt  }
0x63: {  	_ =	shalt  }
0x64: {  	_ =	shalt  }
0x65: {  	_ =	shalt  }
0x66: {  	_ =	shalt  }
0x67: {  	_ =	shalt  }
0x68: {  	_ =	shalt  }
0x69: {  	_ =	shalt  }
0x6a: {  	_ =	shalt  }
0x6b: {  	_ =	shalt  }
0x6c: {  	_ =	shalt  }
0x6d: {  	_ =	shalt  }
0x6e: {  	_ =	shalt  }
0x6f: {  	_ =	shalt  }
0x70: {  	_ =	shalt  }
0x71: {  	_ =	shalt  }
0x72: {  	_ =	shalt  }
0x73: {  	_ =	shalt  }
0x74: {  	_ =	shalt  }
0x75: {  	_ =	shalt  }
0x76: {  	_ =	shalt  }
0x77: {  	_ =	shalt  }
0x78: {  	_ =	shalt  }
0x79: {  	_ =	shalt  }
0x7a: {  	_ =	shalt  }
0x7b: {  	_ =	shalt  }
0x7c: {  	_ =	shalt  }
0x7d: {  	_ =	shalt  }
0x7e: {  	_ =	shalt  }
0x7f: {  	_ =	shalt  }
0x80: {  	_ =	shalt  }
0x81: {  	_ =	shalt  }
0x82: {  	_ =	shalt  }
0x83: {  	_ =	shalt  }
0x84: {  	_ =	shalt  }
0x85: {  	_ =	shalt  }
0x86: {  	_ =	shalt  }
0x87: {  	_ =	shalt  }
.Lfunc_end0:
.L_simem_size_0:
called_computation.4_lowered:
.L_overlay_start_0:
0x88: {  	s2 =	sld [smem:$0x3FD9]  }
0x89: {  	s3 =	sld [smem:$0x3FFE];
	_ =	sdelay $0x1  }
0x8a: {  	s1 =	srdreg.scid  }
0x8b: {  	s0 =	sand.u32 $0x1, s1  }
0x8c: {  	s17 =	sshll.u32 s0, $0xA;
	s2 =	sadd.s32 s3, s2  }
0x8d: {  	s2 =	sadd.s32 s2, s17  }
0x8e: {  	[smem:$0x3FBE] =	sst s2  }
0x8f: {  	_ = 	snop  }
0x90: {  	s2 =	sld [smem:$0x3FD0];
	(tm) =	ssettm $0x1  }
0x91: {  	s18 =	sld [smem:$0x3FFB];
	_ =	sdelay $0x3  }
0x92: {  	_ =	strace s18  }
0x93: {  	s3 =	sld [smem:$0x3FFC];
	_ =	sdelay $0x3  }
0x94: {  	_ =	strace s3  }
0x95: {  	s3 =	sld [smem:$0x3FFD];
	_ =	sdelay $0x3  }
0x96: {  	_ =	strace s3  }
0x97: {  	_ =	strace $0x8FFFFFFF  }
0x98: {  	s19 =	sld [smem:$0x3FDB];
	_ =	sdelay $0x1  }
0x99: {  	s4 =	simm.s32 $_scs_section_size  }
0x9a: {  	s5 =	simm.s32 $_size__tile_overlayer_lowered;
	s6 =	simm.s32 $_tile_overlayer_lowered  }
0x9b: {  	s22 =	simm.s32 $0x1BFF;
	s21 =	sshll.u32 s6, $0x1;
	s3 =	sadd.s32 s4, s19  }
0x9c: {  	s7 =	simm.s32 $0x0;
	s20 =	sshll.u32 s5, $0x1;
	s5 =	sadd.s32 s21, s3  }
0x9d: {  	[timem:s7], [sflag:s22] =	dma.local [hbm:s5], s20  }
0x9e: {  	_ =	swait.ge [sflag:s22], s20  }
0x9f: {  	s4 =	ssub.s32 $0x0, s20;
	[sflag:s22] =	ssyncset.done $0x0  }
0xa0: {  	[sflag:s22] =	ssyncadd.s32 s4;
	_ =	sdelay $0x1  }
0xa1: {  	s23 =	simm.s32 $0x1B8B  }
0xa2: {  	_ =	swait.ge [sflag:s23], $0x1  }
0xa3: {  	[sflag:s23] =	ssyncset.done $0x0  }
0xa4: {  	s25 =	simm.s32 $0x1B8E;
	s24 =	sld [smem:$0x3FFE];
	[sflag:s23] =	ssyncadd.s32 $0xFFFFFFFF  }
0xa5: {  	s26 =	simm.s32 $execute0_lowered;
	[smem:$0x3FD2] =	sst s25  }
0xa6: {  	s5 =	sshll.u32 s26, $0x1;
	_ =	strace $0x80000052;
	[dreg:$0x1] =	wrdreg $0xFFFFFFFF  }
0xa7: {  	s28 =	simm.s32 $_size_execute0_lowered;
	s3 =	sadd.s32 s3, s5;
	[dreg:$0x0] =	wrdreg $0x0  }
0xa8: {  	s5 =	sshll.u32 s28, $0x1;
	[dreg:$0x2] =	wrdreg s3  }
0xa9: {  	[dreg:$0x3] =	wrdreg s5  }
0xaa: {  	[dreg:$0x4] =	wrdreg $0xC0  }
0xab: {  	_ =	task [dreg:s7], $0x5FFFF  }
0xac: {  	[dreg:$0x1] =	wrdreg $0xFFFFFFFF  }
0xad: {  	[dreg:$0x0] =	wrdreg $0x60  }
0xae: {  	[dreg:$0x2] =	wrdreg s2  }
0xaf: {  	[dreg:$0x3] =	wrdreg s24  }
0xb0: {  	[dreg:$0x4] =	wrdreg $0x83400  }
0xb1: {  	[dreg:$0x5] =	wrdreg $0x9  }
0xb2: {  	_ =	task.clear_ibuf [dreg:s7], $0x6FFFF;
	_ =	strace $0x90000052  }
0xb3: {  	s29 =	simm.s32 $0x9;
	_ =	strace $0x80000054  }
0xb4: {  	_ =	swait.ge [sflag:s29], $0x1  }
0xb5: {  	[sflag:s29] =	ssyncadd.s32 $0xFFFFFFFF  }
0xb6: {  	_ =	strace $0x90000054  }
0xb7: {  	_ =	sfence  }
0xb8: {  	s30 =	sld [smem:$0x0];
	_ =	sdelay $0x2  }
0xb9: {  	s31 =	sshll.u32 s1, $0xD;
	s1 =	sshrl.u32 s1, $0x2  }
0xba: {  	s3 =	sand.u32 $0x4000, s31;
	s1 =	sadd.s32 s1, s30  }
0xbb: {  	s0 =	sor.u32 s3, s0;
	s1 =	sshll.u32 s1, $0x11  }
0xbc: {  	s0 =	sor.u32 s1, s0  }
0xbd: {  	s0 =	sadd.s32 $0x8F2B, s0  }
0xbe: {  	[sflag:s0] =	ssyncadd.remote.s32 $0x1  }
0xbf: {  	_ =	sfence.sel $0xFFFF  }
0xc0: {  	[dreg:$0x0] =	wrdreg $0xFFFFFFFF;
	(pc) =	sbr.abs _section_cstart, $3  }
0xc1: {  	[dreg:$0x1] =	wrdreg $0xFFFFFFFF  }
0xc2: {  	_ =	task.clear_ibuf [dreg:s7], $0x2FFFF;
	_ =	strace $0x9FFFFFFF  }
0xc3: {  	(tm) =	ssettm $0x7FFFFFFF  }
tec
execute0_lowered:
.L_overlay_start_1:
0x0: {  	(tag) =	ssettag $0x1  }
0x1: {  	s1 =	rddreg [dreg:$0x0]  }
0x2: {  	s2 =	srdreg.scid;
	s6 =	rddreg [dreg:$0x1]  }
0x3: {  	s0 =	stileid.u32;
	s3 =	rddreg [dreg:$0x2];
	s4 =	simm.s32 $0x0  }
0x4: {  	s14 =	simm.s32 $0x64;
	s15 =	simm.s32 $0x5140;
	s16 =	simm.s32 $0x6A40  }
0x5: {  	s17 =	simm.s32 $0x1;
	s18 =	simm.s32 $0x2;
	s19 =	simm.s32 $0x2838  }
0x6: {  	s20 =	simm.s32 $0x5070;
	s21 =	simm.s32 $0x50D8;
	s22 =	simm.s32 $0x0  }
0x7: {  	s5 =	sand.u32 $0x1, s2;
	s31 =	sshll.u32 s0, $0x1;
	s8 =	smul.u32 $0x9C40, s0  }
0x8: {  	[smem:$0x7FF] =	sst s4;
	s12 =	sshll.u32 s0, $0x6;
	s2 =	sor.u32 s5, s31  }
0x9: {  	s9 =	smul.u32 $0x9C400, s5;
	s10 =	ssub.s32 $0x2, s5;
	s5 =	sadd.s32 $0x3A00, s6  }
0xa: {  	s12 =	sor.u32 $0x1C03, s12;
	s7 =	smul.u32 $0x514, s2;
	s2 =	rddreg [dreg:$0x3]  }
0xb: {  	_ =	strace $0x80000053;
	s11 =	sshrl.u32 s10, $0x1;
	s13 =	sadd.s32 s8, s3  }
0xc: {  	s9 =	sadd.s32 s8, s9;
	s10 =	ssub.s32 s10, s11;
	s11 =	simm.s32 $0x28A0  }
0xd: {  	s13 =	sshrl.u32 s13, $0x3;
	s7 =	sadd.s32 s7, s6;
	s9 =	sshrl.u32 s9, $0x3  }
0xe: {  	s9 =	sadd.s32 s9, s6;
	s6 =	sadd.s32 $0x17C00, s7;
	s7 =	sadd.s32 $0xD800, s7  }
0xf: {  	s8 =	sadd.s32 $0x22000, s9;
	s9 =	smax.u32 s10, $0x1;
	s10 =	simm.s32 $0x3  }
.LBB2_1:
0x10: {  	[tilespmem:s4], [sflag:$0x3] =	stream.linear.gather [hbm4b:s6+s4], $0x28A0, $0x38;
	[tilespmem:$0x11F80] =	vst v63  }
0x11: {  	_ =	swait.ge [sflag:s10], $0x28A0  }
0x12: {  	[sflag:s10] =	ssyncset.done $0x0  }
0x13: {  	[sflag:s10] =	ssyncadd.s32 $0xFFFFD760  }
0x14: {  	[tilespmem:s11], [sflag:$0x3] =	stream.linear.gather [hbm4b:s7+s4], $0x28A0, $0x38;
	[tilespmem:$0x11F80] =	vst v63  }
0x15: {  	_ =	swait.ge [sflag:s10], $0x28A0  }
0x16: {  	[sflag:s10] =	ssyncset.done $0x0  }
0x17: {  	[sflag:s10] =	ssyncadd.s32 $0xFFFFD760  }
0x18: {  	[spmem:s13], [sflag:s12] =	dma.local [hbm:s5], $0x1388  }
0x19: {  	_ =	swait.ge [sflag:s10], $0x1388  }
0x1a: {  	[sflag:s10] =	ssyncset.done $0x0  }
0x1b: {  	[sflag:s10] =	ssyncadd.s32 $0xFFFFEC78  }
0x1c: {  	[bflag:$0x0] =	sbarrier.arrive $0xFFFF  }
0x1d: {  	[tilespmem:s15], [sflag:$0x1] =	stream.indirect.gather [hbm4b:s1+s14], $0x40, s4, s14, $0xb8;
	[tilespmem:$0x11F80] =	vst v63  }
0x1e: {  	s23 =	simm.s32 $0x68  }
0x1f: {  	[tilespmem:s16], [sflag:$0x2] =	stream.indirect.gather [hbm4b:s1+s14], $0x40, s23, s14, $0xb8;
	[tilespmem:$0x11F80] =	vst v63  }
0x20: {  	_ =	swait.ge [sflag:s17], $0x1900  }
0x21: {  	[sflag:s17] =	ssyncset.done $0x0  }
0x22: {  	s29 =	simm.s32 $0x28A0;
	[sflag:s17] =	ssyncadd.s32 $0xFFFFE700  }
0x23: {  	[spmem:s3] =	stream.indirect.scatter.add.f32 [tilespmem:s15], [sflag:$0x3], $0x40, s29, s14, $0xb8;
	[tilespmem:$0x11F80] =	vst v63  }
0x24: {  	_ =	swait.ge [sflag:s10], $0x1900  }
0x25: {  	[sflag:s10] =	ssyncset.done $0x0  }
0x26: {  	s30 =	simm.s32 $0xD0;
	[sflag:s10] =	ssyncadd.s32 $0xFFFFE700  }
0x27: {  	[tilespmem:s15], [sflag:$0x1] =	stream.indirect.gather [hbm4b:s1+s14], $0x40, s30, s14, $0xb8;
	[tilespmem:$0x11F80] =	vst v63  }
0x28: {  	_ =	swait.ge [sflag:s18], $0x1900  }
0x29: {  	[sflag:s18] =	ssyncset.done $0x0  }
0x2a: {  	s31 =	simm.s32 $0x2908;
	[sflag:s18] =	ssyncadd.s32 $0xFFFFE700  }
0x2b: {  	[spmem:s3] =	stream.indirect.scatter.add.f32 [tilespmem:s16], [sflag:$0x3], $0x40, s31, s14, $0xb8;
	[tilespmem:$0x11F80] =	vst v63  }
0x2c: {  	_ =	swait.ge [sflag:s10], $0x1900  }
0x2d: {  	s24 =	simm.s32 $0x680;
	s23 =	simm.s32 $0xD0;
	[sflag:s10] =	ssyncset.done $0x0  }
.LBB2_2:
0x2e: {  	s25 =	sadd.s32 $0x68, s23  }
0x2f: {  	[sflag:s10] =	ssyncadd.s32 $0xFFFFE700;
	s26 =	smov.u32 s24;
	s28 =	sadd.s32 $0x340, s24  }
0x30: {  	[tilespmem:s16], [sflag:$0x2] =	stream.indirect.gather [hbm4b:s1+s14], $0x40, s25, s14, $0xb8;
	[tilespmem:$0x11F80] =	vst v63  }
0x31: {  	p0 =	sne.s32 s24, $0x9C00;
	_ =	swait.ge [sflag:s17], $0x1900  }
0x32: {  	[sflag:s17] =	ssyncset.done $0x0  }
0x33: {  	s24 =	sadd.s32 $0x28A0, s23;
	[sflag:s17] =	ssyncadd.s32 $0xFFFFE700  }
0x34: {  	[spmem:s3] =	stream.indirect.scatter.add.f32 [tilespmem:s15], [sflag:$0x3], $0x40, s24, s14, $0xb8;
	[tilespmem:$0x11F80] =	vst v63  }
0x35: {  	_ =	swait.ge [sflag:s10], $0x1900  }
0x36: {  	[sflag:s10] =	ssyncset.done $0x0  }
0x37: {  	s24 =	sadd.s32 $0xD0, s23;
	[sflag:s10] =	ssyncadd.s32 $0xFFFFE700  }
0x38: {  	[tilespmem:s15], [sflag:$0x1] =	stream.indirect.gather [hbm4b:s1+s14], $0x40, s24, s14, $0xb8;
	[tilespmem:$0x11F80] =	vst v63  }
0x39: {  	_ =	swait.ge [sflag:s18], $0x1900  }
.Ltmp0:
0x3a: {  	[sflag:s18] =	ssyncset.done $0x0;
	(pc) =	sbr.rel @p0 .LBB2_2-.Ltmp0, $4  }
0x3b: {  	s23 =	sadd.s32 $0x2908, s23;
	[sflag:s18] =	ssyncadd.s32 $0xFFFFE700  }
0x3c: {  	[spmem:s3] =	stream.indirect.scatter.add.f32 [tilespmem:s16], [sflag:$0x3], $0x40, s23, s14, $0xb8;
	[tilespmem:$0x11F80] =	vst v63  }
0x3d: {  	_ =	swait.ge [sflag:s10], $0x1900  }
0x3e: {  	s24 =	smov.u32 s28;
	s23 =	sshra.s32 s26, $0x2;
	[sflag:s10] =	ssyncset.done $0x0  }
0x3f: {  	s24 =	sadd.s32 $0x68, s23;
	[sflag:s10] =	ssyncadd.s32 $0xFFFFE700  }
0x40: {  	[tilespmem:s16], [sflag:$0x2] =	stream.indirect.gather [hbm4b:s1+s14], $0x40, s24, s14, $0xb8;
	[tilespmem:$0x11F80] =	vst v63  }
0x41: {  	_ =	swait.ge [sflag:s17], $0x1900  }
0x42: {  	[sflag:s17] =	ssyncset.done $0x0  }
0x43: {  	s29 =	sadd.s32 $0x28A0, s23;
	[sflag:s17] =	ssyncadd.s32 $0xFFFFE700  }
0x44: {  	[spmem:s3] =	stream.indirect.scatter.add.f32 [tilespmem:s15], [sflag:$0x3], $0x40, s29, s14, $0xb8;
	[tilespmem:$0x11F80] =	vst v63  }
0x45: {  	_ =	swait.ge [sflag:s10], $0x1900  }
0x46: {  	[sflag:s10] =	ssyncset.done $0x0  }
0x47: {  	s30 =	sadd.s32 $0xD0, s23;
	[sflag:s10] =	ssyncadd.s32 $0xFFFFE700  }
0x48: {  	[tilespmem:s15], [sflag:$0x1] =	stream.indirect.gather [hbm4b:s1+s14], $0x40, s30, s14, $0xb8;
	[tilespmem:$0x11F80] =	vst v63  }
0x49: {  	_ =	swait.ge [sflag:s18], $0x1900  }
0x4a: {  	[sflag:s18] =	ssyncset.done $0x0  }
0x4b: {  	s31 =	sadd.s32 $0x2908, s23;
	[sflag:s18] =	ssyncadd.s32 $0xFFFFE700  }
0x4c: {  	[spmem:s3] =	stream.indirect.scatter.add.f32 [tilespmem:s16], [sflag:$0x3], $0x40, s31, s14, $0xb8;
	[tilespmem:$0x11F80] =	vst v63  }
0x4d: {  	_ =	swait.ge [sflag:s10], $0x1900  }
0x4e: {  	[sflag:s10] =	ssyncset.done $0x0  }
0x4f: {  	[sflag:s10] =	ssyncadd.s32 $0xFFFFE700  }
0x50: {  	[tilespmem:s16], [sflag:$0x2] =	stream.indirect.gather [hbm4b:s1+s14], $0x40, s19, s14, $0xb8;
	[tilespmem:$0x11F80] =	vst v63  }
0x51: {  	_ =	swait.ge [sflag:s17], $0x1900  }
0x52: {  	[sflag:s17] =	ssyncset.done $0x0  }
0x53: {  	[sflag:s17] =	ssyncadd.s32 $0xFFFFE700  }
0x54: {  	[spmem:s3] =	stream.indirect.scatter.add.f32 [tilespmem:s15], [sflag:$0x3], $0x40, s20, s14, $0xb8;
	[tilespmem:$0x11F80] =	vst v63  }
0x55: {  	_ =	swait.ge [sflag:s10], $0x1900  }
0x56: {  	[sflag:s10] =	ssyncset.done $0x0  }
0x57: {  	[sflag:s10] =	ssyncadd.s32 $0xFFFFE700  }
0x58: {  	_ =	swait.ge [sflag:s18], $0x1900  }
0x59: {  	[sflag:s18] =	ssyncset.done $0x0  }
0x5a: {  	[sflag:s18] =	ssyncadd.s32 $0xFFFFE700  }
0x5b: {  	[spmem:s3] =	stream.indirect.scatter.add.f32 [tilespmem:s16], [sflag:$0x3], $0x40, s21, s14, $0xb8;
	[tilespmem:$0x11F80] =	vst v63  }
0x5c: {  	_ =	swait.ge [sflag:s10], $0x1900  }
0x5d: {  	s22 =	sadd.s32 $0x1, s22;
	[sflag:s10] =	ssyncset.done $0x0  }
0x5e: {  	p0 =	sne.s32 s22, s9;
	[sflag:s10] =	ssyncadd.s32 $0xFFFFE700  }
.Ltmp1:
0x5f: {  	[bflag:$0x0] =	sbarrier.arrive $0xFFFF;
	(pc) =	sbr.rel @p0 .LBB2_1-.Ltmp1, $4  }
0x60: {  	[hbm:s8], [sflag:s12] =	dma.local [spmem:s13], $0x1388  }
0x61: {  	_ =	swait.ge [sflag:s10], $0x1388  }
0x62: {  	[sflag:s10] =	ssyncset.done $0x0  }
0x63: {  	[sflag:s10] =	ssyncadd.s32 $0xFFFFEC78  }
0x64: {  	_ =	sfence.sel $0x180000  }
0x65: {  	[bflag:$0x0] =	sbarrier.arrive $0xFFFF  }
0x66: {  	p0 =	sne.s32 s0, $0x0;
	_ =	strace $0x90000053  }
0x67: {  	s0 =	sadd.s32 @!p0 $0x100000, s2;
	[bflag:$0x2] =	sbarrier.arrive $0xFFFF  }
0x68: {  	[sflag:s0] =	ssyncadd.tile.s32 @!p0 $0x1;
	_ =	shalt  }
.Lfunc_end2:
_tile_overlayer_lowered:
.L_overlay_start_2:
0x69: {  	(tag) =	ssettag $0x2  }
0x6a: {  	s0 =	rddreg [dreg:$0x0];
	s2 =	stileid.u32  }
0x6b: {  	s1 =	rddreg [dreg:$0x1];
	p0 =	sne.s32 s2, $0x0  }
0x6c: {  	s3 =	rddreg [dreg:$0x2];
	[bflag:$0x3] =	sbarrier.arrive $0xFFFF;
	s2 =	simm.s32 @!p0 $0x1C03  }
0x6d: {  	[timem:s3], [sflag:s2] =	dma.local @!p0 [hbm:s0], s1  }
0x6e: {  	s0 =	simm.s32 @!p0 $0x3  }
0x6f: {  	_ =	swait.ge @!p0 [sflag:s0], s1  }
0x70: {  	s1 =	ssub.s32 @!p0 $0x0, s1;
	[sflag:s0] =	ssyncset.done @!p0 $0x0  }
0x71: {  	[sflag:s0] =	ssyncadd.s32 @!p0 s1  }
0x72: {  	[bflag:$0x3] =	sbarrier.arrive $0xFFFF  }
0x73: {  	_ =	shalt  }

</sc_bundles>
